<compile_context>
chip_gen: v7x
topology: tpu7x:2x2x1
jax: 0.10.2.dev20260603
libtpu: 0.0.44.dev20260713+nightly
codegen_flags: <defaults>
</compile_context>

<pallas_src>
import jax
import jax.numpy as jnp
from jax import lax
from jax.experimental import pallas as pl
from jax.experimental.pallas import tpu as pltpu
from jax.experimental.pallas import tpu_sc as plsc

VOCAB = 100000
DIM = 64
B = 16384
X_MAX = 100.0
ALPHA = 0.75

NC = 2
NS = 16
L = 16
NW = NC * NS
BPW = B // NW
GROUPS = BPW // L
CHUNK = 128
NCHUNK = BPW // CHUNK

LN2 = 0.6931471805599453
LN_XMAX = 4.605170185988092
SQRT2 = 1.4142135623730951


def _ln16(x):
    bits = plsc.bitcast(x, jnp.int32)
    e = (bits >> 23) - 127
    m = plsc.bitcast((bits & 0x007FFFFF) | 0x3F800000, jnp.float32)
    big = m >= SQRT2
    m = jnp.where(big, m * 0.5, m)
    e = jnp.where(big, e + 1, e)
    s = (m - 1.0) / (m + 1.0)
    s2 = s * s
    p = 2.0 * s * (1.0 + s2 * (1.0 / 3.0 + s2 * (1.0 / 5.0 + s2 * (1.0 / 7.0 + s2 * (1.0 / 9.0)))))
    return e.astype(jnp.float32) * LN2 + p


CPW = 3200
CPW_LAST = VOCAB - 31 * CPW


def _compact_body(bi_hbm, bj_hbm, bi1_out, bj1_out, bv, bw, ov, ow):
    c = lax.axis_index("c")
    s = lax.axis_index("s")
    wid = s * NC + c
    a0 = wid * CPW
    lane = lax.iota(jnp.int32, L)
    zero16 = jnp.zeros((L,), jnp.int32)

    def emit(n):
        pltpu.sync_copy(bi_hbm.at[pl.ds(a0, n), :], bv.at[pl.ds(0, n)])
        pltpu.sync_copy(bj_hbm.at[pl.ds(a0, n), :], bw.at[pl.ds(0, n)])

        def pack(g, carry):
            pid = lane + g * L
            ov[pl.ds(g * L, L)] = plsc.load_gather(bv, [pid, zero16])
            ow[pl.ds(g * L, L)] = plsc.load_gather(bw, [pid, zero16])
            return carry

        lax.fori_loop(0, n // L, pack, 0)
        pltpu.sync_copy(ov.at[pl.ds(0, n)], bi1_out.at[pl.ds(a0, n)])
        pltpu.sync_copy(ow.at[pl.ds(0, n)], bj1_out.at[pl.ds(a0, n)])

    @pl.when(wid < NW - 1)
    def _():
        emit(CPW)

    @pl.when(wid == NW - 1)
    def _():
        emit(CPW_LAST)


_compact_call = pl.kernel(
    _compact_body,
    out_type=[jax.ShapeDtypeStruct((VOCAB,), jnp.float32),
              jax.ShapeDtypeStruct((VOCAB,), jnp.float32)],
    mesh=plsc.VectorSubcoreMesh(core_axis_name="c", subcore_axis_name="s",
                                num_cores=NC, num_subcores=NS),
    compiler_params=pltpu.CompilerParams(needs_layout_passes=False,
                                         use_tc_tiling_on_sc=False),
    scratch_types=[
        pltpu.VMEM((CPW, 1), jnp.float32),
        pltpu.VMEM((CPW, 1), jnp.float32),
        pltpu.VMEM((CPW,), jnp.float32),
        pltpu.VMEM((CPW,), jnp.float32),
    ],
)


def _glove_body(ii_hbm, jj_hbm, x_hbm, wi_hbm, wj_hbm, bi_hbm, bj_hbm,
                out_hbm,
                ii_v, jj_v, x_v, wi_rows, wj_rows, bi_g, bj_g,
                accv, idx16_v, acc_shared, sem):
    c = lax.axis_index("c")
    s = lax.axis_index("s")
    wid = s * NC + c
    base = wid * BPW

    for k in range(NCHUNK):
        pltpu.sync_copy(ii_hbm.at[pl.ds(base + k * CHUNK, CHUNK)], ii_v.at[k])
        pltpu.sync_copy(jj_hbm.at[pl.ds(base + k * CHUNK, CHUNK)], jj_v.at[k])
    pltpu.sync_copy(x_hbm.at[pl.ds(base, BPW)], x_v)

    copies = []
    for k in range(NCHUNK):
        copies.append(pltpu.async_copy(
            wi_hbm.at[ii_v.at[k]], wi_rows.at[pl.ds(k * CHUNK, CHUNK)], sem))
        copies.append(pltpu.async_copy(
            wj_hbm.at[jj_v.at[k]], wj_rows.at[pl.ds(k * CHUNK, CHUNK)], sem))
        copies.append(pltpu.async_copy(
            bi_hbm.at[ii_v.at[k]], bi_g.at[pl.ds(k * CHUNK, CHUNK)], sem))
        copies.append(pltpu.async_copy(
            bj_hbm.at[jj_v.at[k]], bj_g.at[pl.ds(k * CHUNK, CHUNK)], sem))
    for cp in copies:
        cp.wait()

    lane = lax.iota(jnp.int32, L)
    zero16 = jnp.zeros((L,), jnp.int32)

    def group(g, acc):
        pid = lane + g * L
        dots = jnp.zeros((L,), jnp.float32)
        for col in range(DIM):
            ci = jnp.full((L,), col, jnp.int32)
            a = plsc.load_gather(wi_rows, [pid, ci])
            b = plsc.load_gather(wj_rows, [pid, ci])
            dots = dots + a * b
        bgi = bi_g[pl.ds(g * L, L)]
        bgj = bj_g[pl.ds(g * L, L)]
        xg = x_v[pl.ds(g * L, L)]
        lnx = _ln16(xg)
        diff = dots + bgi + bgj - lnx
        diff = jnp.where(diff != diff, 0.0, diff)
        diff = jnp.where(jnp.abs(diff) == jnp.inf, 0.0, diff)
        fw = jnp.where(xg > X_MAX, 1.0, jnp.exp(ALPHA * (lnx - LN_XMAX)))
        return acc + 0.5 * fw * diff * diff

    acc = lax.fori_loop(0, GROUPS, group, jnp.zeros((L,), jnp.float32))

    accv[...] = acc
    idx16_v[...] = lane

    @pl.when(s == 0)
    def _():
        pltpu.sync_copy(accv, acc_shared)

    plsc.subcore_barrier()

    @pl.when(s != 0)
    def _():
        pltpu.sync_copy(accv, acc_shared.at[idx16_v], add=True)

    plsc.subcore_barrier()

    @pl.when(s == 0)
    def _():
        pltpu.sync_copy(acc_shared, accv)
        pltpu.sync_copy(accv, out_hbm.at[c])


_glove_call = pl.kernel(
    _glove_body,
    out_type=jax.ShapeDtypeStruct((NC, L), jnp.float32),
    mesh=plsc.VectorSubcoreMesh(core_axis_name="c", subcore_axis_name="s",
                                num_cores=NC, num_subcores=NS),
    compiler_params=pltpu.CompilerParams(needs_layout_passes=False,
                                         use_tc_tiling_on_sc=False),
    scratch_types=[
        pltpu.VMEM((NCHUNK, CHUNK), jnp.int32),
        pltpu.VMEM((NCHUNK, CHUNK), jnp.int32),
        pltpu.VMEM((BPW,), jnp.float32),
        pltpu.VMEM((BPW, DIM), jnp.float32),
        pltpu.VMEM((BPW, DIM), jnp.float32),
        pltpu.VMEM((BPW,), jnp.float32),
        pltpu.VMEM((BPW,), jnp.float32),
        pltpu.VMEM((L,), jnp.float32),
        pltpu.VMEM((L,), jnp.int32),
        pltpu.VMEM_SHARED((L,), jnp.float32),
        pltpu.SemaphoreType.DMA,
    ],
)


@jax.jit
def kernel(i_indices, j_indices, x_ij, wi, wj, bi, bj):
    bi1, bj1 = _compact_call(bi, bj)
    part = _glove_call(i_indices.astype(jnp.int32), j_indices.astype(jnp.int32),
                       x_ij, wi, wj, bi1, bj1)
    return jnp.sum(part) * (1.0 / B)

# --- scband reference (transcript-rebuilt; emitter-appended) ---
"""Pipeline reference for scband-glove-model-69114613730053 (READ-ONLY COPY).

The authoritative reference and input builder live on the scoring server;
editing this copy changes nothing except your own understanding.
"""

import jax, jax.numpy as jnp
import numpy as np

VOCAB = 100000
DIM = 64
B = 16384
X_MAX = 100.0
ALPHA = 0.75


def setup_inputs(seed: int = 0) -> dict:
    key = jax.random.key(seed)
    ks = jax.random.split(key, 8)
    iw = 0.5 / DIM
    iwb = 0.5 / 1.0
    wi = jax.random.uniform(ks[0], (VOCAB, DIM), minval=-iw, maxval=iw, dtype=jnp.float32)
    wj = jax.random.uniform(ks[1], (VOCAB, DIM), minval=-iw, maxval=iw, dtype=jnp.float32)
    bi = jax.random.uniform(ks[2], (VOCAB, 1), minval=-iwb, maxval=iwb, dtype=jnp.float32)
    bj = jax.random.uniform(ks[3], (VOCAB, 1), minval=-iwb, maxval=iwb, dtype=jnp.float32)
    i_indices = jax.random.randint(ks[4], (B,), 0, VOCAB, dtype=jnp.int64 if jax.config.jax_enable_x64 else jnp.int32)
    j_indices = jax.random.randint(ks[5], (B,), 0, VOCAB, dtype=jnp.int64 if jax.config.jax_enable_x64 else jnp.int32)
    x_ij = jax.random.uniform(ks[6], (B,), dtype=jnp.float32)
    return {"i_indices": i_indices, "j_indices": j_indices, "x_ij": x_ij,
            "wi": wi, "wj": wj, "bi": bi, "bj": bj}


def reference(i_indices, j_indices, x_ij, wi, wj, bi, bj):
    # Embedding lookups (gathers)
    w_i = jnp.take(wi, i_indices, axis=0)
    w_j = jnp.take(wj, j_indices, axis=0)
    b_i = jnp.take(bi, i_indices, axis=0)[:, 0]
    b_j = jnp.take(bj, j_indices, axis=0)[:, 0]
    # glove.forward math
    diff = jnp.sum(w_i * w_j, axis=1)
    diff = diff + b_i + b_j - jnp.log(x_ij)
    diff = jnp.where(jnp.isnan(diff), 0.0, diff)
    diff = jnp.where(jnp.isinf(diff), 0.0, diff)
    fdiff = jnp.where(x_ij > X_MAX, diff, jnp.power(x_ij / X_MAX, ALPHA) * diff)
    batch_cost = fdiff * diff * 0.5
    return jnp.mean(batch_cost)

if __name__ == "__main__":
    import jax
    _d = setup_inputs()
    print(jax.jit(kernel)(*tuple(_d.values())))

</pallas_src>

<mosaic_0001>
#map = affine_map<(d0, d1) -> (0, 0)>
#map1 = affine_map<(d0, d1) -> (0)>
module attributes {stable_mosaic.version = 14 : i64} {
  func.func @_compact_body(%arg0: i32, %arg1: i32, %arg2: memref<100000x1xf32, #tpu.memory_space<hbm>>, %arg3: memref<100000x1xf32, #tpu.memory_space<hbm>>, %arg4: memref<100000xf32, #tpu.memory_space<hbm>>, %arg5: memref<100000xf32, #tpu.memory_space<hbm>>, %arg6: memref<3200x1xf32, #tpu.memory_space<vmem>>, %arg7: memref<3200x1xf32, #tpu.memory_space<vmem>>, %arg8: memref<3200xf32, #tpu.memory_space<vmem>>, %arg9: memref<3200xf32, #tpu.memory_space<vmem>>) attributes {dimension_semantics = [#tpu.dimension_semantics<core_parallel>, #tpu.dimension_semantics<subcore_parallel>], iteration_bounds = array<i64: 2, 16>, scalar_prefetch = 0 : i64, scratch_operands = 4 : i64, tpu.core_type = #tpu.core_type<sc_vector_subcore>, window_params = [{transform_indices = #map}, {transform_indices = #map}, {transform_indices = #map1}, {transform_indices = #map1}]} {
    %mul3A = arith.constant 2 : i32
    %mul3A_0 = arith.muli %arg1, %mul3A : i32
    %add3A = arith.addi %mul3A_0, %arg0 : i32
    %mul3A_1 = arith.constant 3200 : i32
    %mul3A_2 = arith.muli %add3A, %mul3A_1 : i32
    %iota3A = tpu.iota {dimensions = array<i32: 0>} : vector<16xi32>
    %broadcast_in_dim3A = arith.constant 0 : i32
    %broadcast_in_dim3A_3 = vector.broadcast %broadcast_in_dim3A : i32 to vector<16xi32>
    %lt3A = arith.constant 31 : i32
    %lt3A_4 = arith.cmpi slt, %add3A, %lt3A : i32
    %convert_element_type3A = arith.extui %lt3A_4 : i1 to i32
    %cond3A = arith.constant 0 : i32
    %cond3A_5 = arith.cmpi ne, %convert_element_type3A, %cond3A : i32
    scf.if %cond3A_5 {
      "tpu.region"() ({
        %run_scoped3A = tpu.sem_alloc : memref<!tpu.dma_semaphore, #tpu.memory_space<semaphore_mem>>
        %dma_start3A = arith.constant 0 : i32
        %dma_start3A_15 = arith.constant 0 : i32
        %dma_start3A_16 = tpu.memref_slice %arg6[%dma_start3A, %dma_start3A_15] : memref<3200x1xf32, #tpu.memory_space<vmem>> -> memref<3200x1xf32, #tpu.memory_space<vmem>>
        %dma_start3A_17 = arith.constant 0 : i32
        %dma_start3A_18 = tpu.memref_slice %arg2[%mul3A_2, %dma_start3A_17] : memref<100000x1xf32, #tpu.memory_space<hbm>> -> memref<3200x1xf32, #tpu.memory_space<hbm>>
        %dma_start3A_19 = arith.constant 0 : i32
        %dma_start3A_20 = arith.constant 0 : i32
        %dma_start3A_21 = tpu.memref_slice %arg6[%dma_start3A_19, %dma_start3A_20] : memref<3200x1xf32, #tpu.memory_space<vmem>> -> memref<3200x1xf32, #tpu.memory_space<vmem>>
        %dma_start3A_22 = arith.constant 0 : i32
        %dma_start3A_23 = tpu.memref_slice %arg2[%mul3A_2, %dma_start3A_22] : memref<100000x1xf32, #tpu.memory_space<hbm>> -> memref<3200x1xf32, #tpu.memory_space<hbm>>
        tpu.enqueue_dma source(%dma_start3A_23 : memref<3200x1xf32, #tpu.memory_space<hbm>>) target(%dma_start3A_21 : memref<3200x1xf32, #tpu.memory_space<vmem>>) target_semaphore(%run_scoped3A : memref<!tpu.dma_semaphore, #tpu.memory_space<semaphore_mem>>)
        %dma_wait3A = arith.constant 0 : i32
        %dma_wait3A_24 = arith.constant 0 : i32
        %dma_wait3A_25 = tpu.memref_slice %arg6[%dma_wait3A, %dma_wait3A_24] : memref<3200x1xf32, #tpu.memory_space<vmem>> -> memref<3200x1xf32, #tpu.memory_space<vmem>>
        %dma_wait3A_26 = arith.constant 0 : i32
        %dma_wait3A_27 = tpu.memref_slice %arg2[%mul3A_2, %dma_wait3A_26] : memref<100000x1xf32, #tpu.memory_space<hbm>> -> memref<3200x1xf32, #tpu.memory_space<hbm>>
        %dma_wait3A_28 = arith.constant 0 : i32
        %dma_wait3A_29 = arith.constant 0 : i32
        %dma_wait3A_30 = tpu.memref_slice %arg6[%dma_wait3A_28, %dma_wait3A_29] : memref<3200x1xf32, #tpu.memory_space<vmem>> -> memref<3200x1xf32, #tpu.memory_space<vmem>>
        %dma_wait3A_31 = arith.constant 0 : i32
        %dma_wait3A_32 = tpu.memref_slice %arg2[%mul3A_2, %dma_wait3A_31] : memref<100000x1xf32, #tpu.memory_space<hbm>> -> memref<3200x1xf32, #tpu.memory_space<hbm>>
        tpu.wait_dma2 semaphore(%run_scoped3A : memref<!tpu.dma_semaphore, #tpu.memory_space<semaphore_mem>>) src(%dma_wait3A_32 : memref<3200x1xf32, #tpu.memory_space<hbm>>) dst(%dma_wait3A_30 : memref<3200x1xf32, #tpu.memory_space<vmem>>)
        tpu.yield
      }) : () -> ()
      "tpu.region"() ({
        %run_scoped3A = tpu.sem_alloc : memref<!tpu.dma_semaphore, #tpu.memory_space<semaphore_mem>>
        %dma_start3A = arith.constant 0 : i32
        %dma_start3A_15 = arith.constant 0 : i32
        %dma_start3A_16 = tpu.memref_slice %arg7[%dma_start3A, %dma_start3A_15] : memref<3200x1xf32, #tpu.memory_space<vmem>> -> memref<3200x1xf32, #tpu.memory_space<vmem>>
        %dma_start3A_17 = arith.constant 0 : i32
        %dma_start3A_18 = tpu.memref_slice %arg3[%mul3A_2, %dma_start3A_17] : memref<100000x1xf32, #tpu.memory_space<hbm>> -> memref<3200x1xf32, #tpu.memory_space<hbm>>
        %dma_start3A_19 = arith.constant 0 : i32
        %dma_start3A_20 = arith.constant 0 : i32
        %dma_start3A_21 = tpu.memref_slice %arg7[%dma_start3A_19, %dma_start3A_20] : memref<3200x1xf32, #tpu.memory_space<vmem>> -> memref<3200x1xf32, #tpu.memory_space<vmem>>
        %dma_start3A_22 = arith.constant 0 : i32
        %dma_start3A_23 = tpu.memref_slice %arg3[%mul3A_2, %dma_start3A_22] : memref<100000x1xf32, #tpu.memory_space<hbm>> -> memref<3200x1xf32, #tpu.memory_space<hbm>>
        tpu.enqueue_dma source(%dma_start3A_23 : memref<3200x1xf32, #tpu.memory_space<hbm>>) target(%dma_start3A_21 : memref<3200x1xf32, #tpu.memory_space<vmem>>) target_semaphore(%run_scoped3A : memref<!tpu.dma_semaphore, #tpu.memory_space<semaphore_mem>>)
        %dma_wait3A = arith.constant 0 : i32
        %dma_wait3A_24 = arith.constant 0 : i32
        %dma_wait3A_25 = tpu.memref_slice %arg7[%dma_wait3A, %dma_wait3A_24] : memref<3200x1xf32, #tpu.memory_space<vmem>> -> memref<3200x1xf32, #tpu.memory_space<vmem>>
        %dma_wait3A_26 = arith.constant 0 : i32
        %dma_wait3A_27 = tpu.memref_slice %arg3[%mul3A_2, %dma_wait3A_26] : memref<100000x1xf32, #tpu.memory_space<hbm>> -> memref<3200x1xf32, #tpu.memory_space<hbm>>
        %dma_wait3A_28 = arith.constant 0 : i32
        %dma_wait3A_29 = arith.constant 0 : i32
        %dma_wait3A_30 = tpu.memref_slice %arg7[%dma_wait3A_28, %dma_wait3A_29] : memref<3200x1xf32, #tpu.memory_space<vmem>> -> memref<3200x1xf32, #tpu.memory_space<vmem>>
        %dma_wait3A_31 = arith.constant 0 : i32
        %dma_wait3A_32 = tpu.memref_slice %arg3[%mul3A_2, %dma_wait3A_31] : memref<100000x1xf32, #tpu.memory_space<hbm>> -> memref<3200x1xf32, #tpu.memory_space<hbm>>
        tpu.wait_dma2 semaphore(%run_scoped3A : memref<!tpu.dma_semaphore, #tpu.memory_space<semaphore_mem>>) src(%dma_wait3A_32 : memref<3200x1xf32, #tpu.memory_space<hbm>>) dst(%dma_wait3A_30 : memref<3200x1xf32, #tpu.memory_space<vmem>>)
        tpu.yield
      }) : () -> ()
      %scan3A = arith.constant 0 : i32
      %scan3A_10 = arith.constant 0 : i32
      %scan3A_11 = arith.constant 200 : i32
      %scan3A_12 = arith.addi %scan3A_10, %scan3A_11 : i32
      %scan3A_13 = arith.constant 1 : i32
      scf.for %scan3A_15 = %scan3A_10 to %scan3A_12 step %scan3A_13  : i32 {
        %mul3A_16 = arith.constant 16 : i32
        %mul3A_17 = arith.muli %scan3A_15, %mul3A_16 : i32
        %add3A_18 = vector.broadcast %mul3A_17 : i32 to vector<16xi32>
        %add3A_19 = arith.addi %iota3A, %add3A_18 : vector<16xi32>
        %gather3A = tpu.vector_load_idx %arg6[%add3A_19, %broadcast_in_dim3A_3] : memref<3200x1xf32, #tpu.memory_space<vmem>>[vector<16xi32>, vector<16xi32>], vector<16xf32>,
        %mul3A_20 = arith.constant 16 : i32
        %mul3A_21 = arith.muli %scan3A_15, %mul3A_20 : i32
        %swap3A = arith.index_cast %mul3A_21 : i32 to index
        %swap3A_22 = tpu.vector_load %arg8[%swap3A] {strides = array<i32>} : memref<3200xf32, #tpu.memory_space<vmem>>, vector<16xf32>,
        tpu.vector_store %arg8[%swap3A], %gather3A {strides = array<i32>} : memref<3200xf32, #tpu.memory_space<vmem>>, vector<16xf32>,
        %gather3A_23 = tpu.vector_load_idx %arg7[%add3A_19, %broadcast_in_dim3A_3] : memref<3200x1xf32, #tpu.memory_space<vmem>>[vector<16xi32>, vector<16xi32>], vector<16xf32>,
        %mul3A_24 = arith.constant 16 : i32
        %mul3A_25 = arith.muli %scan3A_15, %mul3A_24 : i32
        %swap3A_26 = arith.index_cast %mul3A_25 : i32 to index
        %swap3A_27 = tpu.vector_load %arg9[%swap3A_26] {strides = array<i32>} : memref<3200xf32, #tpu.memory_space<vmem>>, vector<16xf32>,
        tpu.vector_store %arg9[%swap3A_26], %gather3A_23 {strides = array<i32>} : memref<3200xf32, #tpu.memory_space<vmem>>, vector<16xf32>,
      }
      %scan3A_14 = arith.constant 200 : i32
      "tpu.region"() ({
        %run_scoped3A = tpu.sem_alloc : memref<!tpu.dma_semaphore, #tpu.memory_space<semaphore_mem>>
        %dma_start3A = arith.constant 0 : i32
        %dma_start3A_15 = tpu.memref_slice %arg8[%dma_start3A] : memref<3200xf32, #tpu.memory_space<vmem>> -> memref<3200xf32, #tpu.memory_space<vmem>>
        %dma_start3A_16 = tpu.memref_slice %arg4[%mul3A_2] : memref<100000xf32, #tpu.memory_space<hbm>> -> memref<3200xf32, #tpu.memory_space<hbm>>
        %dma_start3A_17 = tpu.memref_slice %arg4[%mul3A_2] : memref<100000xf32, #tpu.memory_space<hbm>> -> memref<3200xf32, #tpu.memory_space<hbm>>
        %dma_start3A_18 = arith.constant 0 : i32
        %dma_start3A_19 = tpu.memref_slice %arg8[%dma_start3A_18] : memref<3200xf32, #tpu.memory_space<vmem>> -> memref<3200xf32, #tpu.memory_space<vmem>>
        tpu.enqueue_dma source(%dma_start3A_19 : memref<3200xf32, #tpu.memory_space<vmem>>) target(%dma_start3A_17 : memref<3200xf32, #tpu.memory_space<hbm>>) target_semaphore(%run_scoped3A : memref<!tpu.dma_semaphore, #tpu.memory_space<semaphore_mem>>)
        %dma_wait3A = arith.constant 0 : i32
        %dma_wait3A_20 = tpu.memref_slice %arg8[%dma_wait3A] : memref<3200xf32, #tpu.memory_space<vmem>> -> memref<3200xf32, #tpu.memory_space<vmem>>
        %dma_wait3A_21 = tpu.memref_slice %arg4[%mul3A_2] : memref<100000xf32, #tpu.memory_space<hbm>> -> memref<3200xf32, #tpu.memory_space<hbm>>
        %dma_wait3A_22 = tpu.memref_slice %arg4[%mul3A_2] : memref<100000xf32, #tpu.memory_space<hbm>> -> memref<3200xf32, #tpu.memory_space<hbm>>
        %dma_wait3A_23 = arith.constant 0 : i32
        %dma_wait3A_24 = tpu.memref_slice %arg8[%dma_wait3A_23] : memref<3200xf32, #tpu.memory_space<vmem>> -> memref<3200xf32, #tpu.memory_space<vmem>>
        tpu.wait_dma2 semaphore(%run_scoped3A : memref<!tpu.dma_semaphore, #tpu.memory_space<semaphore_mem>>) src(%dma_wait3A_24 : memref<3200xf32, #tpu.memory_space<vmem>>) dst(%dma_wait3A_22 : memref<3200xf32, #tpu.memory_space<hbm>>)
        tpu.yield
      }) : () -> ()
      "tpu.region"() ({
        %run_scoped3A = tpu.sem_alloc : memref<!tpu.dma_semaphore, #tpu.memory_space<semaphore_mem>>
        %dma_start3A = arith.constant 0 : i32
        %dma_start3A_15 = tpu.memref_slice %arg9[%dma_start3A] : memref<3200xf32, #tpu.memory_space<vmem>> -> memref<3200xf32, #tpu.memory_space<vmem>>
        %dma_start3A_16 = tpu.memref_slice %arg5[%mul3A_2] : memref<100000xf32, #tpu.memory_space<hbm>> -> memref<3200xf32, #tpu.memory_space<hbm>>
        %dma_start3A_17 = tpu.memref_slice %arg5[%mul3A_2] : memref<100000xf32, #tpu.memory_space<hbm>> -> memref<3200xf32, #tpu.memory_space<hbm>>
        %dma_start3A_18 = arith.constant 0 : i32
        %dma_start3A_19 = tpu.memref_slice %arg9[%dma_start3A_18] : memref<3200xf32, #tpu.memory_space<vmem>> -> memref<3200xf32, #tpu.memory_space<vmem>>
        tpu.enqueue_dma source(%dma_start3A_19 : memref<3200xf32, #tpu.memory_space<vmem>>) target(%dma_start3A_17 : memref<3200xf32, #tpu.memory_space<hbm>>) target_semaphore(%run_scoped3A : memref<!tpu.dma_semaphore, #tpu.memory_space<semaphore_mem>>)
        %dma_wait3A = arith.constant 0 : i32
        %dma_wait3A_20 = tpu.memref_slice %arg9[%dma_wait3A] : memref<3200xf32, #tpu.memory_space<vmem>> -> memref<3200xf32, #tpu.memory_space<vmem>>
        %dma_wait3A_21 = tpu.memref_slice %arg5[%mul3A_2] : memref<100000xf32, #tpu.memory_space<hbm>> -> memref<3200xf32, #tpu.memory_space<hbm>>
        %dma_wait3A_22 = tpu.memref_slice %arg5[%mul3A_2] : memref<100000xf32, #tpu.memory_space<hbm>> -> memref<3200xf32, #tpu.memory_space<hbm>>
        %dma_wait3A_23 = arith.constant 0 : i32
        %dma_wait3A_24 = tpu.memref_slice %arg9[%dma_wait3A_23] : memref<3200xf32, #tpu.memory_space<vmem>> -> memref<3200xf32, #tpu.memory_space<vmem>>
        tpu.wait_dma2 semaphore(%run_scoped3A : memref<!tpu.dma_semaphore, #tpu.memory_space<semaphore_mem>>) src(%dma_wait3A_24 : memref<3200xf32, #tpu.memory_space<vmem>>) dst(%dma_wait3A_22 : memref<3200xf32, #tpu.memory_space<hbm>>)
        tpu.yield
      }) : () -> ()
    } else {
    }
    %eq3A = arith.constant 31 : i32
    %eq3A_6 = arith.cmpi eq, %add3A, %eq3A : i32
    %convert_element_type3A_7 = arith.extui %eq3A_6 : i1 to i32
    %cond3A_8 = arith.constant 0 : i32
    %cond3A_9 = arith.cmpi ne, %convert_element_type3A_7, %cond3A_8 : i32
    scf.if %cond3A_9 {
      "tpu.region"() ({
        %run_scoped3A = tpu.sem_alloc : memref<!tpu.dma_semaphore, #tpu.memory_space<semaphore_mem>>
        %dma_start3A = arith.constant 0 : i32
        %dma_start3A_15 = arith.constant 0 : i32
        %dma_start3A_16 = tpu.memref_slice %arg6[%dma_start3A, %dma_start3A_15] : memref<3200x1xf32, #tpu.memory_space<vmem>> -> memref<800x1xf32, #tpu.memory_space<vmem>>
        %dma_start3A_17 = arith.constant 0 : i32
        %dma_start3A_18 = tpu.memref_slice %arg2[%mul3A_2, %dma_start3A_17] : memref<100000x1xf32, #tpu.memory_space<hbm>> -> memref<800x1xf32, #tpu.memory_space<hbm>>
        %dma_start3A_19 = arith.constant 0 : i32
        %dma_start3A_20 = arith.constant 0 : i32
        %dma_start3A_21 = tpu.memref_slice %arg6[%dma_start3A_19, %dma_start3A_20] : memref<3200x1xf32, #tpu.memory_space<vmem>> -> memref<800x1xf32, #tpu.memory_space<vmem>>
        %dma_start3A_22 = arith.constant 0 : i32
        %dma_start3A_23 = tpu.memref_slice %arg2[%mul3A_2, %dma_start3A_22] : memref<100000x1xf32, #tpu.memory_space<hbm>> -> memref<800x1xf32, #tpu.memory_space<hbm>>
        tpu.enqueue_dma source(%dma_start3A_23 : memref<800x1xf32, #tpu.memory_space<hbm>>) target(%dma_start3A_21 : memref<800x1xf32, #tpu.memory_space<vmem>>) target_semaphore(%run_scoped3A : memref<!tpu.dma_semaphore, #tpu.memory_space<semaphore_mem>>)
        %dma_wait3A = arith.constant 0 : i32
        %dma_wait3A_24 = arith.constant 0 : i32
        %dma_wait3A_25 = tpu.memref_slice %arg6[%dma_wait3A, %dma_wait3A_24] : memref<3200x1xf32, #tpu.memory_space<vmem>> -> memref<800x1xf32, #tpu.memory_space<vmem>>
        %dma_wait3A_26 = arith.constant 0 : i32
        %dma_wait3A_27 = tpu.memref_slice %arg2[%mul3A_2, %dma_wait3A_26] : memref<100000x1xf32, #tpu.memory_space<hbm>> -> memref<800x1xf32, #tpu.memory_space<hbm>>
        %dma_wait3A_28 = arith.constant 0 : i32
        %dma_wait3A_29 = arith.constant 0 : i32
        %dma_wait3A_30 = tpu.memref_slice %arg6[%dma_wait3A_28, %dma_wait3A_29] : memref<3200x1xf32, #tpu.memory_space<vmem>> -> memref<800x1xf32, #tpu.memory_space<vmem>>
        %dma_wait3A_31 = arith.constant 0 : i32
        %dma_wait3A_32 = tpu.memref_slice %arg2[%mul3A_2, %dma_wait3A_31] : memref<100000x1xf32, #tpu.memory_space<hbm>> -> memref<800x1xf32, #tpu.memory_space<hbm>>
        tpu.wait_dma2 semaphore(%run_scoped3A : memref<!tpu.dma_semaphore, #tpu.memory_space<semaphore_mem>>) src(%dma_wait3A_32 : memref<800x1xf32, #tpu.memory_space<hbm>>) dst(%dma_wait3A_30 : memref<800x1xf32, #tpu.memory_space<vmem>>)
        tpu.yield
      }) : () -> ()
      "tpu.region"() ({
        %run_scoped3A = tpu.sem_alloc : memref<!tpu.dma_semaphore, #tpu.memory_space<semaphore_mem>>
        %dma_start3A = arith.constant 0 : i32
        %dma_start3A_15 = arith.constant 0 : i32
        %dma_start3A_16 = tpu.memref_slice %arg7[%dma_start3A, %dma_start3A_15] : memref<3200x1xf32, #tpu.memory_space<vmem>> -> memref<800x1xf32, #tpu.memory_space<vmem>>
        %dma_start3A_17 = arith.constant 0 : i32
        %dma_start3A_18 = tpu.memref_slice %arg3[%mul3A_2, %dma_start3A_17] : memref<100000x1xf32, #tpu.memory_space<hbm>> -> memref<800x1xf32, #tpu.memory_space<hbm>>
        %dma_start3A_19 = arith.constant 0 : i32
        %dma_start3A_20 = arith.constant 0 : i32
        %dma_start3A_21 = tpu.memref_slice %arg7[%dma_start3A_19, %dma_start3A_20] : memref<3200x1xf32, #tpu.memory_space<vmem>> -> memref<800x1xf32, #tpu.memory_space<vmem>>
        %dma_start3A_22 = arith.constant 0 : i32
        %dma_start3A_23 = tpu.memref_slice %arg3[%mul3A_2, %dma_start3A_22] : memref<100000x1xf32, #tpu.memory_space<hbm>> -> memref<800x1xf32, #tpu.memory_space<hbm>>
        tpu.enqueue_dma source(%dma_start3A_23 : memref<800x1xf32, #tpu.memory_space<hbm>>) target(%dma_start3A_21 : memref<800x1xf32, #tpu.memory_space<vmem>>) target_semaphore(%run_scoped3A : memref<!tpu.dma_semaphore, #tpu.memory_space<semaphore_mem>>)
        %dma_wait3A = arith.constant 0 : i32
        %dma_wait3A_24 = arith.constant 0 : i32
        %dma_wait3A_25 = tpu.memref_slice %arg7[%dma_wait3A, %dma_wait3A_24] : memref<3200x1xf32, #tpu.memory_space<vmem>> -> memref<800x1xf32, #tpu.memory_space<vmem>>
        %dma_wait3A_26 = arith.constant 0 : i32
        %dma_wait3A_27 = tpu.memref_slice %arg3[%mul3A_2, %dma_wait3A_26] : memref<100000x1xf32, #tpu.memory_space<hbm>> -> memref<800x1xf32, #tpu.memory_space<hbm>>
        %dma_wait3A_28 = arith.constant 0 : i32
        %dma_wait3A_29 = arith.constant 0 : i32
        %dma_wait3A_30 = tpu.memref_slice %arg7[%dma_wait3A_28, %dma_wait3A_29] : memref<3200x1xf32, #tpu.memory_space<vmem>> -> memref<800x1xf32, #tpu.memory_space<vmem>>
        %dma_wait3A_31 = arith.constant 0 : i32
        %dma_wait3A_32 = tpu.memref_slice %arg3[%mul3A_2, %dma_wait3A_31] : memref<100000x1xf32, #tpu.memory_space<hbm>> -> memref<800x1xf32, #tpu.memory_space<hbm>>
        tpu.wait_dma2 semaphore(%run_scoped3A : memref<!tpu.dma_semaphore, #tpu.memory_space<semaphore_mem>>) src(%dma_wait3A_32 : memref<800x1xf32, #tpu.memory_space<hbm>>) dst(%dma_wait3A_30 : memref<800x1xf32, #tpu.memory_space<vmem>>)
        tpu.yield
      }) : () -> ()
      %scan3A = arith.constant 0 : i32
      %scan3A_10 = arith.constant 0 : i32
      %scan3A_11 = arith.constant 50 : i32
      %scan3A_12 = arith.addi %scan3A_10, %scan3A_11 : i32
      %scan3A_13 = arith.constant 1 : i32
      scf.for %scan3A_15 = %scan3A_10 to %scan3A_12 step %scan3A_13  : i32 {
        %mul3A_16 = arith.constant 16 : i32
        %mul3A_17 = arith.muli %scan3A_15, %mul3A_16 : i32
        %add3A_18 = vector.broadcast %mul3A_17 : i32 to vector<16xi32>
        %add3A_19 = arith.addi %iota3A, %add3A_18 : vector<16xi32>
        %gather3A = tpu.vector_load_idx %arg6[%add3A_19, %broadcast_in_dim3A_3] : memref<3200x1xf32, #tpu.memory_space<vmem>>[vector<16xi32>, vector<16xi32>], vector<16xf32>,
        %mul3A_20 = arith.constant 16 : i32
        %mul3A_21 = arith.muli %scan3A_15, %mul3A_20 : i32
        %swap3A = arith.index_cast %mul3A_21 : i32 to index
        %swap3A_22 = tpu.vector_load %arg8[%swap3A] {strides = array<i32>} : memref<3200xf32, #tpu.memory_space<vmem>>, vector<16xf32>,
        tpu.vector_store %arg8[%swap3A], %gather3A {strides = array<i32>} : memref<3200xf32, #tpu.memory_space<vmem>>, vector<16xf32>,
        %gather3A_23 = tpu.vector_load_idx %arg7[%add3A_19, %broadcast_in_dim3A_3] : memref<3200x1xf32, #tpu.memory_space<vmem>>[vector<16xi32>, vector<16xi32>], vector<16xf32>,
        %mul3A_24 = arith.constant 16 : i32
        %mul3A_25 = arith.muli %scan3A_15, %mul3A_24 : i32
        %swap3A_26 = arith.index_cast %mul3A_25 : i32 to index
        %swap3A_27 = tpu.vector_load %arg9[%swap3A_26] {strides = array<i32>} : memref<3200xf32, #tpu.memory_space<vmem>>, vector<16xf32>,
        tpu.vector_store %arg9[%swap3A_26], %gather3A_23 {strides = array<i32>} : memref<3200xf32, #tpu.memory_space<vmem>>, vector<16xf32>,
      }
      %scan3A_14 = arith.constant 50 : i32
      "tpu.region"() ({
        %run_scoped3A = tpu.sem_alloc : memref<!tpu.dma_semaphore, #tpu.memory_space<semaphore_mem>>
        %dma_start3A = arith.constant 0 : i32
        %dma_start3A_15 = tpu.memref_slice %arg8[%dma_start3A] : memref<3200xf32, #tpu.memory_space<vmem>> -> memref<800xf32, #tpu.memory_space<vmem>>
        %dma_start3A_16 = tpu.memref_slice %arg4[%mul3A_2] : memref<100000xf32, #tpu.memory_space<hbm>> -> memref<800xf32, #tpu.memory_space<hbm>>
        %dma_start3A_17 = tpu.memref_slice %arg4[%mul3A_2] : memref<100000xf32, #tpu.memory_space<hbm>> -> memref<800xf32, #tpu.memory_space<hbm>>
        %dma_start3A_18 = arith.constant 0 : i32
        %dma_start3A_19 = tpu.memref_slice %arg8[%dma_start3A_18] : memref<3200xf32, #tpu.memory_space<vmem>> -> memref<800xf32, #tpu.memory_space<vmem>>
        tpu.enqueue_dma source(%dma_start3A_19 : memref<800xf32, #tpu.memory_space<vmem>>) target(%dma_start3A_17 : memref<800xf32, #tpu.memory_space<hbm>>) target_semaphore(%run_scoped3A : memref<!tpu.dma_semaphore, #tpu.memory_space<semaphore_mem>>)
        %dma_wait3A = arith.constant 0 : i32
        %dma_wait3A_20 = tpu.memref_slice %arg8[%dma_wait3A] : memref<3200xf32, #tpu.memory_space<vmem>> -> memref<800xf32, #tpu.memory_space<vmem>>
        %dma_wait3A_21 = tpu.memref_slice %arg4[%mul3A_2] : memref<100000xf32, #tpu.memory_space<hbm>> -> memref<800xf32, #tpu.memory_space<hbm>>
        %dma_wait3A_22 = tpu.memref_slice %arg4[%mul3A_2] : memref<100000xf32, #tpu.memory_space<hbm>> -> memref<800xf32, #tpu.memory_space<hbm>>
        %dma_wait3A_23 = arith.constant 0 : i32
        %dma_wait3A_24 = tpu.memref_slice %arg8[%dma_wait3A_23] : memref<3200xf32, #tpu.memory_space<vmem>> -> memref<800xf32, #tpu.memory_space<vmem>>
        tpu.wait_dma2 semaphore(%run_scoped3A : memref<!tpu.dma_semaphore, #tpu.memory_space<semaphore_mem>>) src(%dma_wait3A_24 : memref<800xf32, #tpu.memory_space<vmem>>) dst(%dma_wait3A_22 : memref<800xf32, #tpu.memory_space<hbm>>)
        tpu.yield
      }) : () -> ()
      "tpu.region"() ({
        %run_scoped3A = tpu.sem_alloc : memref<!tpu.dma_semaphore, #tpu.memory_space<semaphore_mem>>
        %dma_start3A = arith.constant 0 : i32
        %dma_start3A_15 = tpu.memref_slice %arg9[%dma_start3A] : memref<3200xf32, #tpu.memory_space<vmem>> -> memref<800xf32, #tpu.memory_space<vmem>>
        %dma_start3A_16 = tpu.memref_slice %arg5[%mul3A_2] : memref<100000xf32, #tpu.memory_space<hbm>> -> memref<800xf32, #tpu.memory_space<hbm>>
        %dma_start3A_17 = tpu.memref_slice %arg5[%mul3A_2] : memref<100000xf32, #tpu.memory_space<hbm>> -> memref<800xf32, #tpu.memory_space<hbm>>
        %dma_start3A_18 = arith.constant 0 : i32
        %dma_start3A_19 = tpu.memref_slice %arg9[%dma_start3A_18] : memref<3200xf32, #tpu.memory_space<vmem>> -> memref<800xf32, #tpu.memory_space<vmem>>
        tpu.enqueue_dma source(%dma_start3A_19 : memref<800xf32, #tpu.memory_space<vmem>>) target(%dma_start3A_17 : memref<800xf32, #tpu.memory_space<hbm>>) target_semaphore(%run_scoped3A : memref<!tpu.dma_semaphore, #tpu.memory_space<semaphore_mem>>)
        %dma_wait3A = arith.constant 0 : i32
        %dma_wait3A_20 = tpu.memref_slice %arg9[%dma_wait3A] : memref<3200xf32, #tpu.memory_space<vmem>> -> memref<800xf32, #tpu.memory_space<vmem>>
        %dma_wait3A_21 = tpu.memref_slice %arg5[%mul3A_2] : memref<100000xf32, #tpu.memory_space<hbm>> -> memref<800xf32, #tpu.memory_space<hbm>>
        %dma_wait3A_22 = tpu.memref_slice %arg5[%mul3A_2] : memref<100000xf32, #tpu.memory_space<hbm>> -> memref<800xf32, #tpu.memory_space<hbm>>
        %dma_wait3A_23 = arith.constant 0 : i32
        %dma_wait3A_24 = tpu.memref_slice %arg9[%dma_wait3A_23] : memref<3200xf32, #tpu.memory_space<vmem>> -> memref<800xf32, #tpu.memory_space<vmem>>
        tpu.wait_dma2 semaphore(%run_scoped3A : memref<!tpu.dma_semaphore, #tpu.memory_space<semaphore_mem>>) src(%dma_wait3A_24 : memref<800xf32, #tpu.memory_space<vmem>>) dst(%dma_wait3A_22 : memref<800xf32, #tpu.memory_space<hbm>>)
        tpu.yield
      }) : () -> ()
    } else {
    }
    return
  }
}

#map = affine_map<(d0, d1) -> (0)>
#map1 = affine_map<(d0, d1) -> (0, 0)>
module attributes {stable_mosaic.version = 14 : i64} {
  func.func @_glove_body(%arg0: i32, %arg1: i32, %arg2: memref<16384xi32, #tpu.memory_space<hbm>>, %arg3: memref<16384xi32, #tpu.memory_space<hbm>>, %arg4: memref<16384xf32, #tpu.memory_space<hbm>>, %arg5: memref<100000x64xf32, #tpu.memory_space<hbm>>, %arg6: memref<100000x64xf32, #tpu.memory_space<hbm>>, %arg7: memref<100000xf32, #tpu.memory_space<hbm>>, %arg8: memref<100000xf32, #tpu.memory_space<hbm>>, %arg9: memref<2x16xf32, #tpu.memory_space<hbm>>, %arg10: memref<4x128xi32, #tpu.memory_space<vmem>>, %arg11: memref<4x128xi32, #tpu.memory_space<vmem>>, %arg12: memref<512xf32, #tpu.memory_space<vmem>>, %arg13: memref<512x64xf32, #tpu.memory_space<vmem>>, %arg14: memref<512x64xf32, #tpu.memory_space<vmem>>, %arg15: memref<512xf32, #tpu.memory_space<vmem>>, %arg16: memref<512xf32, #tpu.memory_space<vmem>>, %arg17: memref<16xf32, #tpu.memory_space<vmem>>, %arg18: memref<16xi32, #tpu.memory_space<vmem>>, %arg19: memref<16xf32, #tpu.memory_space<vmem_shared>>, %arg20: memref<!tpu.dma_semaphore, #tpu.memory_space<semaphore_mem>>) attributes {dimension_semantics = [#tpu.dimension_semantics<core_parallel>, #tpu.dimension_semantics<subcore_parallel>], iteration_bounds = array<i64: 2, 16>, scalar_prefetch = 0 : i64, scratch_operands = 11 : i64, tpu.core_type = #tpu.core_type<sc_vector_subcore>, window_params = [{transform_indices = #map}, {transform_indices = #map}, {transform_indices = #map}, {transform_indices = #map1}, {transform_indices = #map1}, {transform_indices = #map}, {transform_indices = #map}, {transform_indices = #map1}]} {
    %mul3A = arith.constant 2 : i32
    %mul3A_0 = arith.muli %arg1, %mul3A : i32
    %add3A = arith.addi %mul3A_0, %arg0 : i32
    %mul3A_1 = arith.constant 512 : i32
    %mul3A_2 = arith.muli %add3A, %mul3A_1 : i32
    %add3A_3 = arith.constant 0 : i32
    %add3A_4 = arith.addi %mul3A_2, %add3A_3 : i32
    %run_scoped3A = arith.constant 0 : i32
    "tpu.region"() ({
      %run_scoped3A_335 = tpu.sem_alloc : memref<!tpu.dma_semaphore, #tpu.memory_space<semaphore_mem>>
      %dma_start3A_336 = arith.constant 0 : i32
      %dma_start3A_337 = tpu.memref_slice %arg10[%run_scoped3A, %dma_start3A_336] : memref<4x128xi32, #tpu.memory_space<vmem>> -> memref<1x128xi32, #tpu.memory_space<vmem>>
      %dma_start3A_338 = tpu.memref_squeeze %dma_start3A_337 : memref<1x128xi32, #tpu.memory_space<vmem>> -> memref<128xi32, #tpu.memory_space<vmem>>
      %dma_start3A_339 = tpu.memref_slice %arg2[%add3A_4] : memref<16384xi32, #tpu.memory_space<hbm>> -> memref<128xi32, #tpu.memory_space<hbm>>
      %dma_start3A_340 = arith.constant 0 : i32
      %dma_start3A_341 = tpu.memref_slice %arg10[%run_scoped3A, %dma_start3A_340] : memref<4x128xi32, #tpu.memory_space<vmem>> -> memref<1x128xi32, #tpu.memory_space<vmem>>
      %dma_start3A_342 = tpu.memref_squeeze %dma_start3A_341 : memref<1x128xi32, #tpu.memory_space<vmem>> -> memref<128xi32, #tpu.memory_space<vmem>>
      %dma_start3A_343 = tpu.memref_slice %arg2[%add3A_4] : memref<16384xi32, #tpu.memory_space<hbm>> -> memref<128xi32, #tpu.memory_space<hbm>>
      tpu.enqueue_dma source(%dma_start3A_343 : memref<128xi32, #tpu.memory_space<hbm>>) target(%dma_start3A_342 : memref<128xi32, #tpu.memory_space<vmem>>) target_semaphore(%run_scoped3A_335 : memref<!tpu.dma_semaphore, #tpu.memory_space<semaphore_mem>>)
      %dma_wait3A_344 = arith.constant 0 : i32
      %dma_wait3A_345 = tpu.memref_slice %arg10[%run_scoped3A, %dma_wait3A_344] : memref<4x128xi32, #tpu.memory_space<vmem>> -> memref<1x128xi32, #tpu.memory_space<vmem>>
      %dma_wait3A_346 = tpu.memref_squeeze %dma_wait3A_345 : memref<1x128xi32, #tpu.memory_space<vmem>> -> memref<128xi32, #tpu.memory_space<vmem>>
      %dma_wait3A_347 = tpu.memref_slice %arg2[%add3A_4] : memref<16384xi32, #tpu.memory_space<hbm>> -> memref<128xi32, #tpu.memory_space<hbm>>
      %dma_wait3A_348 = arith.constant 0 : i32
      %dma_wait3A_349 = tpu.memref_slice %arg10[%run_scoped3A, %dma_wait3A_348] : memref<4x128xi32, #tpu.memory_space<vmem>> -> memref<1x128xi32, #tpu.memory_space<vmem>>
      %dma_wait3A_350 = tpu.memref_squeeze %dma_wait3A_349 : memref<1x128xi32, #tpu.memory_space<vmem>> -> memref<128xi32, #tpu.memory_space<vmem>>
      %dma_wait3A_351 = tpu.memref_slice %arg2[%add3A_4] : memref<16384xi32, #tpu.memory_space<hbm>> -> memref<128xi32, #tpu.memory_space<hbm>>
      tpu.wait_dma2 semaphore(%run_scoped3A_335 : memref<!tpu.dma_semaphore, #tpu.memory_space<semaphore_mem>>) src(%dma_wait3A_351 : memref<128xi32, #tpu.memory_space<hbm>>) dst(%dma_wait3A_350 : memref<128xi32, #tpu.memory_space<vmem>>)
      tpu.yield
    }) : () -> ()
    %add3A_5 = arith.constant 0 : i32
    %add3A_6 = arith.addi %mul3A_2, %add3A_5 : i32
    %run_scoped3A_7 = arith.constant 0 : i32
    "tpu.region"() ({
      %run_scoped3A_335 = tpu.sem_alloc : memref<!tpu.dma_semaphore, #tpu.memory_space<semaphore_mem>>
      %dma_start3A_336 = arith.constant 0 : i32
      %dma_start3A_337 = tpu.memref_slice %arg11[%run_scoped3A_7, %dma_start3A_336] : memref<4x128xi32, #tpu.memory_space<vmem>> -> memref<1x128xi32, #tpu.memory_space<vmem>>
      %dma_start3A_338 = tpu.memref_squeeze %dma_start3A_337 : memref<1x128xi32, #tpu.memory_space<vmem>> -> memref<128xi32, #tpu.memory_space<vmem>>
      %dma_start3A_339 = tpu.memref_slice %arg3[%add3A_6] : memref<16384xi32, #tpu.memory_space<hbm>> -> memref<128xi32, #tpu.memory_space<hbm>>
      %dma_start3A_340 = arith.constant 0 : i32
      %dma_start3A_341 = tpu.memref_slice %arg11[%run_scoped3A_7, %dma_start3A_340] : memref<4x128xi32, #tpu.memory_space<vmem>> -> memref<1x128xi32, #tpu.memory_space<vmem>>
      %dma_start3A_342 = tpu.memref_squeeze %dma_start3A_341 : memref<1x128xi32, #tpu.memory_space<vmem>> -> memref<128xi32, #tpu.memory_space<vmem>>
      %dma_start3A_343 = tpu.memref_slice %arg3[%add3A_6] : memref<16384xi32, #tpu.memory_space<hbm>> -> memref<128xi32, #tpu.memory_space<hbm>>
      tpu.enqueue_dma source(%dma_start3A_343 : memref<128xi32, #tpu.memory_space<hbm>>) target(%dma_start3A_342 : memref<128xi32, #tpu.memory_space<vmem>>) target_semaphore(%run_scoped3A_335 : memref<!tpu.dma_semaphore, #tpu.memory_space<semaphore_mem>>)
      %dma_wait3A_344 = arith.constant 0 : i32
      %dma_wait3A_345 = tpu.memref_slice %arg11[%run_scoped3A_7, %dma_wait3A_344] : memref<4x128xi32, #tpu.memory_space<vmem>> -> memref<1x128xi32, #tpu.memory_space<vmem>>
      %dma_wait3A_346 = tpu.memref_squeeze %dma_wait3A_345 : memref<1x128xi32, #tpu.memory_space<vmem>> -> memref<128xi32, #tpu.memory_space<vmem>>
      %dma_wait3A_347 = tpu.memref_slice %arg3[%add3A_6] : memref<16384xi32, #tpu.memory_space<hbm>> -> memref<128xi32, #tpu.memory_space<hbm>>
      %dma_wait3A_348 = arith.constant 0 : i32
      %dma_wait3A_349 = tpu.memref_slice %arg11[%run_scoped3A_7, %dma_wait3A_348] : memref<4x128xi32, #tpu.memory_space<vmem>> -> memref<1x128xi32, #tpu.memory_space<vmem>>
      %dma_wait3A_350 = tpu.memref_squeeze %dma_wait3A_349 : memref<1x128xi32, #tpu.memory_space<vmem>> -> memref<128xi32, #tpu.memory_space<vmem>>
      %dma_wait3A_351 = tpu.memref_slice %arg3[%add3A_6] : memref<16384xi32, #tpu.memory_space<hbm>> -> memref<128xi32, #tpu.memory_space<hbm>>
      tpu.wait_dma2 semaphore(%run_scoped3A_335 : memref<!tpu.dma_semaphore, #tpu.memory_space<semaphore_mem>>) src(%dma_wait3A_351 : memref<128xi32, #tpu.memory_space<hbm>>) dst(%dma_wait3A_350 : memref<128xi32, #tpu.memory_space<vmem>>)
      tpu.yield
    }) : () -> ()
    %add3A_8 = arith.constant 128 : i32
    %add3A_9 = arith.addi %mul3A_2, %add3A_8 : i32
    %run_scoped3A_10 = arith.constant 1 : i32
    "tpu.region"() ({
      %run_scoped3A_335 = tpu.sem_alloc : memref<!tpu.dma_semaphore, #tpu.memory_space<semaphore_mem>>
      %dma_start3A_336 = arith.constant 0 : i32
      %dma_start3A_337 = tpu.memref_slice %arg10[%run_scoped3A_10, %dma_start3A_336] : memref<4x128xi32, #tpu.memory_space<vmem>> -> memref<1x128xi32, #tpu.memory_space<vmem>>
      %dma_start3A_338 = tpu.memref_squeeze %dma_start3A_337 : memref<1x128xi32, #tpu.memory_space<vmem>> -> memref<128xi32, #tpu.memory_space<vmem>>
      %dma_start3A_339 = tpu.memref_slice %arg2[%add3A_9] : memref<16384xi32, #tpu.memory_space<hbm>> -> memref<128xi32, #tpu.memory_space<hbm>>
      %dma_start3A_340 = arith.constant 0 : i32
      %dma_start3A_341 = tpu.memref_slice %arg10[%run_scoped3A_10, %dma_start3A_340] : memref<4x128xi32, #tpu.memory_space<vmem>> -> memref<1x128xi32, #tpu.memory_space<vmem>>
      %dma_start3A_342 = tpu.memref_squeeze %dma_start3A_341 : memref<1x128xi32, #tpu.memory_space<vmem>> -> memref<128xi32, #tpu.memory_space<vmem>>
      %dma_start3A_343 = tpu.memref_slice %arg2[%add3A_9] : memref<16384xi32, #tpu.memory_space<hbm>> -> memref<128xi32, #tpu.memory_space<hbm>>
      tpu.enqueue_dma source(%dma_start3A_343 : memref<128xi32, #tpu.memory_space<hbm>>) target(%dma_start3A_342 : memref<128xi32, #tpu.memory_space<vmem>>) target_semaphore(%run_scoped3A_335 : memref<!tpu.dma_semaphore, #tpu.memory_space<semaphore_mem>>)
      %dma_wait3A_344 = arith.constant 0 : i32
      %dma_wait3A_345 = tpu.memref_slice %arg10[%run_scoped3A_10, %dma_wait3A_344] : memref<4x128xi32, #tpu.memory_space<vmem>> -> memref<1x128xi32, #tpu.memory_space<vmem>>
      %dma_wait3A_346 = tpu.memref_squeeze %dma_wait3A_345 : memref<1x128xi32, #tpu.memory_space<vmem>> -> memref<128xi32, #tpu.memory_space<vmem>>
      %dma_wait3A_347 = tpu.memref_slice %arg2[%add3A_9] : memref<16384xi32, #tpu.memory_space<hbm>> -> memref<128xi32, #tpu.memory_space<hbm>>
      %dma_wait3A_348 = arith.constant 0 : i32
      %dma_wait3A_349 = tpu.memref_slice %arg10[%run_scoped3A_10, %dma_wait3A_348] : memref<4x128xi32, #tpu.memory_space<vmem>> -> memref<1x128xi32, #tpu.memory_space<vmem>>
      %dma_wait3A_350 = tpu.memref_squeeze %dma_wait3A_349 : memref<1x128xi32, #tpu.memory_space<vmem>> -> memref<128xi32, #tpu.memory_space<vmem>>
      %dma_wait3A_351 = tpu.memref_slice %arg2[%add3A_9] : memref<16384xi32, #tpu.memory_space<hbm>> -> memref<128xi32, #tpu.memory_space<hbm>>
      tpu.wait_dma2 semaphore(%run_scoped3A_335 : memref<!tpu.dma_semaphore, #tpu.memory_space<semaphore_mem>>) src(%dma_wait3A_351 : memref<128xi32, #tpu.memory_space<hbm>>) dst(%dma_wait3A_350 : memref<128xi32, #tpu.memory_space<vmem>>)
      tpu.yield
    }) : () -> ()
    %add3A_11 = arith.constant 128 : i32
    %add3A_12 = arith.addi %mul3A_2, %add3A_11 : i32
    %run_scoped3A_13 = arith.constant 1 : i32
    "tpu.region"() ({
      %run_scoped3A_335 = tpu.sem_alloc : memref<!tpu.dma_semaphore, #tpu.memory_space<semaphore_mem>>
      %dma_start3A_336 = arith.constant 0 : i32
      %dma_start3A_337 = tpu.memref_slice %arg11[%run_scoped3A_13, %dma_start3A_336] : memref<4x128xi32, #tpu.memory_space<vmem>> -> memref<1x128xi32, #tpu.memory_space<vmem>>
      %dma_start3A_338 = tpu.memref_squeeze %dma_start3A_337 : memref<1x128xi32, #tpu.memory_space<vmem>> -> memref<128xi32, #tpu.memory_space<vmem>>
      %dma_start3A_339 = tpu.memref_slice %arg3[%add3A_12] : memref<16384xi32, #tpu.memory_space<hbm>> -> memref<128xi32, #tpu.memory_space<hbm>>
      %dma_start3A_340 = arith.constant 0 : i32
      %dma_start3A_341 = tpu.memref_slice %arg11[%run_scoped3A_13, %dma_start3A_340] : memref<4x128xi32, #tpu.memory_space<vmem>> -> memref<1x128xi32, #tpu.memory_space<vmem>>
      %dma_start3A_342 = tpu.memref_squeeze %dma_start3A_341 : memref<1x128xi32, #tpu.memory_space<vmem>> -> memref<128xi32, #tpu.memory_space<vmem>>
      %dma_start3A_343 = tpu.memref_slice %arg3[%add3A_12] : memref<16384xi32, #tpu.memory_space<hbm>> -> memref<128xi32, #tpu.memory_space<hbm>>
      tpu.enqueue_dma source(%dma_start3A_343 : memref<128xi32, #tpu.memory_space<hbm>>) target(%dma_start3A_342 : memref<128xi32, #tpu.memory_space<vmem>>) target_semaphore(%run_scoped3A_335 : memref<!tpu.dma_semaphore, #tpu.memory_space<semaphore_mem>>)
      %dma_wait3A_344 = arith.constant 0 : i32
      %dma_wait3A_345 = tpu.memref_slice %arg11[%run_scoped3A_13, %dma_wait3A_344] : memref<4x128xi32, #tpu.memory_space<vmem>> -> memref<1x128xi32, #tpu.memory_space<vmem>>
      %dma_wait3A_346 = tpu.memref_squeeze %dma_wait3A_345 : memref<1x128xi32, #tpu.memory_space<vmem>> -> memref<128xi32, #tpu.memory_space<vmem>>
      %dma_wait3A_347 = tpu.memref_slice %arg3[%add3A_12] : memref<16384xi32, #tpu.memory_space<hbm>> -> memref<128xi32, #tpu.memory_space<hbm>>
      %dma_wait3A_348 = arith.constant 0 : i32
      %dma_wait3A_349 = tpu.memref_slice %arg11[%run_scoped3A_13, %dma_wait3A_348] : memref<4x128xi32, #tpu.memory_space<vmem>> -> memref<1x128xi32, #tpu.memory_space<vmem>>
      %dma_wait3A_350 = tpu.memref_squeeze %dma_wait3A_349 : memref<1x128xi32, #tpu.memory_space<vmem>> -> memref<128xi32, #tpu.memory_space<vmem>>
      %dma_wait3A_351 = tpu.memref_slice %arg3[%add3A_12] : memref<16384xi32, #tpu.memory_space<hbm>> -> memref<128xi32, #tpu.memory_space<hbm>>
      tpu.wait_dma2 semaphore(%run_scoped3A_335 : memref<!tpu.dma_semaphore, #tpu.memory_space<semaphore_mem>>) src(%dma_wait3A_351 : memref<128xi32, #tpu.memory_space<hbm>>) dst(%dma_wait3A_350 : memref<128xi32, #tpu.memory_space<vmem>>)
      tpu.yield
    }) : () -> ()
    %add3A_14 = arith.constant 256 : i32
    %add3A_15 = arith.addi %mul3A_2, %add3A_14 : i32
    %run_scoped3A_16 = arith.constant 2 : i32
    "tpu.region"() ({
      %run_scoped3A_335 = tpu.sem_alloc : memref<!tpu.dma_semaphore, #tpu.memory_space<semaphore_mem>>
      %dma_start3A_336 = arith.constant 0 : i32
      %dma_start3A_337 = tpu.memref_slice %arg10[%run_scoped3A_16, %dma_start3A_336] : memref<4x128xi32, #tpu.memory_space<vmem>> -> memref<1x128xi32, #tpu.memory_space<vmem>>
      %dma_start3A_338 = tpu.memref_squeeze %dma_start3A_337 : memref<1x128xi32, #tpu.memory_space<vmem>> -> memref<128xi32, #tpu.memory_space<vmem>>
      %dma_start3A_339 = tpu.memref_slice %arg2[%add3A_15] : memref<16384xi32, #tpu.memory_space<hbm>> -> memref<128xi32, #tpu.memory_space<hbm>>
      %dma_start3A_340 = arith.constant 0 : i32
      %dma_start3A_341 = tpu.memref_slice %arg10[%run_scoped3A_16, %dma_start3A_340] : memref<4x128xi32, #tpu.memory_space<vmem>> -> memref<1x128xi32, #tpu.memory_space<vmem>>
      %dma_start3A_342 = tpu.memref_squeeze %dma_start3A_341 : memref<1x128xi32, #tpu.memory_space<vmem>> -> memref<128xi32, #tpu.memory_space<vmem>>
      %dma_start3A_343 = tpu.memref_slice %arg2[%add3A_15] : memref<16384xi32, #tpu.memory_space<hbm>> -> memref<128xi32, #tpu.memory_space<hbm>>
      tpu.enqueue_dma source(%dma_start3A_343 : memref<128xi32, #tpu.memory_space<hbm>>) target(%dma_start3A_342 : memref<128xi32, #tpu.memory_space<vmem>>) target_semaphore(%run_scoped3A_335 : memref<!tpu.dma_semaphore, #tpu.memory_space<semaphore_mem>>)
      %dma_wait3A_344 = arith.constant 0 : i32
      %dma_wait3A_345 = tpu.memref_slice %arg10[%run_scoped3A_16, %dma_wait3A_344] : memref<4x128xi32, #tpu.memory_space<vmem>> -> memref<1x128xi32, #tpu.memory_space<vmem>>
      %dma_wait3A_346 = tpu.memref_squeeze %dma_wait3A_345 : memref<1x128xi32, #tpu.memory_space<vmem>> -> memref<128xi32, #tpu.memory_space<vmem>>
      %dma_wait3A_347 = tpu.memref_slice %arg2[%add3A_15] : memref<16384xi32, #tpu.memory_space<hbm>> -> memref<128xi32, #tpu.memory_space<hbm>>
      %dma_wait3A_348 = arith.constant 0 : i32
      %dma_wait3A_349 = tpu.memref_slice %arg10[%run_scoped3A_16, %dma_wait3A_348] : memref<4x128xi32, #tpu.memory_space<vmem>> -> memref<1x128xi32, #tpu.memory_space<vmem>>
      %dma_wait3A_350 = tpu.memref_squeeze %dma_wait3A_349 : memref<1x128xi32, #tpu.memory_space<vmem>> -> memref<128xi32, #tpu.memory_space<vmem>>
      %dma_wait3A_351 = tpu.memref_slice %arg2[%add3A_15] : memref<16384xi32, #tpu.memory_space<hbm>> -> memref<128xi32, #tpu.memory_space<hbm>>
      tpu.wait_dma2 semaphore(%run_scoped3A_335 : memref<!tpu.dma_semaphore, #tpu.memory_space<semaphore_mem>>) src(%dma_wait3A_351 : memref<128xi32, #tpu.memory_space<hbm>>) dst(%dma_wait3A_350 : memref<128xi32, #tpu.memory_space<vmem>>)
      tpu.yield
    }) : () -> ()
    %add3A_17 = arith.constant 256 : i32
    %add3A_18 = arith.addi %mul3A_2, %add3A_17 : i32
    %run_scoped3A_19 = arith.constant 2 : i32
    "tpu.region"() ({
      %run_scoped3A_335 = tpu.sem_alloc : memref<!tpu.dma_semaphore, #tpu.memory_space<semaphore_mem>>
      %dma_start3A_336 = arith.constant 0 : i32
      %dma_start3A_337 = tpu.memref_slice %arg11[%run_scoped3A_19, %dma_start3A_336] : memref<4x128xi32, #tpu.memory_space<vmem>> -> memref<1x128xi32, #tpu.memory_space<vmem>>
      %dma_start3A_338 = tpu.memref_squeeze %dma_start3A_337 : memref<1x128xi32, #tpu.memory_space<vmem>> -> memref<128xi32, #tpu.memory_space<vmem>>
      %dma_start3A_339 = tpu.memref_slice %arg3[%add3A_18] : memref<16384xi32, #tpu.memory_space<hbm>> -> memref<128xi32, #tpu.memory_space<hbm>>
      %dma_start3A_340 = arith.constant 0 : i32
      %dma_start3A_341 = tpu.memref_slice %arg11[%run_scoped3A_19, %dma_start3A_340] : memref<4x128xi32, #tpu.memory_space<vmem>> -> memref<1x128xi32, #tpu.memory_space<vmem>>
      %dma_start3A_342 = tpu.memref_squeeze %dma_start3A_341 : memref<1x128xi32, #tpu.memory_space<vmem>> -> memref<128xi32, #tpu.memory_space<vmem>>
      %dma_start3A_343 = tpu.memref_slice %arg3[%add3A_18] : memref<16384xi32, #tpu.memory_space<hbm>> -> memref<128xi32, #tpu.memory_space<hbm>>
      tpu.enqueue_dma source(%dma_start3A_343 : memref<128xi32, #tpu.memory_space<hbm>>) target(%dma_start3A_342 : memref<128xi32, #tpu.memory_space<vmem>>) target_semaphore(%run_scoped3A_335 : memref<!tpu.dma_semaphore, #tpu.memory_space<semaphore_mem>>)
      %dma_wait3A_344 = arith.constant 0 : i32
      %dma_wait3A_345 = tpu.memref_slice %arg11[%run_scoped3A_19, %dma_wait3A_344] : memref<4x128xi32, #tpu.memory_space<vmem>> -> memref<1x128xi32, #tpu.memory_space<vmem>>
      %dma_wait3A_346 = tpu.memref_squeeze %dma_wait3A_345 : memref<1x128xi32, #tpu.memory_space<vmem>> -> memref<128xi32, #tpu.memory_space<vmem>>
      %dma_wait3A_347 = tpu.memref_slice %arg3[%add3A_18] : memref<16384xi32, #tpu.memory_space<hbm>> -> memref<128xi32, #tpu.memory_space<hbm>>
      %dma_wait3A_348 = arith.constant 0 : i32
      %dma_wait3A_349 = tpu.memref_slice %arg11[%run_scoped3A_19, %dma_wait3A_348] : memref<4x128xi32, #tpu.memory_space<vmem>> -> memref<1x128xi32, #tpu.memory_space<vmem>>
      %dma_wait3A_350 = tpu.memref_squeeze %dma_wait3A_349 : memref<1x128xi32, #tpu.memory_space<vmem>> -> memref<128xi32, #tpu.memory_space<vmem>>
      %dma_wait3A_351 = tpu.memref_slice %arg3[%add3A_18] : memref<16384xi32, #tpu.memory_space<hbm>> -> memref<128xi32, #tpu.memory_space<hbm>>
      tpu.wait_dma2 semaphore(%run_scoped3A_335 : memref<!tpu.dma_semaphore, #tpu.memory_space<semaphore_mem>>) src(%dma_wait3A_351 : memref<128xi32, #tpu.memory_space<hbm>>) dst(%dma_wait3A_350 : memref<128xi32, #tpu.memory_space<vmem>>)
      tpu.yield
    }) : () -> ()
    %add3A_20 = arith.constant 384 : i32
    %add3A_21 = arith.addi %mul3A_2, %add3A_20 : i32
    %run_scoped3A_22 = arith.constant 3 : i32
    "tpu.region"() ({
      %run_scoped3A_335 = tpu.sem_alloc : memref<!tpu.dma_semaphore, #tpu.memory_space<semaphore_mem>>
      %dma_start3A_336 = arith.constant 0 : i32
      %dma_start3A_337 = tpu.memref_slice %arg10[%run_scoped3A_22, %dma_start3A_336] : memref<4x128xi32, #tpu.memory_space<vmem>> -> memref<1x128xi32, #tpu.memory_space<vmem>>
      %dma_start3A_338 = tpu.memref_squeeze %dma_start3A_337 : memref<1x128xi32, #tpu.memory_space<vmem>> -> memref<128xi32, #tpu.memory_space<vmem>>
      %dma_start3A_339 = tpu.memref_slice %arg2[%add3A_21] : memref<16384xi32, #tpu.memory_space<hbm>> -> memref<128xi32, #tpu.memory_space<hbm>>
      %dma_start3A_340 = arith.constant 0 : i32
      %dma_start3A_341 = tpu.memref_slice %arg10[%run_scoped3A_22, %dma_start3A_340] : memref<4x128xi32, #tpu.memory_space<vmem>> -> memref<1x128xi32, #tpu.memory_space<vmem>>
      %dma_start3A_342 = tpu.memref_squeeze %dma_start3A_341 : memref<1x128xi32, #tpu.memory_space<vmem>> -> memref<128xi32, #tpu.memory_space<vmem>>
      %dma_start3A_343 = tpu.memref_slice %arg2[%add3A_21] : memref<16384xi32, #tpu.memory_space<hbm>> -> memref<128xi32, #tpu.memory_space<hbm>>
      tpu.enqueue_dma source(%dma_start3A_343 : memref<128xi32, #tpu.memory_space<hbm>>) target(%dma_start3A_342 : memref<128xi32, #tpu.memory_space<vmem>>) target_semaphore(%run_scoped3A_335 : memref<!tpu.dma_semaphore, #tpu.memory_space<semaphore_mem>>)
      %dma_wait3A_344 = arith.constant 0 : i32
      %dma_wait3A_345 = tpu.memref_slice %arg10[%run_scoped3A_22, %dma_wait3A_344] : memref<4x128xi32, #tpu.memory_space<vmem>> -> memref<1x128xi32, #tpu.memory_space<vmem>>
      %dma_wait3A_346 = tpu.memref_squeeze %dma_wait3A_345 : memref<1x128xi32, #tpu.memory_space<vmem>> -> memref<128xi32, #tpu.memory_space<vmem>>
      %dma_wait3A_347 = tpu.memref_slice %arg2[%add3A_21] : memref<16384xi32, #tpu.memory_space<hbm>> -> memref<128xi32, #tpu.memory_space<hbm>>
      %dma_wait3A_348 = arith.constant 0 : i32
      %dma_wait3A_349 = tpu.memref_slice %arg10[%run_scoped3A_22, %dma_wait3A_348] : memref<4x128xi32, #tpu.memory_space<vmem>> -> memref<1x128xi32, #tpu.memory_space<vmem>>
      %dma_wait3A_350 = tpu.memref_squeeze %dma_wait3A_349 : memref<1x128xi32, #tpu.memory_space<vmem>> -> memref<128xi32, #tpu.memory_space<vmem>>
      %dma_wait3A_351 = tpu.memref_slice %arg2[%add3A_21] : memref<16384xi32, #tpu.memory_space<hbm>> -> memref<128xi32, #tpu.memory_space<hbm>>
      tpu.wait_dma2 semaphore(%run_scoped3A_335 : memref<!tpu.dma_semaphore, #tpu.memory_space<semaphore_mem>>) src(%dma_wait3A_351 : memref<128xi32, #tpu.memory_space<hbm>>) dst(%dma_wait3A_350 : memref<128xi32, #tpu.memory_space<vmem>>)
      tpu.yield
    }) : () -> ()
    %add3A_23 = arith.constant 384 : i32
    %add3A_24 = arith.addi %mul3A_2, %add3A_23 : i32
    %run_scoped3A_25 = arith.constant 3 : i32
    "tpu.region"() ({
      %run_scoped3A_335 = tpu.sem_alloc : memref<!tpu.dma_semaphore, #tpu.memory_space<semaphore_mem>>
      %dma_start3A_336 = arith.constant 0 : i32
      %dma_start3A_337 = tpu.memref_slice %arg11[%run_scoped3A_25, %dma_start3A_336] : memref<4x128xi32, #tpu.memory_space<vmem>> -> memref<1x128xi32, #tpu.memory_space<vmem>>
      %dma_start3A_338 = tpu.memref_squeeze %dma_start3A_337 : memref<1x128xi32, #tpu.memory_space<vmem>> -> memref<128xi32, #tpu.memory_space<vmem>>
      %dma_start3A_339 = tpu.memref_slice %arg3[%add3A_24] : memref<16384xi32, #tpu.memory_space<hbm>> -> memref<128xi32, #tpu.memory_space<hbm>>
      %dma_start3A_340 = arith.constant 0 : i32
      %dma_start3A_341 = tpu.memref_slice %arg11[%run_scoped3A_25, %dma_start3A_340] : memref<4x128xi32, #tpu.memory_space<vmem>> -> memref<1x128xi32, #tpu.memory_space<vmem>>
      %dma_start3A_342 = tpu.memref_squeeze %dma_start3A_341 : memref<1x128xi32, #tpu.memory_space<vmem>> -> memref<128xi32, #tpu.memory_space<vmem>>
      %dma_start3A_343 = tpu.memref_slice %arg3[%add3A_24] : memref<16384xi32, #tpu.memory_space<hbm>> -> memref<128xi32, #tpu.memory_space<hbm>>
      tpu.enqueue_dma source(%dma_start3A_343 : memref<128xi32, #tpu.memory_space<hbm>>) target(%dma_start3A_342 : memref<128xi32, #tpu.memory_space<vmem>>) target_semaphore(%run_scoped3A_335 : memref<!tpu.dma_semaphore, #tpu.memory_space<semaphore_mem>>)
      %dma_wait3A_344 = arith.constant 0 : i32
      %dma_wait3A_345 = tpu.memref_slice %arg11[%run_scoped3A_25, %dma_wait3A_344] : memref<4x128xi32, #tpu.memory_space<vmem>> -> memref<1x128xi32, #tpu.memory_space<vmem>>
      %dma_wait3A_346 = tpu.memref_squeeze %dma_wait3A_345 : memref<1x128xi32, #tpu.memory_space<vmem>> -> memref<128xi32, #tpu.memory_space<vmem>>
      %dma_wait3A_347 = tpu.memref_slice %arg3[%add3A_24] : memref<16384xi32, #tpu.memory_space<hbm>> -> memref<128xi32, #tpu.memory_space<hbm>>
      %dma_wait3A_348 = arith.constant 0 : i32
      %dma_wait3A_349 = tpu.memref_slice %arg11[%run_scoped3A_25, %dma_wait3A_348] : memref<4x128xi32, #tpu.memory_space<vmem>> -> memref<1x128xi32, #tpu.memory_space<vmem>>
      %dma_wait3A_350 = tpu.memref_squeeze %dma_wait3A_349 : memref<1x128xi32, #tpu.memory_space<vmem>> -> memref<128xi32, #tpu.memory_space<vmem>>
      %dma_wait3A_351 = tpu.memref_slice %arg3[%add3A_24] : memref<16384xi32, #tpu.memory_space<hbm>> -> memref<128xi32, #tpu.memory_space<hbm>>
      tpu.wait_dma2 semaphore(%run_scoped3A_335 : memref<!tpu.dma_semaphore, #tpu.memory_space<semaphore_mem>>) src(%dma_wait3A_351 : memref<128xi32, #tpu.memory_space<hbm>>) dst(%dma_wait3A_350 : memref<128xi32, #tpu.memory_space<vmem>>)
      tpu.yield
    }) : () -> ()
    "tpu.region"() ({
      %run_scoped3A_335 = tpu.sem_alloc : memref<!tpu.dma_semaphore, #tpu.memory_space<semaphore_mem>>
      %dma_start3A_336 = tpu.memref_slice %arg4[%mul3A_2] : memref<16384xf32, #tpu.memory_space<hbm>> -> memref<512xf32, #tpu.memory_space<hbm>>
      %dma_start3A_337 = tpu.memref_slice %arg4[%mul3A_2] : memref<16384xf32, #tpu.memory_space<hbm>> -> memref<512xf32, #tpu.memory_space<hbm>>
      tpu.enqueue_dma source(%dma_start3A_337 : memref<512xf32, #tpu.memory_space<hbm>>) target(%arg12 : memref<512xf32, #tpu.memory_space<vmem>>) target_semaphore(%run_scoped3A_335 : memref<!tpu.dma_semaphore, #tpu.memory_space<semaphore_mem>>)
      %dma_wait3A_338 = tpu.memref_slice %arg4[%mul3A_2] : memref<16384xf32, #tpu.memory_space<hbm>> -> memref<512xf32, #tpu.memory_space<hbm>>
      %dma_wait3A_339 = tpu.memref_slice %arg4[%mul3A_2] : memref<16384xf32, #tpu.memory_space<hbm>> -> memref<512xf32, #tpu.memory_space<hbm>>
      tpu.wait_dma2 semaphore(%run_scoped3A_335 : memref<!tpu.dma_semaphore, #tpu.memory_space<semaphore_mem>>) src(%dma_wait3A_339 : memref<512xf32, #tpu.memory_space<hbm>>) dst(%arg12 : memref<512xf32, #tpu.memory_space<vmem>>)
      tpu.yield
    }) : () -> ()
    %dma_start3A = arith.constant 0 : i32
    %dma_start3A_26 = arith.constant 0 : i32
    %dma_start3A_27 = arith.constant 0 : i32
    %dma_start3A_28 = tpu.memref_slice %arg13[%dma_start3A_26, %dma_start3A_27] : memref<512x64xf32, #tpu.memory_space<vmem>> -> memref<128x64xf32, #tpu.memory_space<vmem>>
    %dma_start3A_29 = arith.constant 0 : i32
    %dma_start3A_30 = tpu.memref_slice %arg10[%dma_start3A, %dma_start3A_29] : memref<4x128xi32, #tpu.memory_space<vmem>> -> memref<1x128xi32, #tpu.memory_space<vmem>>
    %dma_start3A_31 = tpu.memref_squeeze %dma_start3A_30 : memref<1x128xi32, #tpu.memory_space<vmem>> -> memref<128xi32, #tpu.memory_space<vmem>>
    %dma_start3A_32 = arith.constant 0 : i32
    %dma_start3A_33 = arith.constant 0 : i32
    %dma_start3A_34 = tpu.memref_slice %arg5[%dma_start3A_32, %dma_start3A_33] : memref<100000x64xf32, #tpu.memory_space<hbm>> -> memref<100000x64xf32, #tpu.memory_space<hbm>>
    tpu.enqueue_indirect_dma source(%dma_start3A_34 : memref<100000x64xf32, #tpu.memory_space<hbm>>) target(%dma_start3A_28 : memref<128x64xf32, #tpu.memory_space<vmem>>) offsets(%dma_start3A_31 : memref<128xi32, #tpu.memory_space<vmem>>) semaphore(%arg20 : memref<!tpu.dma_semaphore, #tpu.memory_space<semaphore_mem>>)
    %dma_start3A_35 = arith.constant 0 : i32
    %dma_start3A_36 = arith.constant 0 : i32
    %dma_start3A_37 = arith.constant 0 : i32
    %dma_start3A_38 = tpu.memref_slice %arg14[%dma_start3A_36, %dma_start3A_37] : memref<512x64xf32, #tpu.memory_space<vmem>> -> memref<128x64xf32, #tpu.memory_space<vmem>>
    %dma_start3A_39 = arith.constant 0 : i32
    %dma_start3A_40 = tpu.memref_slice %arg11[%dma_start3A_35, %dma_start3A_39] : memref<4x128xi32, #tpu.memory_space<vmem>> -> memref<1x128xi32, #tpu.memory_space<vmem>>
    %dma_start3A_41 = tpu.memref_squeeze %dma_start3A_40 : memref<1x128xi32, #tpu.memory_space<vmem>> -> memref<128xi32, #tpu.memory_space<vmem>>
    %dma_start3A_42 = arith.constant 0 : i32
    %dma_start3A_43 = arith.constant 0 : i32
    %dma_start3A_44 = tpu.memref_slice %arg6[%dma_start3A_42, %dma_start3A_43] : memref<100000x64xf32, #tpu.memory_space<hbm>> -> memref<100000x64xf32, #tpu.memory_space<hbm>>
    tpu.enqueue_indirect_dma source(%dma_start3A_44 : memref<100000x64xf32, #tpu.memory_space<hbm>>) target(%dma_start3A_38 : memref<128x64xf32, #tpu.memory_space<vmem>>) offsets(%dma_start3A_41 : memref<128xi32, #tpu.memory_space<vmem>>) semaphore(%arg20 : memref<!tpu.dma_semaphore, #tpu.memory_space<semaphore_mem>>)
    %dma_start3A_45 = arith.constant 0 : i32
    %dma_start3A_46 = arith.constant 0 : i32
    %dma_start3A_47 = tpu.memref_slice %arg15[%dma_start3A_46] : memref<512xf32, #tpu.memory_space<vmem>> -> memref<128xf32, #tpu.memory_space<vmem>>
    %dma_start3A_48 = arith.constant 0 : i32
    %dma_start3A_49 = tpu.memref_slice %arg10[%dma_start3A_45, %dma_start3A_48] : memref<4x128xi32, #tpu.memory_space<vmem>> -> memref<1x128xi32, #tpu.memory_space<vmem>>
    %dma_start3A_50 = tpu.memref_squeeze %dma_start3A_49 : memref<1x128xi32, #tpu.memory_space<vmem>> -> memref<128xi32, #tpu.memory_space<vmem>>
    %dma_start3A_51 = arith.constant 0 : i32
    %dma_start3A_52 = tpu.memref_slice %arg7[%dma_start3A_51] : memref<100000xf32, #tpu.memory_space<hbm>> -> memref<100000xf32, #tpu.memory_space<hbm>>
    tpu.enqueue_indirect_dma source(%dma_start3A_52 : memref<100000xf32, #tpu.memory_space<hbm>>) target(%dma_start3A_47 : memref<128xf32, #tpu.memory_space<vmem>>) offsets(%dma_start3A_50 : memref<128xi32, #tpu.memory_space<vmem>>) semaphore(%arg20 : memref<!tpu.dma_semaphore, #tpu.memory_space<semaphore_mem>>)
    %dma_start3A_53 = arith.constant 0 : i32
    %dma_start3A_54 = arith.constant 0 : i32
    %dma_start3A_55 = tpu.memref_slice %arg16[%dma_start3A_54] : memref<512xf32, #tpu.memory_space<vmem>> -> memref<128xf32, #tpu.memory_space<vmem>>
    %dma_start3A_56 = arith.constant 0 : i32
    %dma_start3A_57 = tpu.memref_slice %arg11[%dma_start3A_53, %dma_start3A_56] : memref<4x128xi32, #tpu.memory_space<vmem>> -> memref<1x128xi32, #tpu.memory_space<vmem>>
    %dma_start3A_58 = tpu.memref_squeeze %dma_start3A_57 : memref<1x128xi32, #tpu.memory_space<vmem>> -> memref<128xi32, #tpu.memory_space<vmem>>
    %dma_start3A_59 = arith.constant 0 : i32
    %dma_start3A_60 = tpu.memref_slice %arg8[%dma_start3A_59] : memref<100000xf32, #tpu.memory_space<hbm>> -> memref<100000xf32, #tpu.memory_space<hbm>>
    tpu.enqueue_indirect_dma source(%dma_start3A_60 : memref<100000xf32, #tpu.memory_space<hbm>>) target(%dma_start3A_55 : memref<128xf32, #tpu.memory_space<vmem>>) offsets(%dma_start3A_58 : memref<128xi32, #tpu.memory_space<vmem>>) semaphore(%arg20 : memref<!tpu.dma_semaphore, #tpu.memory_space<semaphore_mem>>)
    %dma_start3A_61 = arith.constant 1 : i32
    %dma_start3A_62 = arith.constant 128 : i32
    %dma_start3A_63 = arith.constant 0 : i32
    %dma_start3A_64 = tpu.memref_slice %arg13[%dma_start3A_62, %dma_start3A_63] : memref<512x64xf32, #tpu.memory_space<vmem>> -> memref<128x64xf32, #tpu.memory_space<vmem>>
    %dma_start3A_65 = arith.constant 0 : i32
    %dma_start3A_66 = tpu.memref_slice %arg10[%dma_start3A_61, %dma_start3A_65] : memref<4x128xi32, #tpu.memory_space<vmem>> -> memref<1x128xi32, #tpu.memory_space<vmem>>
    %dma_start3A_67 = tpu.memref_squeeze %dma_start3A_66 : memref<1x128xi32, #tpu.memory_space<vmem>> -> memref<128xi32, #tpu.memory_space<vmem>>
    %dma_start3A_68 = arith.constant 0 : i32
    %dma_start3A_69 = arith.constant 0 : i32
    %dma_start3A_70 = tpu.memref_slice %arg5[%dma_start3A_68, %dma_start3A_69] : memref<100000x64xf32, #tpu.memory_space<hbm>> -> memref<100000x64xf32, #tpu.memory_space<hbm>>
    tpu.enqueue_indirect_dma source(%dma_start3A_70 : memref<100000x64xf32, #tpu.memory_space<hbm>>) target(%dma_start3A_64 : memref<128x64xf32, #tpu.memory_space<vmem>>) offsets(%dma_start3A_67 : memref<128xi32, #tpu.memory_space<vmem>>) semaphore(%arg20 : memref<!tpu.dma_semaphore, #tpu.memory_space<semaphore_mem>>)
    %dma_start3A_71 = arith.constant 1 : i32
    %dma_start3A_72 = arith.constant 128 : i32
    %dma_start3A_73 = arith.constant 0 : i32
    %dma_start3A_74 = tpu.memref_slice %arg14[%dma_start3A_72, %dma_start3A_73] : memref<512x64xf32, #tpu.memory_space<vmem>> -> memref<128x64xf32, #tpu.memory_space<vmem>>
    %dma_start3A_75 = arith.constant 0 : i32
    %dma_start3A_76 = tpu.memref_slice %arg11[%dma_start3A_71, %dma_start3A_75] : memref<4x128xi32, #tpu.memory_space<vmem>> -> memref<1x128xi32, #tpu.memory_space<vmem>>
    %dma_start3A_77 = tpu.memref_squeeze %dma_start3A_76 : memref<1x128xi32, #tpu.memory_space<vmem>> -> memref<128xi32, #tpu.memory_space<vmem>>
    %dma_start3A_78 = arith.constant 0 : i32
    %dma_start3A_79 = arith.constant 0 : i32
    %dma_start3A_80 = tpu.memref_slice %arg6[%dma_start3A_78, %dma_start3A_79] : memref<100000x64xf32, #tpu.memory_space<hbm>> -> memref<100000x64xf32, #tpu.memory_space<hbm>>
    tpu.enqueue_indirect_dma source(%dma_start3A_80 : memref<100000x64xf32, #tpu.memory_space<hbm>>) target(%dma_start3A_74 : memref<128x64xf32, #tpu.memory_space<vmem>>) offsets(%dma_start3A_77 : memref<128xi32, #tpu.memory_space<vmem>>) semaphore(%arg20 : memref<!tpu.dma_semaphore, #tpu.memory_space<semaphore_mem>>)
    %dma_start3A_81 = arith.constant 1 : i32
    %dma_start3A_82 = arith.constant 128 : i32
    %dma_start3A_83 = tpu.memref_slice %arg15[%dma_start3A_82] : memref<512xf32, #tpu.memory_space<vmem>> -> memref<128xf32, #tpu.memory_space<vmem>>
    %dma_start3A_84 = arith.constant 0 : i32
    %dma_start3A_85 = tpu.memref_slice %arg10[%dma_start3A_81, %dma_start3A_84] : memref<4x128xi32, #tpu.memory_space<vmem>> -> memref<1x128xi32, #tpu.memory_space<vmem>>
    %dma_start3A_86 = tpu.memref_squeeze %dma_start3A_85 : memref<1x128xi32, #tpu.memory_space<vmem>> -> memref<128xi32, #tpu.memory_space<vmem>>
    %dma_start3A_87 = arith.constant 0 : i32
    %dma_start3A_88 = tpu.memref_slice %arg7[%dma_start3A_87] : memref<100000xf32, #tpu.memory_space<hbm>> -> memref<100000xf32, #tpu.memory_space<hbm>>
    tpu.enqueue_indirect_dma source(%dma_start3A_88 : memref<100000xf32, #tpu.memory_space<hbm>>) target(%dma_start3A_83 : memref<128xf32, #tpu.memory_space<vmem>>) offsets(%dma_start3A_86 : memref<128xi32, #tpu.memory_space<vmem>>) semaphore(%arg20 : memref<!tpu.dma_semaphore, #tpu.memory_space<semaphore_mem>>)
    %dma_start3A_89 = arith.constant 1 : i32
    %dma_start3A_90 = arith.constant 128 : i32
    %dma_start3A_91 = tpu.memref_slice %arg16[%dma_start3A_90] : memref<512xf32, #tpu.memory_space<vmem>> -> memref<128xf32, #tpu.memory_space<vmem>>
    %dma_start3A_92 = arith.constant 0 : i32
    %dma_start3A_93 = tpu.memref_slice %arg11[%dma_start3A_89, %dma_start3A_92] : memref<4x128xi32, #tpu.memory_space<vmem>> -> memref<1x128xi32, #tpu.memory_space<vmem>>
    %dma_start3A_94 = tpu.memref_squeeze %dma_start3A_93 : memref<1x128xi32, #tpu.memory_space<vmem>> -> memref<128xi32, #tpu.memory_space<vmem>>
    %dma_start3A_95 = arith.constant 0 : i32
    %dma_start3A_96 = tpu.memref_slice %arg8[%dma_start3A_95] : memref<100000xf32, #tpu.memory_space<hbm>> -> memref<100000xf32, #tpu.memory_space<hbm>>
    tpu.enqueue_indirect_dma source(%dma_start3A_96 : memref<100000xf32, #tpu.memory_space<hbm>>) target(%dma_start3A_91 : memref<128xf32, #tpu.memory_space<vmem>>) offsets(%dma_start3A_94 : memref<128xi32, #tpu.memory_space<vmem>>) semaphore(%arg20 : memref<!tpu.dma_semaphore, #tpu.memory_space<semaphore_mem>>)
    %dma_start3A_97 = arith.constant 2 : i32
    %dma_start3A_98 = arith.constant 256 : i32
    %dma_start3A_99 = arith.constant 0 : i32
    %dma_start3A_100 = tpu.memref_slice %arg13[%dma_start3A_98, %dma_start3A_99] : memref<512x64xf32, #tpu.memory_space<vmem>> -> memref<128x64xf32, #tpu.memory_space<vmem>>
    %dma_start3A_101 = arith.constant 0 : i32
    %dma_start3A_102 = tpu.memref_slice %arg10[%dma_start3A_97, %dma_start3A_101] : memref<4x128xi32, #tpu.memory_space<vmem>> -> memref<1x128xi32, #tpu.memory_space<vmem>>
    %dma_start3A_103 = tpu.memref_squeeze %dma_start3A_102 : memref<1x128xi32, #tpu.memory_space<vmem>> -> memref<128xi32, #tpu.memory_space<vmem>>
    %dma_start3A_104 = arith.constant 0 : i32
    %dma_start3A_105 = arith.constant 0 : i32
    %dma_start3A_106 = tpu.memref_slice %arg5[%dma_start3A_104, %dma_start3A_105] : memref<100000x64xf32, #tpu.memory_space<hbm>> -> memref<100000x64xf32, #tpu.memory_space<hbm>>
    tpu.enqueue_indirect_dma source(%dma_start3A_106 : memref<100000x64xf32, #tpu.memory_space<hbm>>) target(%dma_start3A_100 : memref<128x64xf32, #tpu.memory_space<vmem>>) offsets(%dma_start3A_103 : memref<128xi32, #tpu.memory_space<vmem>>) semaphore(%arg20 : memref<!tpu.dma_semaphore, #tpu.memory_space<semaphore_mem>>)
    %dma_start3A_107 = arith.constant 2 : i32
    %dma_start3A_108 = arith.constant 256 : i32
    %dma_start3A_109 = arith.constant 0 : i32
    %dma_start3A_110 = tpu.memref_slice %arg14[%dma_start3A_108, %dma_start3A_109] : memref<512x64xf32, #tpu.memory_space<vmem>> -> memref<128x64xf32, #tpu.memory_space<vmem>>
    %dma_start3A_111 = arith.constant 0 : i32
    %dma_start3A_112 = tpu.memref_slice %arg11[%dma_start3A_107, %dma_start3A_111] : memref<4x128xi32, #tpu.memory_space<vmem>> -> memref<1x128xi32, #tpu.memory_space<vmem>>
    %dma_start3A_113 = tpu.memref_squeeze %dma_start3A_112 : memref<1x128xi32, #tpu.memory_space<vmem>> -> memref<128xi32, #tpu.memory_space<vmem>>
    %dma_start3A_114 = arith.constant 0 : i32
    %dma_start3A_115 = arith.constant 0 : i32
    %dma_start3A_116 = tpu.memref_slice %arg6[%dma_start3A_114, %dma_start3A_115] : memref<100000x64xf32, #tpu.memory_space<hbm>> -> memref<100000x64xf32, #tpu.memory_space<hbm>>
    tpu.enqueue_indirect_dma source(%dma_start3A_116 : memref<100000x64xf32, #tpu.memory_space<hbm>>) target(%dma_start3A_110 : memref<128x64xf32, #tpu.memory_space<vmem>>) offsets(%dma_start3A_113 : memref<128xi32, #tpu.memory_space<vmem>>) semaphore(%arg20 : memref<!tpu.dma_semaphore, #tpu.memory_space<semaphore_mem>>)
    %dma_start3A_117 = arith.constant 2 : i32
    %dma_start3A_118 = arith.constant 256 : i32
    %dma_start3A_119 = tpu.memref_slice %arg15[%dma_start3A_118] : memref<512xf32, #tpu.memory_space<vmem>> -> memref<128xf32, #tpu.memory_space<vmem>>
    %dma_start3A_120 = arith.constant 0 : i32
    %dma_start3A_121 = tpu.memref_slice %arg10[%dma_start3A_117, %dma_start3A_120] : memref<4x128xi32, #tpu.memory_space<vmem>> -> memref<1x128xi32, #tpu.memory_space<vmem>>
    %dma_start3A_122 = tpu.memref_squeeze %dma_start3A_121 : memref<1x128xi32, #tpu.memory_space<vmem>> -> memref<128xi32, #tpu.memory_space<vmem>>
    %dma_start3A_123 = arith.constant 0 : i32
    %dma_start3A_124 = tpu.memref_slice %arg7[%dma_start3A_123] : memref<100000xf32, #tpu.memory_space<hbm>> -> memref<100000xf32, #tpu.memory_space<hbm>>
    tpu.enqueue_indirect_dma source(%dma_start3A_124 : memref<100000xf32, #tpu.memory_space<hbm>>) target(%dma_start3A_119 : memref<128xf32, #tpu.memory_space<vmem>>) offsets(%dma_start3A_122 : memref<128xi32, #tpu.memory_space<vmem>>) semaphore(%arg20 : memref<!tpu.dma_semaphore, #tpu.memory_space<semaphore_mem>>)
    %dma_start3A_125 = arith.constant 2 : i32
    %dma_start3A_126 = arith.constant 256 : i32
    %dma_start3A_127 = tpu.memref_slice %arg16[%dma_start3A_126] : memref<512xf32, #tpu.memory_space<vmem>> -> memref<128xf32, #tpu.memory_space<vmem>>
    %dma_start3A_128 = arith.constant 0 : i32
    %dma_start3A_129 = tpu.memref_slice %arg11[%dma_start3A_125, %dma_start3A_128] : memref<4x128xi32, #tpu.memory_space<vmem>> -> memref<1x128xi32, #tpu.memory_space<vmem>>
    %dma_start3A_130 = tpu.memref_squeeze %dma_start3A_129 : memref<1x128xi32, #tpu.memory_space<vmem>> -> memref<128xi32, #tpu.memory_space<vmem>>
    %dma_start3A_131 = arith.constant 0 : i32
    %dma_start3A_132 = tpu.memref_slice %arg8[%dma_start3A_131] : memref<100000xf32, #tpu.memory_space<hbm>> -> memref<100000xf32, #tpu.memory_space<hbm>>
    tpu.enqueue_indirect_dma source(%dma_start3A_132 : memref<100000xf32, #tpu.memory_space<hbm>>) target(%dma_start3A_127 : memref<128xf32, #tpu.memory_space<vmem>>) offsets(%dma_start3A_130 : memref<128xi32, #tpu.memory_space<vmem>>) semaphore(%arg20 : memref<!tpu.dma_semaphore, #tpu.memory_space<semaphore_mem>>)
    %dma_start3A_133 = arith.constant 3 : i32
    %dma_start3A_134 = arith.constant 384 : i32
    %dma_start3A_135 = arith.constant 0 : i32
    %dma_start3A_136 = tpu.memref_slice %arg13[%dma_start3A_134, %dma_start3A_135] : memref<512x64xf32, #tpu.memory_space<vmem>> -> memref<128x64xf32, #tpu.memory_space<vmem>>
    %dma_start3A_137 = arith.constant 0 : i32
    %dma_start3A_138 = tpu.memref_slice %arg10[%dma_start3A_133, %dma_start3A_137] : memref<4x128xi32, #tpu.memory_space<vmem>> -> memref<1x128xi32, #tpu.memory_space<vmem>>
    %dma_start3A_139 = tpu.memref_squeeze %dma_start3A_138 : memref<1x128xi32, #tpu.memory_space<vmem>> -> memref<128xi32, #tpu.memory_space<vmem>>
    %dma_start3A_140 = arith.constant 0 : i32
    %dma_start3A_141 = arith.constant 0 : i32
    %dma_start3A_142 = tpu.memref_slice %arg5[%dma_start3A_140, %dma_start3A_141] : memref<100000x64xf32, #tpu.memory_space<hbm>> -> memref<100000x64xf32, #tpu.memory_space<hbm>>
    tpu.enqueue_indirect_dma source(%dma_start3A_142 : memref<100000x64xf32, #tpu.memory_space<hbm>>) target(%dma_start3A_136 : memref<128x64xf32, #tpu.memory_space<vmem>>) offsets(%dma_start3A_139 : memref<128xi32, #tpu.memory_space<vmem>>) semaphore(%arg20 : memref<!tpu.dma_semaphore, #tpu.memory_space<semaphore_mem>>)
    %dma_start3A_143 = arith.constant 3 : i32
    %dma_start3A_144 = arith.constant 384 : i32
    %dma_start3A_145 = arith.constant 0 : i32
    %dma_start3A_146 = tpu.memref_slice %arg14[%dma_start3A_144, %dma_start3A_145] : memref<512x64xf32, #tpu.memory_space<vmem>> -> memref<128x64xf32, #tpu.memory_space<vmem>>
    %dma_start3A_147 = arith.constant 0 : i32
    %dma_start3A_148 = tpu.memref_slice %arg11[%dma_start3A_143, %dma_start3A_147] : memref<4x128xi32, #tpu.memory_space<vmem>> -> memref<1x128xi32, #tpu.memory_space<vmem>>
    %dma_start3A_149 = tpu.memref_squeeze %dma_start3A_148 : memref<1x128xi32, #tpu.memory_space<vmem>> -> memref<128xi32, #tpu.memory_space<vmem>>
    %dma_start3A_150 = arith.constant 0 : i32
    %dma_start3A_151 = arith.constant 0 : i32
    %dma_start3A_152 = tpu.memref_slice %arg6[%dma_start3A_150, %dma_start3A_151] : memref<100000x64xf32, #tpu.memory_space<hbm>> -> memref<100000x64xf32, #tpu.memory_space<hbm>>
    tpu.enqueue_indirect_dma source(%dma_start3A_152 : memref<100000x64xf32, #tpu.memory_space<hbm>>) target(%dma_start3A_146 : memref<128x64xf32, #tpu.memory_space<vmem>>) offsets(%dma_start3A_149 : memref<128xi32, #tpu.memory_space<vmem>>) semaphore(%arg20 : memref<!tpu.dma_semaphore, #tpu.memory_space<semaphore_mem>>)
    %dma_start3A_153 = arith.constant 3 : i32
    %dma_start3A_154 = arith.constant 384 : i32
    %dma_start3A_155 = tpu.memref_slice %arg15[%dma_start3A_154] : memref<512xf32, #tpu.memory_space<vmem>> -> memref<128xf32, #tpu.memory_space<vmem>>
    %dma_start3A_156 = arith.constant 0 : i32
    %dma_start3A_157 = tpu.memref_slice %arg10[%dma_start3A_153, %dma_start3A_156] : memref<4x128xi32, #tpu.memory_space<vmem>> -> memref<1x128xi32, #tpu.memory_space<vmem>>
    %dma_start3A_158 = tpu.memref_squeeze %dma_start3A_157 : memref<1x128xi32, #tpu.memory_space<vmem>> -> memref<128xi32, #tpu.memory_space<vmem>>
    %dma_start3A_159 = arith.constant 0 : i32
    %dma_start3A_160 = tpu.memref_slice %arg7[%dma_start3A_159] : memref<100000xf32, #tpu.memory_space<hbm>> -> memref<100000xf32, #tpu.memory_space<hbm>>
    tpu.enqueue_indirect_dma source(%dma_start3A_160 : memref<100000xf32, #tpu.memory_space<hbm>>) target(%dma_start3A_155 : memref<128xf32, #tpu.memory_space<vmem>>) offsets(%dma_start3A_158 : memref<128xi32, #tpu.memory_space<vmem>>) semaphore(%arg20 : memref<!tpu.dma_semaphore, #tpu.memory_space<semaphore_mem>>)
    %dma_start3A_161 = arith.constant 3 : i32
    %dma_start3A_162 = arith.constant 384 : i32
    %dma_start3A_163 = tpu.memref_slice %arg16[%dma_start3A_162] : memref<512xf32, #tpu.memory_space<vmem>> -> memref<128xf32, #tpu.memory_space<vmem>>
    %dma_start3A_164 = arith.constant 0 : i32
    %dma_start3A_165 = tpu.memref_slice %arg11[%dma_start3A_161, %dma_start3A_164] : memref<4x128xi32, #tpu.memory_space<vmem>> -> memref<1x128xi32, #tpu.memory_space<vmem>>
    %dma_start3A_166 = tpu.memref_squeeze %dma_start3A_165 : memref<1x128xi32, #tpu.memory_space<vmem>> -> memref<128xi32, #tpu.memory_space<vmem>>
    %dma_start3A_167 = arith.constant 0 : i32
    %dma_start3A_168 = tpu.memref_slice %arg8[%dma_start3A_167] : memref<100000xf32, #tpu.memory_space<hbm>> -> memref<100000xf32, #tpu.memory_space<hbm>>
    tpu.enqueue_indirect_dma source(%dma_start3A_168 : memref<100000xf32, #tpu.memory_space<hbm>>) target(%dma_start3A_163 : memref<128xf32, #tpu.memory_space<vmem>>) offsets(%dma_start3A_166 : memref<128xi32, #tpu.memory_space<vmem>>) semaphore(%arg20 : memref<!tpu.dma_semaphore, #tpu.memory_space<semaphore_mem>>)
    %dma_wait3A = arith.constant 0 : i32
    %dma_wait3A_169 = arith.constant 0 : i32
    %dma_wait3A_170 = arith.constant 0 : i32
    %dma_wait3A_171 = tpu.memref_slice %arg13[%dma_wait3A_169, %dma_wait3A_170] : memref<512x64xf32, #tpu.memory_space<vmem>> -> memref<128x64xf32, #tpu.memory_space<vmem>>
    %dma_wait3A_172 = arith.constant 0 : i32
    %dma_wait3A_173 = tpu.memref_slice %arg10[%dma_wait3A, %dma_wait3A_172] : memref<4x128xi32, #tpu.memory_space<vmem>> -> memref<1x128xi32, #tpu.memory_space<vmem>>
    %dma_wait3A_174 = tpu.memref_squeeze %dma_wait3A_173 : memref<1x128xi32, #tpu.memory_space<vmem>> -> memref<128xi32, #tpu.memory_space<vmem>>
    %dma_wait3A_175 = arith.constant 0 : i32
    %dma_wait3A_176 = arith.constant 0 : i32
    %dma_wait3A_177 = tpu.memref_slice %arg5[%dma_wait3A_175, %dma_wait3A_176] : memref<100000x64xf32, #tpu.memory_space<hbm>> -> memref<100000x64xf32, #tpu.memory_space<hbm>>
    tpu.wait_indirect_dma semaphore(%arg20 : memref<!tpu.dma_semaphore, #tpu.memory_space<semaphore_mem>>) src(%dma_wait3A_177 : memref<100000x64xf32, #tpu.memory_space<hbm>>) dst(%dma_wait3A_171 : memref<128x64xf32, #tpu.memory_space<vmem>>)
    %dma_wait3A_178 = arith.constant 0 : i32
    %dma_wait3A_179 = arith.constant 0 : i32
    %dma_wait3A_180 = arith.constant 0 : i32
    %dma_wait3A_181 = tpu.memref_slice %arg14[%dma_wait3A_179, %dma_wait3A_180] : memref<512x64xf32, #tpu.memory_space<vmem>> -> memref<128x64xf32, #tpu.memory_space<vmem>>
    %dma_wait3A_182 = arith.constant 0 : i32
    %dma_wait3A_183 = tpu.memref_slice %arg11[%dma_wait3A_178, %dma_wait3A_182] : memref<4x128xi32, #tpu.memory_space<vmem>> -> memref<1x128xi32, #tpu.memory_space<vmem>>
    %dma_wait3A_184 = tpu.memref_squeeze %dma_wait3A_183 : memref<1x128xi32, #tpu.memory_space<vmem>> -> memref<128xi32, #tpu.memory_space<vmem>>
    %dma_wait3A_185 = arith.constant 0 : i32
    %dma_wait3A_186 = arith.constant 0 : i32
    %dma_wait3A_187 = tpu.memref_slice %arg6[%dma_wait3A_185, %dma_wait3A_186] : memref<100000x64xf32, #tpu.memory_space<hbm>> -> memref<100000x64xf32, #tpu.memory_space<hbm>>
    tpu.wait_indirect_dma semaphore(%arg20 : memref<!tpu.dma_semaphore, #tpu.memory_space<semaphore_mem>>) src(%dma_wait3A_187 : memref<100000x64xf32, #tpu.memory_space<hbm>>) dst(%dma_wait3A_181 : memref<128x64xf32, #tpu.memory_space<vmem>>)
    %dma_wait3A_188 = arith.constant 0 : i32
    %dma_wait3A_189 = arith.constant 0 : i32
    %dma_wait3A_190 = tpu.memref_slice %arg15[%dma_wait3A_189] : memref<512xf32, #tpu.memory_space<vmem>> -> memref<128xf32, #tpu.memory_space<vmem>>
    %dma_wait3A_191 = arith.constant 0 : i32
    %dma_wait3A_192 = tpu.memref_slice %arg10[%dma_wait3A_188, %dma_wait3A_191] : memref<4x128xi32, #tpu.memory_space<vmem>> -> memref<1x128xi32, #tpu.memory_space<vmem>>
    %dma_wait3A_193 = tpu.memref_squeeze %dma_wait3A_192 : memref<1x128xi32, #tpu.memory_space<vmem>> -> memref<128xi32, #tpu.memory_space<vmem>>
    %dma_wait3A_194 = arith.constant 0 : i32
    %dma_wait3A_195 = tpu.memref_slice %arg7[%dma_wait3A_194] : memref<100000xf32, #tpu.memory_space<hbm>> -> memref<100000xf32, #tpu.memory_space<hbm>>
    tpu.wait_indirect_dma semaphore(%arg20 : memref<!tpu.dma_semaphore, #tpu.memory_space<semaphore_mem>>) src(%dma_wait3A_195 : memref<100000xf32, #tpu.memory_space<hbm>>) dst(%dma_wait3A_190 : memref<128xf32, #tpu.memory_space<vmem>>)
    %dma_wait3A_196 = arith.constant 0 : i32
    %dma_wait3A_197 = arith.constant 0 : i32
    %dma_wait3A_198 = tpu.memref_slice %arg16[%dma_wait3A_197] : memref<512xf32, #tpu.memory_space<vmem>> -> memref<128xf32, #tpu.memory_space<vmem>>
    %dma_wait3A_199 = arith.constant 0 : i32
    %dma_wait3A_200 = tpu.memref_slice %arg11[%dma_wait3A_196, %dma_wait3A_199] : memref<4x128xi32, #tpu.memory_space<vmem>> -> memref<1x128xi32, #tpu.memory_space<vmem>>
    %dma_wait3A_201 = tpu.memref_squeeze %dma_wait3A_200 : memref<1x128xi32, #tpu.memory_space<vmem>> -> memref<128xi32, #tpu.memory_space<vmem>>
    %dma_wait3A_202 = arith.constant 0 : i32
    %dma_wait3A_203 = tpu.memref_slice %arg8[%dma_wait3A_202] : memref<100000xf32, #tpu.memory_space<hbm>> -> memref<100000xf32, #tpu.memory_space<hbm>>
    tpu.wait_indirect_dma semaphore(%arg20 : memref<!tpu.dma_semaphore, #tpu.memory_space<semaphore_mem>>) src(%dma_wait3A_203 : memref<100000xf32, #tpu.memory_space<hbm>>) dst(%dma_wait3A_198 : memref<128xf32, #tpu.memory_space<vmem>>)
    %dma_wait3A_204 = arith.constant 1 : i32
    %dma_wait3A_205 = arith.constant 128 : i32
    %dma_wait3A_206 = arith.constant 0 : i32
    %dma_wait3A_207 = tpu.memref_slice %arg13[%dma_wait3A_205, %dma_wait3A_206] : memref<512x64xf32, #tpu.memory_space<vmem>> -> memref<128x64xf32, #tpu.memory_space<vmem>>
    %dma_wait3A_208 = arith.constant 0 : i32
    %dma_wait3A_209 = tpu.memref_slice %arg10[%dma_wait3A_204, %dma_wait3A_208] : memref<4x128xi32, #tpu.memory_space<vmem>> -> memref<1x128xi32, #tpu.memory_space<vmem>>
    %dma_wait3A_210 = tpu.memref_squeeze %dma_wait3A_209 : memref<1x128xi32, #tpu.memory_space<vmem>> -> memref<128xi32, #tpu.memory_space<vmem>>
    %dma_wait3A_211 = arith.constant 0 : i32
    %dma_wait3A_212 = arith.constant 0 : i32
    %dma_wait3A_213 = tpu.memref_slice %arg5[%dma_wait3A_211, %dma_wait3A_212] : memref<100000x64xf32, #tpu.memory_space<hbm>> -> memref<100000x64xf32, #tpu.memory_space<hbm>>
    tpu.wait_indirect_dma semaphore(%arg20 : memref<!tpu.dma_semaphore, #tpu.memory_space<semaphore_mem>>) src(%dma_wait3A_213 : memref<100000x64xf32, #tpu.memory_space<hbm>>) dst(%dma_wait3A_207 : memref<128x64xf32, #tpu.memory_space<vmem>>)
    %dma_wait3A_214 = arith.constant 1 : i32
    %dma_wait3A_215 = arith.constant 128 : i32
    %dma_wait3A_216 = arith.constant 0 : i32
    %dma_wait3A_217 = tpu.memref_slice %arg14[%dma_wait3A_215, %dma_wait3A_216] : memref<512x64xf32, #tpu.memory_space<vmem>> -> memref<128x64xf32, #tpu.memory_space<vmem>>
    %dma_wait3A_218 = arith.constant 0 : i32
    %dma_wait3A_219 = tpu.memref_slice %arg11[%dma_wait3A_214, %dma_wait3A_218] : memref<4x128xi32, #tpu.memory_space<vmem>> -> memref<1x128xi32, #tpu.memory_space<vmem>>
    %dma_wait3A_220 = tpu.memref_squeeze %dma_wait3A_219 : memref<1x128xi32, #tpu.memory_space<vmem>> -> memref<128xi32, #tpu.memory_space<vmem>>
    %dma_wait3A_221 = arith.constant 0 : i32
    %dma_wait3A_222 = arith.constant 0 : i32
    %dma_wait3A_223 = tpu.memref_slice %arg6[%dma_wait3A_221, %dma_wait3A_222] : memref<100000x64xf32, #tpu.memory_space<hbm>> -> memref<100000x64xf32, #tpu.memory_space<hbm>>
    tpu.wait_indirect_dma semaphore(%arg20 : memref<!tpu.dma_semaphore, #tpu.memory_space<semaphore_mem>>) src(%dma_wait3A_223 : memref<100000x64xf32, #tpu.memory_space<hbm>>) dst(%dma_wait3A_217 : memref<128x64xf32, #tpu.memory_space<vmem>>)
    %dma_wait3A_224 = arith.constant 1 : i32
    %dma_wait3A_225 = arith.constant 128 : i32
    %dma_wait3A_226 = tpu.memref_slice %arg15[%dma_wait3A_225] : memref<512xf32, #tpu.memory_space<vmem>> -> memref<128xf32, #tpu.memory_space<vmem>>
    %dma_wait3A_227 = arith.constant 0 : i32
    %dma_wait3A_228 = tpu.memref_slice %arg10[%dma_wait3A_224, %dma_wait3A_227] : memref<4x128xi32, #tpu.memory_space<vmem>> -> memref<1x128xi32, #tpu.memory_space<vmem>>
    %dma_wait3A_229 = tpu.memref_squeeze %dma_wait3A_228 : memref<1x128xi32, #tpu.memory_space<vmem>> -> memref<128xi32, #tpu.memory_space<vmem>>
    %dma_wait3A_230 = arith.constant 0 : i32
    %dma_wait3A_231 = tpu.memref_slice %arg7[%dma_wait3A_230] : memref<100000xf32, #tpu.memory_space<hbm>> -> memref<100000xf32, #tpu.memory_space<hbm>>
    tpu.wait_indirect_dma semaphore(%arg20 : memref<!tpu.dma_semaphore, #tpu.memory_space<semaphore_mem>>) src(%dma_wait3A_231 : memref<100000xf32, #tpu.memory_space<hbm>>) dst(%dma_wait3A_226 : memref<128xf32, #tpu.memory_space<vmem>>)
    %dma_wait3A_232 = arith.constant 1 : i32
    %dma_wait3A_233 = arith.constant 128 : i32
    %dma_wait3A_234 = tpu.memref_slice %arg16[%dma_wait3A_233] : memref<512xf32, #tpu.memory_space<vmem>> -> memref<128xf32, #tpu.memory_space<vmem>>
    %dma_wait3A_235 = arith.constant 0 : i32
    %dma_wait3A_236 = tpu.memref_slice %arg11[%dma_wait3A_232, %dma_wait3A_235] : memref<4x128xi32, #tpu.memory_space<vmem>> -> memref<1x128xi32, #tpu.memory_space<vmem>>
    %dma_wait3A_237 = tpu.memref_squeeze %dma_wait3A_236 : memref<1x128xi32, #tpu.memory_space<vmem>> -> memref<128xi32, #tpu.memory_space<vmem>>
    %dma_wait3A_238 = arith.constant 0 : i32
    %dma_wait3A_239 = tpu.memref_slice %arg8[%dma_wait3A_238] : memref<100000xf32, #tpu.memory_space<hbm>> -> memref<100000xf32, #tpu.memory_space<hbm>>
    tpu.wait_indirect_dma semaphore(%arg20 : memref<!tpu.dma_semaphore, #tpu.memory_space<semaphore_mem>>) src(%dma_wait3A_239 : memref<100000xf32, #tpu.memory_space<hbm>>) dst(%dma_wait3A_234 : memref<128xf32, #tpu.memory_space<vmem>>)
    %dma_wait3A_240 = arith.constant 2 : i32
    %dma_wait3A_241 = arith.constant 256 : i32
    %dma_wait3A_242 = arith.constant 0 : i32
    %dma_wait3A_243 = tpu.memref_slice %arg13[%dma_wait3A_241, %dma_wait3A_242] : memref<512x64xf32, #tpu.memory_space<vmem>> -> memref<128x64xf32, #tpu.memory_space<vmem>>
    %dma_wait3A_244 = arith.constant 0 : i32
    %dma_wait3A_245 = tpu.memref_slice %arg10[%dma_wait3A_240, %dma_wait3A_244] : memref<4x128xi32, #tpu.memory_space<vmem>> -> memref<1x128xi32, #tpu.memory_space<vmem>>
    %dma_wait3A_246 = tpu.memref_squeeze %dma_wait3A_245 : memref<1x128xi32, #tpu.memory_space<vmem>> -> memref<128xi32, #tpu.memory_space<vmem>>
    %dma_wait3A_247 = arith.constant 0 : i32
    %dma_wait3A_248 = arith.constant 0 : i32
    %dma_wait3A_249 = tpu.memref_slice %arg5[%dma_wait3A_247, %dma_wait3A_248] : memref<100000x64xf32, #tpu.memory_space<hbm>> -> memref<100000x64xf32, #tpu.memory_space<hbm>>
    tpu.wait_indirect_dma semaphore(%arg20 : memref<!tpu.dma_semaphore, #tpu.memory_space<semaphore_mem>>) src(%dma_wait3A_249 : memref<100000x64xf32, #tpu.memory_space<hbm>>) dst(%dma_wait3A_243 : memref<128x64xf32, #tpu.memory_space<vmem>>)
    %dma_wait3A_250 = arith.constant 2 : i32
    %dma_wait3A_251 = arith.constant 256 : i32
    %dma_wait3A_252 = arith.constant 0 : i32
    %dma_wait3A_253 = tpu.memref_slice %arg14[%dma_wait3A_251, %dma_wait3A_252] : memref<512x64xf32, #tpu.memory_space<vmem>> -> memref<128x64xf32, #tpu.memory_space<vmem>>
    %dma_wait3A_254 = arith.constant 0 : i32
    %dma_wait3A_255 = tpu.memref_slice %arg11[%dma_wait3A_250, %dma_wait3A_254] : memref<4x128xi32, #tpu.memory_space<vmem>> -> memref<1x128xi32, #tpu.memory_space<vmem>>
    %dma_wait3A_256 = tpu.memref_squeeze %dma_wait3A_255 : memref<1x128xi32, #tpu.memory_space<vmem>> -> memref<128xi32, #tpu.memory_space<vmem>>
    %dma_wait3A_257 = arith.constant 0 : i32
    %dma_wait3A_258 = arith.constant 0 : i32
    %dma_wait3A_259 = tpu.memref_slice %arg6[%dma_wait3A_257, %dma_wait3A_258] : memref<100000x64xf32, #tpu.memory_space<hbm>> -> memref<100000x64xf32, #tpu.memory_space<hbm>>
    tpu.wait_indirect_dma semaphore(%arg20 : memref<!tpu.dma_semaphore, #tpu.memory_space<semaphore_mem>>) src(%dma_wait3A_259 : memref<100000x64xf32, #tpu.memory_space<hbm>>) dst(%dma_wait3A_253 : memref<128x64xf32, #tpu.memory_space<vmem>>)
    %dma_wait3A_260 = arith.constant 2 : i32
    %dma_wait3A_261 = arith.constant 256 : i32
    %dma_wait3A_262 = tpu.memref_slice %arg15[%dma_wait3A_261] : memref<512xf32, #tpu.memory_space<vmem>> -> memref<128xf32, #tpu.memory_space<vmem>>
    %dma_wait3A_263 = arith.constant 0 : i32
    %dma_wait3A_264 = tpu.memref_slice %arg10[%dma_wait3A_260, %dma_wait3A_263] : memref<4x128xi32, #tpu.memory_space<vmem>> -> memref<1x128xi32, #tpu.memory_space<vmem>>
    %dma_wait3A_265 = tpu.memref_squeeze %dma_wait3A_264 : memref<1x128xi32, #tpu.memory_space<vmem>> -> memref<128xi32, #tpu.memory_space<vmem>>
    %dma_wait3A_266 = arith.constant 0 : i32
    %dma_wait3A_267 = tpu.memref_slice %arg7[%dma_wait3A_266] : memref<100000xf32, #tpu.memory_space<hbm>> -> memref<100000xf32, #tpu.memory_space<hbm>>
    tpu.wait_indirect_dma semaphore(%arg20 : memref<!tpu.dma_semaphore, #tpu.memory_space<semaphore_mem>>) src(%dma_wait3A_267 : memref<100000xf32, #tpu.memory_space<hbm>>) dst(%dma_wait3A_262 : memref<128xf32, #tpu.memory_space<vmem>>)
    %dma_wait3A_268 = arith.constant 2 : i32
    %dma_wait3A_269 = arith.constant 256 : i32
    %dma_wait3A_270 = tpu.memref_slice %arg16[%dma_wait3A_269] : memref<512xf32, #tpu.memory_space<vmem>> -> memref<128xf32, #tpu.memory_space<vmem>>
    %dma_wait3A_271 = arith.constant 0 : i32
    %dma_wait3A_272 = tpu.memref_slice %arg11[%dma_wait3A_268, %dma_wait3A_271] : memref<4x128xi32, #tpu.memory_space<vmem>> -> memref<1x128xi32, #tpu.memory_space<vmem>>
    %dma_wait3A_273 = tpu.memref_squeeze %dma_wait3A_272 : memref<1x128xi32, #tpu.memory_space<vmem>> -> memref<128xi32, #tpu.memory_space<vmem>>
    %dma_wait3A_274 = arith.constant 0 : i32
    %dma_wait3A_275 = tpu.memref_slice %arg8[%dma_wait3A_274] : memref<100000xf32, #tpu.memory_space<hbm>> -> memref<100000xf32, #tpu.memory_space<hbm>>
    tpu.wait_indirect_dma semaphore(%arg20 : memref<!tpu.dma_semaphore, #tpu.memory_space<semaphore_mem>>) src(%dma_wait3A_275 : memref<100000xf32, #tpu.memory_space<hbm>>) dst(%dma_wait3A_270 : memref<128xf32, #tpu.memory_space<vmem>>)
    %dma_wait3A_276 = arith.constant 3 : i32
    %dma_wait3A_277 = arith.constant 384 : i32
    %dma_wait3A_278 = arith.constant 0 : i32
    %dma_wait3A_279 = tpu.memref_slice %arg13[%dma_wait3A_277, %dma_wait3A_278] : memref<512x64xf32, #tpu.memory_space<vmem>> -> memref<128x64xf32, #tpu.memory_space<vmem>>
    %dma_wait3A_280 = arith.constant 0 : i32
    %dma_wait3A_281 = tpu.memref_slice %arg10[%dma_wait3A_276, %dma_wait3A_280] : memref<4x128xi32, #tpu.memory_space<vmem>> -> memref<1x128xi32, #tpu.memory_space<vmem>>
    %dma_wait3A_282 = tpu.memref_squeeze %dma_wait3A_281 : memref<1x128xi32, #tpu.memory_space<vmem>> -> memref<128xi32, #tpu.memory_space<vmem>>
    %dma_wait3A_283 = arith.constant 0 : i32
    %dma_wait3A_284 = arith.constant 0 : i32
    %dma_wait3A_285 = tpu.memref_slice %arg5[%dma_wait3A_283, %dma_wait3A_284] : memref<100000x64xf32, #tpu.memory_space<hbm>> -> memref<100000x64xf32, #tpu.memory_space<hbm>>
    tpu.wait_indirect_dma semaphore(%arg20 : memref<!tpu.dma_semaphore, #tpu.memory_space<semaphore_mem>>) src(%dma_wait3A_285 : memref<100000x64xf32, #tpu.memory_space<hbm>>) dst(%dma_wait3A_279 : memref<128x64xf32, #tpu.memory_space<vmem>>)
    %dma_wait3A_286 = arith.constant 3 : i32
    %dma_wait3A_287 = arith.constant 384 : i32
    %dma_wait3A_288 = arith.constant 0 : i32
    %dma_wait3A_289 = tpu.memref_slice %arg14[%dma_wait3A_287, %dma_wait3A_288] : memref<512x64xf32, #tpu.memory_space<vmem>> -> memref<128x64xf32, #tpu.memory_space<vmem>>
    %dma_wait3A_290 = arith.constant 0 : i32
    %dma_wait3A_291 = tpu.memref_slice %arg11[%dma_wait3A_286, %dma_wait3A_290] : memref<4x128xi32, #tpu.memory_space<vmem>> -> memref<1x128xi32, #tpu.memory_space<vmem>>
    %dma_wait3A_292 = tpu.memref_squeeze %dma_wait3A_291 : memref<1x128xi32, #tpu.memory_space<vmem>> -> memref<128xi32, #tpu.memory_space<vmem>>
    %dma_wait3A_293 = arith.constant 0 : i32
    %dma_wait3A_294 = arith.constant 0 : i32
    %dma_wait3A_295 = tpu.memref_slice %arg6[%dma_wait3A_293, %dma_wait3A_294] : memref<100000x64xf32, #tpu.memory_space<hbm>> -> memref<100000x64xf32, #tpu.memory_space<hbm>>
    tpu.wait_indirect_dma semaphore(%arg20 : memref<!tpu.dma_semaphore, #tpu.memory_space<semaphore_mem>>) src(%dma_wait3A_295 : memref<100000x64xf32, #tpu.memory_space<hbm>>) dst(%dma_wait3A_289 : memref<128x64xf32, #tpu.memory_space<vmem>>)
    %dma_wait3A_296 = arith.constant 3 : i32
    %dma_wait3A_297 = arith.constant 384 : i32
    %dma_wait3A_298 = tpu.memref_slice %arg15[%dma_wait3A_297] : memref<512xf32, #tpu.memory_space<vmem>> -> memref<128xf32, #tpu.memory_space<vmem>>
    %dma_wait3A_299 = arith.constant 0 : i32
    %dma_wait3A_300 = tpu.memref_slice %arg10[%dma_wait3A_296, %dma_wait3A_299] : memref<4x128xi32, #tpu.memory_space<vmem>> -> memref<1x128xi32, #tpu.memory_space<vmem>>
    %dma_wait3A_301 = tpu.memref_squeeze %dma_wait3A_300 : memref<1x128xi32, #tpu.memory_space<vmem>> -> memref<128xi32, #tpu.memory_space<vmem>>
    %dma_wait3A_302 = arith.constant 0 : i32
    %dma_wait3A_303 = tpu.memref_slice %arg7[%dma_wait3A_302] : memref<100000xf32, #tpu.memory_space<hbm>> -> memref<100000xf32, #tpu.memory_space<hbm>>
    tpu.wait_indirect_dma semaphore(%arg20 : memref<!tpu.dma_semaphore, #tpu.memory_space<semaphore_mem>>) src(%dma_wait3A_303 : memref<100000xf32, #tpu.memory_space<hbm>>) dst(%dma_wait3A_298 : memref<128xf32, #tpu.memory_space<vmem>>)
    %dma_wait3A_304 = arith.constant 3 : i32
    %dma_wait3A_305 = arith.constant 384 : i32
    %dma_wait3A_306 = tpu.memref_slice %arg16[%dma_wait3A_305] : memref<512xf32, #tpu.memory_space<vmem>> -> memref<128xf32, #tpu.memory_space<vmem>>
    %dma_wait3A_307 = arith.constant 0 : i32
    %dma_wait3A_308 = tpu.memref_slice %arg11[%dma_wait3A_304, %dma_wait3A_307] : memref<4x128xi32, #tpu.memory_space<vmem>> -> memref<1x128xi32, #tpu.memory_space<vmem>>
    %dma_wait3A_309 = tpu.memref_squeeze %dma_wait3A_308 : memref<1x128xi32, #tpu.memory_space<vmem>> -> memref<128xi32, #tpu.memory_space<vmem>>
    %dma_wait3A_310 = arith.constant 0 : i32
    %dma_wait3A_311 = tpu.memref_slice %arg8[%dma_wait3A_310] : memref<100000xf32, #tpu.memory_space<hbm>> -> memref<100000xf32, #tpu.memory_space<hbm>>
    tpu.wait_indirect_dma semaphore(%arg20 : memref<!tpu.dma_semaphore, #tpu.memory_space<semaphore_mem>>) src(%dma_wait3A_311 : memref<100000xf32, #tpu.memory_space<hbm>>) dst(%dma_wait3A_306 : memref<128xf32, #tpu.memory_space<vmem>>)
    %iota3A = tpu.iota {dimensions = array<i32: 0>} : vector<16xi32>
    %broadcast_in_dim3A = arith.constant 0 : i32
    %broadcast_in_dim3A_312 = vector.broadcast %broadcast_in_dim3A : i32 to vector<16xi32>
    %broadcast_in_dim3A_313 = arith.constant 0.000000e+00 : f32
    %broadcast_in_dim3A_314 = vector.broadcast %broadcast_in_dim3A_313 : f32 to vector<16xf32>
    %scan3A = arith.constant 0 : i32
    %scan3A_315 = arith.constant 32 : i32
    %scan3A_316 = arith.addi %scan3A, %scan3A_315 : i32
    %scan3A_317 = arith.constant 1 : i32
    %scan3A_318 = scf.for %scan3A_335 = %scan3A to %scan3A_316 step %scan3A_317 iter_args(%scan3A_336 = %broadcast_in_dim3A_314) -> (vector<16xf32>)  : i32 {
      %mul3A_337 = arith.constant 16 : i32
      %mul3A_338 = arith.muli %scan3A_335, %mul3A_337 : i32
      %add3A_339 = vector.broadcast %mul3A_338 : i32 to vector<16xi32>
      %add3A_340 = arith.addi %iota3A, %add3A_339 : vector<16xi32>
      %broadcast_in_dim3A_341 = arith.constant 0.000000e+00 : f32
      %broadcast_in_dim3A_342 = vector.broadcast %broadcast_in_dim3A_341 : f32 to vector<16xf32>
      %broadcast_in_dim3A_343 = arith.constant 0 : i32
      %broadcast_in_dim3A_344 = vector.broadcast %broadcast_in_dim3A_343 : i32 to vector<16xi32>
      %gather3A = tpu.vector_load_idx %arg13[%add3A_340, %broadcast_in_dim3A_344] : memref<512x64xf32, #tpu.memory_space<vmem>>[vector<16xi32>, vector<16xi32>], vector<16xf32>,
      %gather3A_345 = tpu.vector_load_idx %arg14[%add3A_340, %broadcast_in_dim3A_344] : memref<512x64xf32, #tpu.memory_space<vmem>>[vector<16xi32>, vector<16xi32>], vector<16xf32>,
      %mul3A_346 = arith.mulf %gather3A, %gather3A_345 : vector<16xf32>
      %add3A_347 = arith.addf %broadcast_in_dim3A_342, %mul3A_346 : vector<16xf32>
      %broadcast_in_dim3A_348 = arith.constant 1 : i32
      %broadcast_in_dim3A_349 = vector.broadcast %broadcast_in_dim3A_348 : i32 to vector<16xi32>
      %gather3A_350 = tpu.vector_load_idx %arg13[%add3A_340, %broadcast_in_dim3A_349] : memref<512x64xf32, #tpu.memory_space<vmem>>[vector<16xi32>, vector<16xi32>], vector<16xf32>,
      %gather3A_351 = tpu.vector_load_idx %arg14[%add3A_340, %broadcast_in_dim3A_349] : memref<512x64xf32, #tpu.memory_space<vmem>>[vector<16xi32>, vector<16xi32>], vector<16xf32>,
      %mul3A_352 = arith.mulf %gather3A_350, %gather3A_351 : vector<16xf32>
      %add3A_353 = arith.addf %add3A_347, %mul3A_352 : vector<16xf32>
      %broadcast_in_dim3A_354 = arith.constant 2 : i32
      %broadcast_in_dim3A_355 = vector.broadcast %broadcast_in_dim3A_354 : i32 to vector<16xi32>
      %gather3A_356 = tpu.vector_load_idx %arg13[%add3A_340, %broadcast_in_dim3A_355] : memref<512x64xf32, #tpu.memory_space<vmem>>[vector<16xi32>, vector<16xi32>], vector<16xf32>,
      %gather3A_357 = tpu.vector_load_idx %arg14[%add3A_340, %broadcast_in_dim3A_355] : memref<512x64xf32, #tpu.memory_space<vmem>>[vector<16xi32>, vector<16xi32>], vector<16xf32>,
      %mul3A_358 = arith.mulf %gather3A_356, %gather3A_357 : vector<16xf32>
      %add3A_359 = arith.addf %add3A_353, %mul3A_358 : vector<16xf32>
      %broadcast_in_dim3A_360 = arith.constant 3 : i32
      %broadcast_in_dim3A_361 = vector.broadcast %broadcast_in_dim3A_360 : i32 to vector<16xi32>
      %gather3A_362 = tpu.vector_load_idx %arg13[%add3A_340, %broadcast_in_dim3A_361] : memref<512x64xf32, #tpu.memory_space<vmem>>[vector<16xi32>, vector<16xi32>], vector<16xf32>,
      %gather3A_363 = tpu.vector_load_idx %arg14[%add3A_340, %broadcast_in_dim3A_361] : memref<512x64xf32, #tpu.memory_space<vmem>>[vector<16xi32>, vector<16xi32>], vector<16xf32>,
      %mul3A_364 = arith.mulf %gather3A_362, %gather3A_363 : vector<16xf32>
      %add3A_365 = arith.addf %add3A_359, %mul3A_364 : vector<16xf32>
      %broadcast_in_dim3A_366 = arith.constant 4 : i32
      %broadcast_in_dim3A_367 = vector.broadcast %broadcast_in_dim3A_366 : i32 to vector<16xi32>
      %gather3A_368 = tpu.vector_load_idx %arg13[%add3A_340, %broadcast_in_dim3A_367] : memref<512x64xf32, #tpu.memory_space<vmem>>[vector<16xi32>, vector<16xi32>], vector<16xf32>,
      %gather3A_369 = tpu.vector_load_idx %arg14[%add3A_340, %broadcast_in_dim3A_367] : memref<512x64xf32, #tpu.memory_space<vmem>>[vector<16xi32>, vector<16xi32>], vector<16xf32>,
      %mul3A_370 = arith.mulf %gather3A_368, %gather3A_369 : vector<16xf32>
      %add3A_371 = arith.addf %add3A_365, %mul3A_370 : vector<16xf32>
      %broadcast_in_dim3A_372 = arith.constant 5 : i32
      %broadcast_in_dim3A_373 = vector.broadcast %broadcast_in_dim3A_372 : i32 to vector<16xi32>
      %gather3A_374 = tpu.vector_load_idx %arg13[%add3A_340, %broadcast_in_dim3A_373] : memref<512x64xf32, #tpu.memory_space<vmem>>[vector<16xi32>, vector<16xi32>], vector<16xf32>,
      %gather3A_375 = tpu.vector_load_idx %arg14[%add3A_340, %broadcast_in_dim3A_373] : memref<512x64xf32, #tpu.memory_space<vmem>>[vector<16xi32>, vector<16xi32>], vector<16xf32>,
      %mul3A_376 = arith.mulf %gather3A_374, %gather3A_375 : vector<16xf32>
      %add3A_377 = arith.addf %add3A_371, %mul3A_376 : vector<16xf32>
      %broadcast_in_dim3A_378 = arith.constant 6 : i32
      %broadcast_in_dim3A_379 = vector.broadcast %broadcast_in_dim3A_378 : i32 to vector<16xi32>
      %gather3A_380 = tpu.vector_load_idx %arg13[%add3A_340, %broadcast_in_dim3A_379] : memref<512x64xf32, #tpu.memory_space<vmem>>[vector<16xi32>, vector<16xi32>], vector<16xf32>,
      %gather3A_381 = tpu.vector_load_idx %arg14[%add3A_340, %broadcast_in_dim3A_379] : memref<512x64xf32, #tpu.memory_space<vmem>>[vector<16xi32>, vector<16xi32>], vector<16xf32>,
      %mul3A_382 = arith.mulf %gather3A_380, %gather3A_381 : vector<16xf32>
      %add3A_383 = arith.addf %add3A_377, %mul3A_382 : vector<16xf32>
      %broadcast_in_dim3A_384 = arith.constant 7 : i32
      %broadcast_in_dim3A_385 = vector.broadcast %broadcast_in_dim3A_384 : i32 to vector<16xi32>
      %gather3A_386 = tpu.vector_load_idx %arg13[%add3A_340, %broadcast_in_dim3A_385] : memref<512x64xf32, #tpu.memory_space<vmem>>[vector<16xi32>, vector<16xi32>], vector<16xf32>,
      %gather3A_387 = tpu.vector_load_idx %arg14[%add3A_340, %broadcast_in_dim3A_385] : memref<512x64xf32, #tpu.memory_space<vmem>>[vector<16xi32>, vector<16xi32>], vector<16xf32>,
      %mul3A_388 = arith.mulf %gather3A_386, %gather3A_387 : vector<16xf32>
      %add3A_389 = arith.addf %add3A_383, %mul3A_388 : vector<16xf32>
      %broadcast_in_dim3A_390 = arith.constant 8 : i32
      %broadcast_in_dim3A_391 = vector.broadcast %broadcast_in_dim3A_390 : i32 to vector<16xi32>
      %gather3A_392 = tpu.vector_load_idx %arg13[%add3A_340, %broadcast_in_dim3A_391] : memref<512x64xf32, #tpu.memory_space<vmem>>[vector<16xi32>, vector<16xi32>], vector<16xf32>,
      %gather3A_393 = tpu.vector_load_idx %arg14[%add3A_340, %broadcast_in_dim3A_391] : memref<512x64xf32, #tpu.memory_space<vmem>>[vector<16xi32>, vector<16xi32>], vector<16xf32>,
      %mul3A_394 = arith.mulf %gather3A_392, %gather3A_393 : vector<16xf32>
      %add3A_395 = arith.addf %add3A_389, %mul3A_394 : vector<16xf32>
      %broadcast_in_dim3A_396 = arith.constant 9 : i32
      %broadcast_in_dim3A_397 = vector.broadcast %broadcast_in_dim3A_396 : i32 to vector<16xi32>
      %gather3A_398 = tpu.vector_load_idx %arg13[%add3A_340, %broadcast_in_dim3A_397] : memref<512x64xf32, #tpu.memory_space<vmem>>[vector<16xi32>, vector<16xi32>], vector<16xf32>,
      %gather3A_399 = tpu.vector_load_idx %arg14[%add3A_340, %broadcast_in_dim3A_397] : memref<512x64xf32, #tpu.memory_space<vmem>>[vector<16xi32>, vector<16xi32>], vector<16xf32>,
      %mul3A_400 = arith.mulf %gather3A_398, %gather3A_399 : vector<16xf32>
      %add3A_401 = arith.addf %add3A_395, %mul3A_400 : vector<16xf32>
      %broadcast_in_dim3A_402 = arith.constant 10 : i32
      %broadcast_in_dim3A_403 = vector.broadcast %broadcast_in_dim3A_402 : i32 to vector<16xi32>
      %gather3A_404 = tpu.vector_load_idx %arg13[%add3A_340, %broadcast_in_dim3A_403] : memref<512x64xf32, #tpu.memory_space<vmem>>[vector<16xi32>, vector<16xi32>], vector<16xf32>,
      %gather3A_405 = tpu.vector_load_idx %arg14[%add3A_340, %broadcast_in_dim3A_403] : memref<512x64xf32, #tpu.memory_space<vmem>>[vector<16xi32>, vector<16xi32>], vector<16xf32>,
      %mul3A_406 = arith.mulf %gather3A_404, %gather3A_405 : vector<16xf32>
      %add3A_407 = arith.addf %add3A_401, %mul3A_406 : vector<16xf32>
      %broadcast_in_dim3A_408 = arith.constant 11 : i32
      %broadcast_in_dim3A_409 = vector.broadcast %broadcast_in_dim3A_408 : i32 to vector<16xi32>
      %gather3A_410 = tpu.vector_load_idx %arg13[%add3A_340, %broadcast_in_dim3A_409] : memref<512x64xf32, #tpu.memory_space<vmem>>[vector<16xi32>, vector<16xi32>], vector<16xf32>,
      %gather3A_411 = tpu.vector_load_idx %arg14[%add3A_340, %broadcast_in_dim3A_409] : memref<512x64xf32, #tpu.memory_space<vmem>>[vector<16xi32>, vector<16xi32>], vector<16xf32>,
      %mul3A_412 = arith.mulf %gather3A_410, %gather3A_411 : vector<16xf32>
      %add3A_413 = arith.addf %add3A_407, %mul3A_412 : vector<16xf32>
      %broadcast_in_dim3A_414 = arith.constant 12 : i32
      %broadcast_in_dim3A_415 = vector.broadcast %broadcast_in_dim3A_414 : i32 to vector<16xi32>
      %gather3A_416 = tpu.vector_load_idx %arg13[%add3A_340, %broadcast_in_dim3A_415] : memref<512x64xf32, #tpu.memory_space<vmem>>[vector<16xi32>, vector<16xi32>], vector<16xf32>,
      %gather3A_417 = tpu.vector_load_idx %arg14[%add3A_340, %broadcast_in_dim3A_415] : memref<512x64xf32, #tpu.memory_space<vmem>>[vector<16xi32>, vector<16xi32>], vector<16xf32>,
      %mul3A_418 = arith.mulf %gather3A_416, %gather3A_417 : vector<16xf32>
      %add3A_419 = arith.addf %add3A_413, %mul3A_418 : vector<16xf32>
      %broadcast_in_dim3A_420 = arith.constant 13 : i32
      %broadcast_in_dim3A_421 = vector.broadcast %broadcast_in_dim3A_420 : i32 to vector<16xi32>
      %gather3A_422 = tpu.vector_load_idx %arg13[%add3A_340, %broadcast_in_dim3A_421] : memref<512x64xf32, #tpu.memory_space<vmem>>[vector<16xi32>, vector<16xi32>], vector<16xf32>,
      %gather3A_423 = tpu.vector_load_idx %arg14[%add3A_340, %broadcast_in_dim3A_421] : memref<512x64xf32, #tpu.memory_space<vmem>>[vector<16xi32>, vector<16xi32>], vector<16xf32>,
      %mul3A_424 = arith.mulf %gather3A_422, %gather3A_423 : vector<16xf32>
      %add3A_425 = arith.addf %add3A_419, %mul3A_424 : vector<16xf32>
      %broadcast_in_dim3A_426 = arith.constant 14 : i32
      %broadcast_in_dim3A_427 = vector.broadcast %broadcast_in_dim3A_426 : i32 to vector<16xi32>
      %gather3A_428 = tpu.vector_load_idx %arg13[%add3A_340, %broadcast_in_dim3A_427] : memref<512x64xf32, #tpu.memory_space<vmem>>[vector<16xi32>, vector<16xi32>], vector<16xf32>,
      %gather3A_429 = tpu.vector_load_idx %arg14[%add3A_340, %broadcast_in_dim3A_427] : memref<512x64xf32, #tpu.memory_space<vmem>>[vector<16xi32>, vector<16xi32>], vector<16xf32>,
      %mul3A_430 = arith.mulf %gather3A_428, %gather3A_429 : vector<16xf32>
      %add3A_431 = arith.addf %add3A_425, %mul3A_430 : vector<16xf32>
      %broadcast_in_dim3A_432 = arith.constant 15 : i32
      %broadcast_in_dim3A_433 = vector.broadcast %broadcast_in_dim3A_432 : i32 to vector<16xi32>
      %gather3A_434 = tpu.vector_load_idx %arg13[%add3A_340, %broadcast_in_dim3A_433] : memref<512x64xf32, #tpu.memory_space<vmem>>[vector<16xi32>, vector<16xi32>], vector<16xf32>,
      %gather3A_435 = tpu.vector_load_idx %arg14[%add3A_340, %broadcast_in_dim3A_433] : memref<512x64xf32, #tpu.memory_space<vmem>>[vector<16xi32>, vector<16xi32>], vector<16xf32>,
      %mul3A_436 = arith.mulf %gather3A_434, %gather3A_435 : vector<16xf32>
      %add3A_437 = arith.addf %add3A_431, %mul3A_436 : vector<16xf32>
      %broadcast_in_dim3A_438 = arith.constant 16 : i32
      %broadcast_in_dim3A_439 = vector.broadcast %broadcast_in_dim3A_438 : i32 to vector<16xi32>
      %gather3A_440 = tpu.vector_load_idx %arg13[%add3A_340, %broadcast_in_dim3A_439] : memref<512x64xf32, #tpu.memory_space<vmem>>[vector<16xi32>, vector<16xi32>], vector<16xf32>,
      %gather3A_441 = tpu.vector_load_idx %arg14[%add3A_340, %broadcast_in_dim3A_439] : memref<512x64xf32, #tpu.memory_space<vmem>>[vector<16xi32>, vector<16xi32>], vector<16xf32>,
      %mul3A_442 = arith.mulf %gather3A_440, %gather3A_441 : vector<16xf32>
      %add3A_443 = arith.addf %add3A_437, %mul3A_442 : vector<16xf32>
      %broadcast_in_dim3A_444 = arith.constant 17 : i32
      %broadcast_in_dim3A_445 = vector.broadcast %broadcast_in_dim3A_444 : i32 to vector<16xi32>
      %gather3A_446 = tpu.vector_load_idx %arg13[%add3A_340, %broadcast_in_dim3A_445] : memref<512x64xf32, #tpu.memory_space<vmem>>[vector<16xi32>, vector<16xi32>], vector<16xf32>,
      %gather3A_447 = tpu.vector_load_idx %arg14[%add3A_340, %broadcast_in_dim3A_445] : memref<512x64xf32, #tpu.memory_space<vmem>>[vector<16xi32>, vector<16xi32>], vector<16xf32>,
      %mul3A_448 = arith.mulf %gather3A_446, %gather3A_447 : vector<16xf32>
      %add3A_449 = arith.addf %add3A_443, %mul3A_448 : vector<16xf32>
      %broadcast_in_dim3A_450 = arith.constant 18 : i32
      %broadcast_in_dim3A_451 = vector.broadcast %broadcast_in_dim3A_450 : i32 to vector<16xi32>
      %gather3A_452 = tpu.vector_load_idx %arg13[%add3A_340, %broadcast_in_dim3A_451] : memref<512x64xf32, #tpu.memory_space<vmem>>[vector<16xi32>, vector<16xi32>], vector<16xf32>,
      %gather3A_453 = tpu.vector_load_idx %arg14[%add3A_340, %broadcast_in_dim3A_451] : memref<512x64xf32, #tpu.memory_space<vmem>>[vector<16xi32>, vector<16xi32>], vector<16xf32>,
      %mul3A_454 = arith.mulf %gather3A_452, %gather3A_453 : vector<16xf32>
      %add3A_455 = arith.addf %add3A_449, %mul3A_454 : vector<16xf32>
      %broadcast_in_dim3A_456 = arith.constant 19 : i32
      %broadcast_in_dim3A_457 = vector.broadcast %broadcast_in_dim3A_456 : i32 to vector<16xi32>
      %gather3A_458 = tpu.vector_load_idx %arg13[%add3A_340, %broadcast_in_dim3A_457] : memref<512x64xf32, #tpu.memory_space<vmem>>[vector<16xi32>, vector<16xi32>], vector<16xf32>,
      %gather3A_459 = tpu.vector_load_idx %arg14[%add3A_340, %broadcast_in_dim3A_457] : memref<512x64xf32, #tpu.memory_space<vmem>>[vector<16xi32>, vector<16xi32>], vector<16xf32>,
      %mul3A_460 = arith.mulf %gather3A_458, %gather3A_459 : vector<16xf32>
      %add3A_461 = arith.addf %add3A_455, %mul3A_460 : vector<16xf32>
      %broadcast_in_dim3A_462 = arith.constant 20 : i32
      %broadcast_in_dim3A_463 = vector.broadcast %broadcast_in_dim3A_462 : i32 to vector<16xi32>
      %gather3A_464 = tpu.vector_load_idx %arg13[%add3A_340, %broadcast_in_dim3A_463] : memref<512x64xf32, #tpu.memory_space<vmem>>[vector<16xi32>, vector<16xi32>], vector<16xf32>,
      %gather3A_465 = tpu.vector_load_idx %arg14[%add3A_340, %broadcast_in_dim3A_463] : memref<512x64xf32, #tpu.memory_space<vmem>>[vector<16xi32>, vector<16xi32>], vector<16xf32>,
      %mul3A_466 = arith.mulf %gather3A_464, %gather3A_465 : vector<16xf32>
      %add3A_467 = arith.addf %add3A_461, %mul3A_466 : vector<16xf32>
      %broadcast_in_dim3A_468 = arith.constant 21 : i32
      %broadcast_in_dim3A_469 = vector.broadcast %broadcast_in_dim3A_468 : i32 to vector<16xi32>
      %gather3A_470 = tpu.vector_load_idx %arg13[%add3A_340, %broadcast_in_dim3A_469] : memref<512x64xf32, #tpu.memory_space<vmem>>[vector<16xi32>, vector<16xi32>], vector<16xf32>,
      %gather3A_471 = tpu.vector_load_idx %arg14[%add3A_340, %broadcast_in_dim3A_469] : memref<512x64xf32, #tpu.memory_space<vmem>>[vector<16xi32>, vector<16xi32>], vector<16xf32>,
      %mul3A_472 = arith.mulf %gather3A_470, %gather3A_471 : vector<16xf32>
      %add3A_473 = arith.addf %add3A_467, %mul3A_472 : vector<16xf32>
      %broadcast_in_dim3A_474 = arith.constant 22 : i32
      %broadcast_in_dim3A_475 = vector.broadcast %broadcast_in_dim3A_474 : i32 to vector<16xi32>
      %gather3A_476 = tpu.vector_load_idx %arg13[%add3A_340, %broadcast_in_dim3A_475] : memref<512x64xf32, #tpu.memory_space<vmem>>[vector<16xi32>, vector<16xi32>], vector<16xf32>,
      %gather3A_477 = tpu.vector_load_idx %arg14[%add3A_340, %broadcast_in_dim3A_475] : memref<512x64xf32, #tpu.memory_space<vmem>>[vector<16xi32>, vector<16xi32>], vector<16xf32>,
      %mul3A_478 = arith.mulf %gather3A_476, %gather3A_477 : vector<16xf32>
      %add3A_479 = arith.addf %add3A_473, %mul3A_478 : vector<16xf32>
      %broadcast_in_dim3A_480 = arith.constant 23 : i32
      %broadcast_in_dim3A_481 = vector.broadcast %broadcast_in_dim3A_480 : i32 to vector<16xi32>
      %gather3A_482 = tpu.vector_load_idx %arg13[%add3A_340, %broadcast_in_dim3A_481] : memref<512x64xf32, #tpu.memory_space<vmem>>[vector<16xi32>, vector<16xi32>], vector<16xf32>,
      %gather3A_483 = tpu.vector_load_idx %arg14[%add3A_340, %broadcast_in_dim3A_481] : memref<512x64xf32, #tpu.memory_space<vmem>>[vector<16xi32>, vector<16xi32>], vector<16xf32>,
      %mul3A_484 = arith.mulf %gather3A_482, %gather3A_483 : vector<16xf32>
      %add3A_485 = arith.addf %add3A_479, %mul3A_484 : vector<16xf32>
      %broadcast_in_dim3A_486 = arith.constant 24 : i32
      %broadcast_in_dim3A_487 = vector.broadcast %broadcast_in_dim3A_486 : i32 to vector<16xi32>
      %gather3A_488 = tpu.vector_load_idx %arg13[%add3A_340, %broadcast_in_dim3A_487] : memref<512x64xf32, #tpu.memory_space<vmem>>[vector<16xi32>, vector<16xi32>], vector<16xf32>,
      %gather3A_489 = tpu.vector_load_idx %arg14[%add3A_340, %broadcast_in_dim3A_487] : memref<512x64xf32, #tpu.memory_space<vmem>>[vector<16xi32>, vector<16xi32>], vector<16xf32>,
      %mul3A_490 = arith.mulf %gather3A_488, %gather3A_489 : vector<16xf32>
      %add3A_491 = arith.addf %add3A_485, %mul3A_490 : vector<16xf32>
      %broadcast_in_dim3A_492 = arith.constant 25 : i32
      %broadcast_in_dim3A_493 = vector.broadcast %broadcast_in_dim3A_492 : i32 to vector<16xi32>
      %gather3A_494 = tpu.vector_load_idx %arg13[%add3A_340, %broadcast_in_dim3A_493] : memref<512x64xf32, #tpu.memory_space<vmem>>[vector<16xi32>, vector<16xi32>], vector<16xf32>,
      %gather3A_495 = tpu.vector_load_idx %arg14[%add3A_340, %broadcast_in_dim3A_493] : memref<512x64xf32, #tpu.memory_space<vmem>>[vector<16xi32>, vector<16xi32>], vector<16xf32>,
      %mul3A_496 = arith.mulf %gather3A_494, %gather3A_495 : vector<16xf32>
      %add3A_497 = arith.addf %add3A_491, %mul3A_496 : vector<16xf32>
      %broadcast_in_dim3A_498 = arith.constant 26 : i32
      %broadcast_in_dim3A_499 = vector.broadcast %broadcast_in_dim3A_498 : i32 to vector<16xi32>
      %gather3A_500 = tpu.vector_load_idx %arg13[%add3A_340, %broadcast_in_dim3A_499] : memref<512x64xf32, #tpu.memory_space<vmem>>[vector<16xi32>, vector<16xi32>], vector<16xf32>,
      %gather3A_501 = tpu.vector_load_idx %arg14[%add3A_340, %broadcast_in_dim3A_499] : memref<512x64xf32, #tpu.memory_space<vmem>>[vector<16xi32>, vector<16xi32>], vector<16xf32>,
      %mul3A_502 = arith.mulf %gather3A_500, %gather3A_501 : vector<16xf32>
      %add3A_503 = arith.addf %add3A_497, %mul3A_502 : vector<16xf32>
      %broadcast_in_dim3A_504 = arith.constant 27 : i32
      %broadcast_in_dim3A_505 = vector.broadcast %broadcast_in_dim3A_504 : i32 to vector<16xi32>
      %gather3A_506 = tpu.vector_load_idx %arg13[%add3A_340, %broadcast_in_dim3A_505] : memref<512x64xf32, #tpu.memory_space<vmem>>[vector<16xi32>, vector<16xi32>], vector<16xf32>,
      %gather3A_507 = tpu.vector_load_idx %arg14[%add3A_340, %broadcast_in_dim3A_505] : memref<512x64xf32, #tpu.memory_space<vmem>>[vector<16xi32>, vector<16xi32>], vector<16xf32>,
      %mul3A_508 = arith.mulf %gather3A_506, %gather3A_507 : vector<16xf32>
      %add3A_509 = arith.addf %add3A_503, %mul3A_508 : vector<16xf32>
      %broadcast_in_dim3A_510 = arith.constant 28 : i32
      %broadcast_in_dim3A_511 = vector.broadcast %broadcast_in_dim3A_510 : i32 to vector<16xi32>
      %gather3A_512 = tpu.vector_load_idx %arg13[%add3A_340, %broadcast_in_dim3A_511] : memref<512x64xf32, #tpu.memory_space<vmem>>[vector<16xi32>, vector<16xi32>], vector<16xf32>,
      %gather3A_513 = tpu.vector_load_idx %arg14[%add3A_340, %broadcast_in_dim3A_511] : memref<512x64xf32, #tpu.memory_space<vmem>>[vector<16xi32>, vector<16xi32>], vector<16xf32>,
      %mul3A_514 = arith.mulf %gather3A_512, %gather3A_513 : vector<16xf32>
      %add3A_515 = arith.addf %add3A_509, %mul3A_514 : vector<16xf32>
      %broadcast_in_dim3A_516 = arith.constant 29 : i32
      %broadcast_in_dim3A_517 = vector.broadcast %broadcast_in_dim3A_516 : i32 to vector<16xi32>
      %gather3A_518 = tpu.vector_load_idx %arg13[%add3A_340, %broadcast_in_dim3A_517] : memref<512x64xf32, #tpu.memory_space<vmem>>[vector<16xi32>, vector<16xi32>], vector<16xf32>,
      %gather3A_519 = tpu.vector_load_idx %arg14[%add3A_340, %broadcast_in_dim3A_517] : memref<512x64xf32, #tpu.memory_space<vmem>>[vector<16xi32>, vector<16xi32>], vector<16xf32>,
      %mul3A_520 = arith.mulf %gather3A_518, %gather3A_519 : vector<16xf32>
      %add3A_521 = arith.addf %add3A_515, %mul3A_520 : vector<16xf32>
      %broadcast_in_dim3A_522 = arith.constant 30 : i32
      %broadcast_in_dim3A_523 = vector.broadcast %broadcast_in_dim3A_522 : i32 to vector<16xi32>
      %gather3A_524 = tpu.vector_load_idx %arg13[%add3A_340, %broadcast_in_dim3A_523] : memref<512x64xf32, #tpu.memory_space<vmem>>[vector<16xi32>, vector<16xi32>], vector<16xf32>,
      %gather3A_525 = tpu.vector_load_idx %arg14[%add3A_340, %broadcast_in_dim3A_523] : memref<512x64xf32, #tpu.memory_space<vmem>>[vector<16xi32>, vector<16xi32>], vector<16xf32>,
      %mul3A_526 = arith.mulf %gather3A_524, %gather3A_525 : vector<16xf32>
      %add3A_527 = arith.addf %add3A_521, %mul3A_526 : vector<16xf32>
      %broadcast_in_dim3A_528 = arith.constant 31 : i32
      %broadcast_in_dim3A_529 = vector.broadcast %broadcast_in_dim3A_528 : i32 to vector<16xi32>
      %gather3A_530 = tpu.vector_load_idx %arg13[%add3A_340, %broadcast_in_dim3A_529] : memref<512x64xf32, #tpu.memory_space<vmem>>[vector<16xi32>, vector<16xi32>], vector<16xf32>,
      %gather3A_531 = tpu.vector_load_idx %arg14[%add3A_340, %broadcast_in_dim3A_529] : memref<512x64xf32, #tpu.memory_space<vmem>>[vector<16xi32>, vector<16xi32>], vector<16xf32>,
      %mul3A_532 = arith.mulf %gather3A_530, %gather3A_531 : vector<16xf32>
      %add3A_533 = arith.addf %add3A_527, %mul3A_532 : vector<16xf32>
      %broadcast_in_dim3A_534 = arith.constant 32 : i32
      %broadcast_in_dim3A_535 = vector.broadcast %broadcast_in_dim3A_534 : i32 to vector<16xi32>
      %gather3A_536 = tpu.vector_load_idx %arg13[%add3A_340, %broadcast_in_dim3A_535] : memref<512x64xf32, #tpu.memory_space<vmem>>[vector<16xi32>, vector<16xi32>], vector<16xf32>,
      %gather3A_537 = tpu.vector_load_idx %arg14[%add3A_340, %broadcast_in_dim3A_535] : memref<512x64xf32, #tpu.memory_space<vmem>>[vector<16xi32>, vector<16xi32>], vector<16xf32>,
      %mul3A_538 = arith.mulf %gather3A_536, %gather3A_537 : vector<16xf32>
      %add3A_539 = arith.addf %add3A_533, %mul3A_538 : vector<16xf32>
      %broadcast_in_dim3A_540 = arith.constant 33 : i32
      %broadcast_in_dim3A_541 = vector.broadcast %broadcast_in_dim3A_540 : i32 to vector<16xi32>
      %gather3A_542 = tpu.vector_load_idx %arg13[%add3A_340, %broadcast_in_dim3A_541] : memref<512x64xf32, #tpu.memory_space<vmem>>[vector<16xi32>, vector<16xi32>], vector<16xf32>,
      %gather3A_543 = tpu.vector_load_idx %arg14[%add3A_340, %broadcast_in_dim3A_541] : memref<512x64xf32, #tpu.memory_space<vmem>>[vector<16xi32>, vector<16xi32>], vector<16xf32>,
      %mul3A_544 = arith.mulf %gather3A_542, %gather3A_543 : vector<16xf32>
      %add3A_545 = arith.addf %add3A_539, %mul3A_544 : vector<16xf32>
      %broadcast_in_dim3A_546 = arith.constant 34 : i32
      %broadcast_in_dim3A_547 = vector.broadcast %broadcast_in_dim3A_546 : i32 to vector<16xi32>
      %gather3A_548 = tpu.vector_load_idx %arg13[%add3A_340, %broadcast_in_dim3A_547] : memref<512x64xf32, #tpu.memory_space<vmem>>[vector<16xi32>, vector<16xi32>], vector<16xf32>,
      %gather3A_549 = tpu.vector_load_idx %arg14[%add3A_340, %broadcast_in_dim3A_547] : memref<512x64xf32, #tpu.memory_space<vmem>>[vector<16xi32>, vector<16xi32>], vector<16xf32>,
      %mul3A_550 = arith.mulf %gather3A_548, %gather3A_549 : vector<16xf32>
      %add3A_551 = arith.addf %add3A_545, %mul3A_550 : vector<16xf32>
      %broadcast_in_dim3A_552 = arith.constant 35 : i32
      %broadcast_in_dim3A_553 = vector.broadcast %broadcast_in_dim3A_552 : i32 to vector<16xi32>
      %gather3A_554 = tpu.vector_load_idx %arg13[%add3A_340, %broadcast_in_dim3A_553] : memref<512x64xf32, #tpu.memory_space<vmem>>[vector<16xi32>, vector<16xi32>], vector<16xf32>,
      %gather3A_555 = tpu.vector_load_idx %arg14[%add3A_340, %broadcast_in_dim3A_553] : memref<512x64xf32, #tpu.memory_space<vmem>>[vector<16xi32>, vector<16xi32>], vector<16xf32>,
      %mul3A_556 = arith.mulf %gather3A_554, %gather3A_555 : vector<16xf32>
      %add3A_557 = arith.addf %add3A_551, %mul3A_556 : vector<16xf32>
      %broadcast_in_dim3A_558 = arith.constant 36 : i32
      %broadcast_in_dim3A_559 = vector.broadcast %broadcast_in_dim3A_558 : i32 to vector<16xi32>
      %gather3A_560 = tpu.vector_load_idx %arg13[%add3A_340, %broadcast_in_dim3A_559] : memref<512x64xf32, #tpu.memory_space<vmem>>[vector<16xi32>, vector<16xi32>], vector<16xf32>,
      %gather3A_561 = tpu.vector_load_idx %arg14[%add3A_340, %broadcast_in_dim3A_559] : memref<512x64xf32, #tpu.memory_space<vmem>>[vector<16xi32>, vector<16xi32>], vector<16xf32>,
      %mul3A_562 = arith.mulf %gather3A_560, %gather3A_561 : vector<16xf32>
      %add3A_563 = arith.addf %add3A_557, %mul3A_562 : vector<16xf32>
      %broadcast_in_dim3A_564 = arith.constant 37 : i32
      %broadcast_in_dim3A_565 = vector.broadcast %broadcast_in_dim3A_564 : i32 to vector<16xi32>
      %gather3A_566 = tpu.vector_load_idx %arg13[%add3A_340, %broadcast_in_dim3A_565] : memref<512x64xf32, #tpu.memory_space<vmem>>[vector<16xi32>, vector<16xi32>], vector<16xf32>,
      %gather3A_567 = tpu.vector_load_idx %arg14[%add3A_340, %broadcast_in_dim3A_565] : memref<512x64xf32, #tpu.memory_space<vmem>>[vector<16xi32>, vector<16xi32>], vector<16xf32>,
      %mul3A_568 = arith.mulf %gather3A_566, %gather3A_567 : vector<16xf32>
      %add3A_569 = arith.addf %add3A_563, %mul3A_568 : vector<16xf32>
      %broadcast_in_dim3A_570 = arith.constant 38 : i32
      %broadcast_in_dim3A_571 = vector.broadcast %broadcast_in_dim3A_570 : i32 to vector<16xi32>
      %gather3A_572 = tpu.vector_load_idx %arg13[%add3A_340, %broadcast_in_dim3A_571] : memref<512x64xf32, #tpu.memory_space<vmem>>[vector<16xi32>, vector<16xi32>], vector<16xf32>,
      %gather3A_573 = tpu.vector_load_idx %arg14[%add3A_340, %broadcast_in_dim3A_571] : memref<512x64xf32, #tpu.memory_space<vmem>>[vector<16xi32>, vector<16xi32>], vector<16xf32>,
      %mul3A_574 = arith.mulf %gather3A_572, %gather3A_573 : vector<16xf32>
      %add3A_575 = arith.addf %add3A_569, %mul3A_574 : vector<16xf32>
      %broadcast_in_dim3A_576 = arith.constant 39 : i32
      %broadcast_in_dim3A_577 = vector.broadcast %broadcast_in_dim3A_576 : i32 to vector<16xi32>
      %gather3A_578 = tpu.vector_load_idx %arg13[%add3A_340, %broadcast_in_dim3A_577] : memref<512x64xf32, #tpu.memory_space<vmem>>[vector<16xi32>, vector<16xi32>], vector<16xf32>,
      %gather3A_579 = tpu.vector_load_idx %arg14[%add3A_340, %broadcast_in_dim3A_577] : memref<512x64xf32, #tpu.memory_space<vmem>>[vector<16xi32>, vector<16xi32>], vector<16xf32>,
      %mul3A_580 = arith.mulf %gather3A_578, %gather3A_579 : vector<16xf32>
      %add3A_581 = arith.addf %add3A_575, %mul3A_580 : vector<16xf32>
      %broadcast_in_dim3A_582 = arith.constant 40 : i32
      %broadcast_in_dim3A_583 = vector.broadcast %broadcast_in_dim3A_582 : i32 to vector<16xi32>
      %gather3A_584 = tpu.vector_load_idx %arg13[%add3A_340, %broadcast_in_dim3A_583] : memref<512x64xf32, #tpu.memory_space<vmem>>[vector<16xi32>, vector<16xi32>], vector<16xf32>,
      %gather3A_585 = tpu.vector_load_idx %arg14[%add3A_340, %broadcast_in_dim3A_583] : memref<512x64xf32, #tpu.memory_space<vmem>>[vector<16xi32>, vector<16xi32>], vector<16xf32>,
      %mul3A_586 = arith.mulf %gather3A_584, %gather3A_585 : vector<16xf32>
      %add3A_587 = arith.addf %add3A_581, %mul3A_586 : vector<16xf32>
      %broadcast_in_dim3A_588 = arith.constant 41 : i32
      %broadcast_in_dim3A_589 = vector.broadcast %broadcast_in_dim3A_588 : i32 to vector<16xi32>
      %gather3A_590 = tpu.vector_load_idx %arg13[%add3A_340, %broadcast_in_dim3A_589] : memref<512x64xf32, #tpu.memory_space<vmem>>[vector<16xi32>, vector<16xi32>], vector<16xf32>,
      %gather3A_591 = tpu.vector_load_idx %arg14[%add3A_340, %broadcast_in_dim3A_589] : memref<512x64xf32, #tpu.memory_space<vmem>>[vector<16xi32>, vector<16xi32>], vector<16xf32>,
      %mul3A_592 = arith.mulf %gather3A_590, %gather3A_591 : vector<16xf32>
      %add3A_593 = arith.addf %add3A_587, %mul3A_592 : vector<16xf32>
      %broadcast_in_dim3A_594 = arith.constant 42 : i32
      %broadcast_in_dim3A_595 = vector.broadcast %broadcast_in_dim3A_594 : i32 to vector<16xi32>
      %gather3A_596 = tpu.vector_load_idx %arg13[%add3A_340, %broadcast_in_dim3A_595] : memref<512x64xf32, #tpu.memory_space<vmem>>[vector<16xi32>, vector<16xi32>], vector<16xf32>,
      %gather3A_597 = tpu.vector_load_idx %arg14[%add3A_340, %broadcast_in_dim3A_595] : memref<512x64xf32, #tpu.memory_space<vmem>>[vector<16xi32>, vector<16xi32>], vector<16xf32>,
      %mul3A_598 = arith.mulf %gather3A_596, %gather3A_597 : vector<16xf32>
      %add3A_599 = arith.addf %add3A_593, %mul3A_598 : vector<16xf32>
      %broadcast_in_dim3A_600 = arith.constant 43 : i32
      %broadcast_in_dim3A_601 = vector.broadcast %broadcast_in_dim3A_600 : i32 to vector<16xi32>
      %gather3A_602 = tpu.vector_load_idx %arg13[%add3A_340, %broadcast_in_dim3A_601] : memref<512x64xf32, #tpu.memory_space<vmem>>[vector<16xi32>, vector<16xi32>], vector<16xf32>,
      %gather3A_603 = tpu.vector_load_idx %arg14[%add3A_340, %broadcast_in_dim3A_601] : memref<512x64xf32, #tpu.memory_space<vmem>>[vector<16xi32>, vector<16xi32>], vector<16xf32>,
      %mul3A_604 = arith.mulf %gather3A_602, %gather3A_603 : vector<16xf32>
      %add3A_605 = arith.addf %add3A_599, %mul3A_604 : vector<16xf32>
      %broadcast_in_dim3A_606 = arith.constant 44 : i32
      %broadcast_in_dim3A_607 = vector.broadcast %broadcast_in_dim3A_606 : i32 to vector<16xi32>
      %gather3A_608 = tpu.vector_load_idx %arg13[%add3A_340, %broadcast_in_dim3A_607] : memref<512x64xf32, #tpu.memory_space<vmem>>[vector<16xi32>, vector<16xi32>], vector<16xf32>,
      %gather3A_609 = tpu.vector_load_idx %arg14[%add3A_340, %broadcast_in_dim3A_607] : memref<512x64xf32, #tpu.memory_space<vmem>>[vector<16xi32>, vector<16xi32>], vector<16xf32>,
      %mul3A_610 = arith.mulf %gather3A_608, %gather3A_609 : vector<16xf32>
      %add3A_611 = arith.addf %add3A_605, %mul3A_610 : vector<16xf32>
      %broadcast_in_dim3A_612 = arith.constant 45 : i32
      %broadcast_in_dim3A_613 = vector.broadcast %broadcast_in_dim3A_612 : i32 to vector<16xi32>
      %gather3A_614 = tpu.vector_load_idx %arg13[%add3A_340, %broadcast_in_dim3A_613] : memref<512x64xf32, #tpu.memory_space<vmem>>[vector<16xi32>, vector<16xi32>], vector<16xf32>,
      %gather3A_615 = tpu.vector_load_idx %arg14[%add3A_340, %broadcast_in_dim3A_613] : memref<512x64xf32, #tpu.memory_space<vmem>>[vector<16xi32>, vector<16xi32>], vector<16xf32>,
      %mul3A_616 = arith.mulf %gather3A_614, %gather3A_615 : vector<16xf32>
      %add3A_617 = arith.addf %add3A_611, %mul3A_616 : vector<16xf32>
      %broadcast_in_dim3A_618 = arith.constant 46 : i32
      %broadcast_in_dim3A_619 = vector.broadcast %broadcast_in_dim3A_618 : i32 to vector<16xi32>
      %gather3A_620 = tpu.vector_load_idx %arg13[%add3A_340, %broadcast_in_dim3A_619] : memref<512x64xf32, #tpu.memory_space<vmem>>[vector<16xi32>, vector<16xi32>], vector<16xf32>,
      %gather3A_621 = tpu.vector_load_idx %arg14[%add3A_340, %broadcast_in_dim3A_619] : memref<512x64xf32, #tpu.memory_space<vmem>>[vector<16xi32>, vector<16xi32>], vector<16xf32>,
      %mul3A_622 = arith.mulf %gather3A_620, %gather3A_621 : vector<16xf32>
      %add3A_623 = arith.addf %add3A_617, %mul3A_622 : vector<16xf32>
      %broadcast_in_dim3A_624 = arith.constant 47 : i32
      %broadcast_in_dim3A_625 = vector.broadcast %broadcast_in_dim3A_624 : i32 to vector<16xi32>
      %gather3A_626 = tpu.vector_load_idx %arg13[%add3A_340, %broadcast_in_dim3A_625] : memref<512x64xf32, #tpu.memory_space<vmem>>[vector<16xi32>, vector<16xi32>], vector<16xf32>,
      %gather3A_627 = tpu.vector_load_idx %arg14[%add3A_340, %broadcast_in_dim3A_625] : memref<512x64xf32, #tpu.memory_space<vmem>>[vector<16xi32>, vector<16xi32>], vector<16xf32>,
      %mul3A_628 = arith.mulf %gather3A_626, %gather3A_627 : vector<16xf32>
      %add3A_629 = arith.addf %add3A_623, %mul3A_628 : vector<16xf32>
      %broadcast_in_dim3A_630 = arith.constant 48 : i32
      %broadcast_in_dim3A_631 = vector.broadcast %broadcast_in_dim3A_630 : i32 to vector<16xi32>
      %gather3A_632 = tpu.vector_load_idx %arg13[%add3A_340, %broadcast_in_dim3A_631] : memref<512x64xf32, #tpu.memory_space<vmem>>[vector<16xi32>, vector<16xi32>], vector<16xf32>,
      %gather3A_633 = tpu.vector_load_idx %arg14[%add3A_340, %broadcast_in_dim3A_631] : memref<512x64xf32, #tpu.memory_space<vmem>>[vector<16xi32>, vector<16xi32>], vector<16xf32>,
      %mul3A_634 = arith.mulf %gather3A_632, %gather3A_633 : vector<16xf32>
      %add3A_635 = arith.addf %add3A_629, %mul3A_634 : vector<16xf32>
      %broadcast_in_dim3A_636 = arith.constant 49 : i32
      %broadcast_in_dim3A_637 = vector.broadcast %broadcast_in_dim3A_636 : i32 to vector<16xi32>
      %gather3A_638 = tpu.vector_load_idx %arg13[%add3A_340, %broadcast_in_dim3A_637] : memref<512x64xf32, #tpu.memory_space<vmem>>[vector<16xi32>, vector<16xi32>], vector<16xf32>,
      %gather3A_639 = tpu.vector_load_idx %arg14[%add3A_340, %broadcast_in_dim3A_637] : memref<512x64xf32, #tpu.memory_space<vmem>>[vector<16xi32>, vector<16xi32>], vector<16xf32>,
      %mul3A_640 = arith.mulf %gather3A_638, %gather3A_639 : vector<16xf32>
      %add3A_641 = arith.addf %add3A_635, %mul3A_640 : vector<16xf32>
      %broadcast_in_dim3A_642 = arith.constant 50 : i32
      %broadcast_in_dim3A_643 = vector.broadcast %broadcast_in_dim3A_642 : i32 to vector<16xi32>
      %gather3A_644 = tpu.vector_load_idx %arg13[%add3A_340, %broadcast_in_dim3A_643] : memref<512x64xf32, #tpu.memory_space<vmem>>[vector<16xi32>, vector<16xi32>], vector<16xf32>,
      %gather3A_645 = tpu.vector_load_idx %arg14[%add3A_340, %broadcast_in_dim3A_643] : memref<512x64xf32, #tpu.memory_space<vmem>>[vector<16xi32>, vector<16xi32>], vector<16xf32>,
      %mul3A_646 = arith.mulf %gather3A_644, %gather3A_645 : vector<16xf32>
      %add3A_647 = arith.addf %add3A_641, %mul3A_646 : vector<16xf32>
      %broadcast_in_dim3A_648 = arith.constant 51 : i32
      %broadcast_in_dim3A_649 = vector.broadcast %broadcast_in_dim3A_648 : i32 to vector<16xi32>
      %gather3A_650 = tpu.vector_load_idx %arg13[%add3A_340, %broadcast_in_dim3A_649] : memref<512x64xf32, #tpu.memory_space<vmem>>[vector<16xi32>, vector<16xi32>], vector<16xf32>,
      %gather3A_651 = tpu.vector_load_idx %arg14[%add3A_340, %broadcast_in_dim3A_649] : memref<512x64xf32, #tpu.memory_space<vmem>>[vector<16xi32>, vector<16xi32>], vector<16xf32>,
      %mul3A_652 = arith.mulf %gather3A_650, %gather3A_651 : vector<16xf32>
      %add3A_653 = arith.addf %add3A_647, %mul3A_652 : vector<16xf32>
      %broadcast_in_dim3A_654 = arith.constant 52 : i32
      %broadcast_in_dim3A_655 = vector.broadcast %broadcast_in_dim3A_654 : i32 to vector<16xi32>
      %gather3A_656 = tpu.vector_load_idx %arg13[%add3A_340, %broadcast_in_dim3A_655] : memref<512x64xf32, #tpu.memory_space<vmem>>[vector<16xi32>, vector<16xi32>], vector<16xf32>,
      %gather3A_657 = tpu.vector_load_idx %arg14[%add3A_340, %broadcast_in_dim3A_655] : memref<512x64xf32, #tpu.memory_space<vmem>>[vector<16xi32>, vector<16xi32>], vector<16xf32>,
      %mul3A_658 = arith.mulf %gather3A_656, %gather3A_657 : vector<16xf32>
      %add3A_659 = arith.addf %add3A_653, %mul3A_658 : vector<16xf32>
      %broadcast_in_dim3A_660 = arith.constant 53 : i32
      %broadcast_in_dim3A_661 = vector.broadcast %broadcast_in_dim3A_660 : i32 to vector<16xi32>
      %gather3A_662 = tpu.vector_load_idx %arg13[%add3A_340, %broadcast_in_dim3A_661] : memref<512x64xf32, #tpu.memory_space<vmem>>[vector<16xi32>, vector<16xi32>], vector<16xf32>,
      %gather3A_663 = tpu.vector_load_idx %arg14[%add3A_340, %broadcast_in_dim3A_661] : memref<512x64xf32, #tpu.memory_space<vmem>>[vector<16xi32>, vector<16xi32>], vector<16xf32>,
      %mul3A_664 = arith.mulf %gather3A_662, %gather3A_663 : vector<16xf32>
      %add3A_665 = arith.addf %add3A_659, %mul3A_664 : vector<16xf32>
      %broadcast_in_dim3A_666 = arith.constant 54 : i32
      %broadcast_in_dim3A_667 = vector.broadcast %broadcast_in_dim3A_666 : i32 to vector<16xi32>
      %gather3A_668 = tpu.vector_load_idx %arg13[%add3A_340, %broadcast_in_dim3A_667] : memref<512x64xf32, #tpu.memory_space<vmem>>[vector<16xi32>, vector<16xi32>], vector<16xf32>,
      %gather3A_669 = tpu.vector_load_idx %arg14[%add3A_340, %broadcast_in_dim3A_667] : memref<512x64xf32, #tpu.memory_space<vmem>>[vector<16xi32>, vector<16xi32>], vector<16xf32>,
      %mul3A_670 = arith.mulf %gather3A_668, %gather3A_669 : vector<16xf32>
      %add3A_671 = arith.addf %add3A_665, %mul3A_670 : vector<16xf32>
      %broadcast_in_dim3A_672 = arith.constant 55 : i32
      %broadcast_in_dim3A_673 = vector.broadcast %broadcast_in_dim3A_672 : i32 to vector<16xi32>
      %gather3A_674 = tpu.vector_load_idx %arg13[%add3A_340, %broadcast_in_dim3A_673] : memref<512x64xf32, #tpu.memory_space<vmem>>[vector<16xi32>, vector<16xi32>], vector<16xf32>,
      %gather3A_675 = tpu.vector_load_idx %arg14[%add3A_340, %broadcast_in_dim3A_673] : memref<512x64xf32, #tpu.memory_space<vmem>>[vector<16xi32>, vector<16xi32>], vector<16xf32>,
      %mul3A_676 = arith.mulf %gather3A_674, %gather3A_675 : vector<16xf32>
      %add3A_677 = arith.addf %add3A_671, %mul3A_676 : vector<16xf32>
      %broadcast_in_dim3A_678 = arith.constant 56 : i32
      %broadcast_in_dim3A_679 = vector.broadcast %broadcast_in_dim3A_678 : i32 to vector<16xi32>
      %gather3A_680 = tpu.vector_load_idx %arg13[%add3A_340, %broadcast_in_dim3A_679] : memref<512x64xf32, #tpu.memory_space<vmem>>[vector<16xi32>, vector<16xi32>], vector<16xf32>,
      %gather3A_681 = tpu.vector_load_idx %arg14[%add3A_340, %broadcast_in_dim3A_679] : memref<512x64xf32, #tpu.memory_space<vmem>>[vector<16xi32>, vector<16xi32>], vector<16xf32>,
      %mul3A_682 = arith.mulf %gather3A_680, %gather3A_681 : vector<16xf32>
      %add3A_683 = arith.addf %add3A_677, %mul3A_682 : vector<16xf32>
      %broadcast_in_dim3A_684 = arith.constant 57 : i32
      %broadcast_in_dim3A_685 = vector.broadcast %broadcast_in_dim3A_684 : i32 to vector<16xi32>
      %gather3A_686 = tpu.vector_load_idx %arg13[%add3A_340, %broadcast_in_dim3A_685] : memref<512x64xf32, #tpu.memory_space<vmem>>[vector<16xi32>, vector<16xi32>], vector<16xf32>,
      %gather3A_687 = tpu.vector_load_idx %arg14[%add3A_340, %broadcast_in_dim3A_685] : memref<512x64xf32, #tpu.memory_space<vmem>>[vector<16xi32>, vector<16xi32>], vector<16xf32>,
      %mul3A_688 = arith.mulf %gather3A_686, %gather3A_687 : vector<16xf32>
      %add3A_689 = arith.addf %add3A_683, %mul3A_688 : vector<16xf32>
      %broadcast_in_dim3A_690 = arith.constant 58 : i32
      %broadcast_in_dim3A_691 = vector.broadcast %broadcast_in_dim3A_690 : i32 to vector<16xi32>
      %gather3A_692 = tpu.vector_load_idx %arg13[%add3A_340, %broadcast_in_dim3A_691] : memref<512x64xf32, #tpu.memory_space<vmem>>[vector<16xi32>, vector<16xi32>], vector<16xf32>,
      %gather3A_693 = tpu.vector_load_idx %arg14[%add3A_340, %broadcast_in_dim3A_691] : memref<512x64xf32, #tpu.memory_space<vmem>>[vector<16xi32>, vector<16xi32>], vector<16xf32>,
      %mul3A_694 = arith.mulf %gather3A_692, %gather3A_693 : vector<16xf32>
      %add3A_695 = arith.addf %add3A_689, %mul3A_694 : vector<16xf32>
      %broadcast_in_dim3A_696 = arith.constant 59 : i32
      %broadcast_in_dim3A_697 = vector.broadcast %broadcast_in_dim3A_696 : i32 to vector<16xi32>
      %gather3A_698 = tpu.vector_load_idx %arg13[%add3A_340, %broadcast_in_dim3A_697] : memref<512x64xf32, #tpu.memory_space<vmem>>[vector<16xi32>, vector<16xi32>], vector<16xf32>,
      %gather3A_699 = tpu.vector_load_idx %arg14[%add3A_340, %broadcast_in_dim3A_697] : memref<512x64xf32, #tpu.memory_space<vmem>>[vector<16xi32>, vector<16xi32>], vector<16xf32>,
      %mul3A_700 = arith.mulf %gather3A_698, %gather3A_699 : vector<16xf32>
      %add3A_701 = arith.addf %add3A_695, %mul3A_700 : vector<16xf32>
      %broadcast_in_dim3A_702 = arith.constant 60 : i32
      %broadcast_in_dim3A_703 = vector.broadcast %broadcast_in_dim3A_702 : i32 to vector<16xi32>
      %gather3A_704 = tpu.vector_load_idx %arg13[%add3A_340, %broadcast_in_dim3A_703] : memref<512x64xf32, #tpu.memory_space<vmem>>[vector<16xi32>, vector<16xi32>], vector<16xf32>,
      %gather3A_705 = tpu.vector_load_idx %arg14[%add3A_340, %broadcast_in_dim3A_703] : memref<512x64xf32, #tpu.memory_space<vmem>>[vector<16xi32>, vector<16xi32>], vector<16xf32>,
      %mul3A_706 = arith.mulf %gather3A_704, %gather3A_705 : vector<16xf32>
      %add3A_707 = arith.addf %add3A_701, %mul3A_706 : vector<16xf32>
      %broadcast_in_dim3A_708 = arith.constant 61 : i32
      %broadcast_in_dim3A_709 = vector.broadcast %broadcast_in_dim3A_708 : i32 to vector<16xi32>
      %gather3A_710 = tpu.vector_load_idx %arg13[%add3A_340, %broadcast_in_dim3A_709] : memref<512x64xf32, #tpu.memory_space<vmem>>[vector<16xi32>, vector<16xi32>], vector<16xf32>,
      %gather3A_711 = tpu.vector_load_idx %arg14[%add3A_340, %broadcast_in_dim3A_709] : memref<512x64xf32, #tpu.memory_space<vmem>>[vector<16xi32>, vector<16xi32>], vector<16xf32>,
      %mul3A_712 = arith.mulf %gather3A_710, %gather3A_711 : vector<16xf32>
      %add3A_713 = arith.addf %add3A_707, %mul3A_712 : vector<16xf32>
      %broadcast_in_dim3A_714 = arith.constant 62 : i32
      %broadcast_in_dim3A_715 = vector.broadcast %broadcast_in_dim3A_714 : i32 to vector<16xi32>
      %gather3A_716 = tpu.vector_load_idx %arg13[%add3A_340, %broadcast_in_dim3A_715] : memref<512x64xf32, #tpu.memory_space<vmem>>[vector<16xi32>, vector<16xi32>], vector<16xf32>,
      %gather3A_717 = tpu.vector_load_idx %arg14[%add3A_340, %broadcast_in_dim3A_715] : memref<512x64xf32, #tpu.memory_space<vmem>>[vector<16xi32>, vector<16xi32>], vector<16xf32>,
      %mul3A_718 = arith.mulf %gather3A_716, %gather3A_717 : vector<16xf32>
      %add3A_719 = arith.addf %add3A_713, %mul3A_718 : vector<16xf32>
      %broadcast_in_dim3A_720 = arith.constant 63 : i32
      %broadcast_in_dim3A_721 = vector.broadcast %broadcast_in_dim3A_720 : i32 to vector<16xi32>
      %gather3A_722 = tpu.vector_load_idx %arg13[%add3A_340, %broadcast_in_dim3A_721] : memref<512x64xf32, #tpu.memory_space<vmem>>[vector<16xi32>, vector<16xi32>], vector<16xf32>,
      %gather3A_723 = tpu.vector_load_idx %arg14[%add3A_340, %broadcast_in_dim3A_721] : memref<512x64xf32, #tpu.memory_space<vmem>>[vector<16xi32>, vector<16xi32>], vector<16xf32>,
      %mul3A_724 = arith.mulf %gather3A_722, %gather3A_723 : vector<16xf32>
      %add3A_725 = arith.addf %add3A_719, %mul3A_724 : vector<16xf32>
      %mul3A_726 = arith.constant 16 : i32
      %mul3A_727 = arith.muli %scan3A_335, %mul3A_726 : i32
      %get3A = arith.index_cast %mul3A_727 : i32 to index
      %get3A_728 = tpu.vector_load %arg15[%get3A] {strides = array<i32>} : memref<512xf32, #tpu.memory_space<vmem>>, vector<16xf32>,
      %mul3A_729 = arith.constant 16 : i32
      %mul3A_730 = arith.muli %scan3A_335, %mul3A_729 : i32
      %get3A_731 = arith.index_cast %mul3A_730 : i32 to index
      %get3A_732 = tpu.vector_load %arg16[%get3A_731] {strides = array<i32>} : memref<512xf32, #tpu.memory_space<vmem>>, vector<16xf32>,
      %mul3A_733 = arith.constant 16 : i32
      %mul3A_734 = arith.muli %scan3A_335, %mul3A_733 : i32
      %get3A_735 = arith.index_cast %mul3A_734 : i32 to index
      %get3A_736 = tpu.vector_load %arg12[%get3A_735] {strides = array<i32>} : memref<512xf32, #tpu.memory_space<vmem>>, vector<16xf32>,
      %bitcast3A = vector.bitcast %get3A_736 : vector<16xf32> to vector<16xi32>
      %shift_right_arithmetic3A = arith.constant 23 : i32
      %shift_right_arithmetic3A_737 = vector.broadcast %shift_right_arithmetic3A : i32 to vector<16xi32>
      %shift_right_arithmetic3A_738 = arith.shrsi %bitcast3A, %shift_right_arithmetic3A_737 : vector<16xi32>
      %sub3A = arith.constant 127 : i32
      %sub3A_739 = vector.broadcast %sub3A : i32 to vector<16xi32>
      %sub3A_740 = arith.subi %shift_right_arithmetic3A_738, %sub3A_739 : vector<16xi32>
      %and3A = arith.constant 8388607 : i32
      %and3A_741 = vector.broadcast %and3A : i32 to vector<16xi32>
      %and3A_742 = arith.andi %bitcast3A, %and3A_741 : vector<16xi32>
      %or3A = arith.constant 1065353216 : i32
      %or3A_743 = vector.broadcast %or3A : i32 to vector<16xi32>
      %or3A_744 = arith.ori %and3A_742, %or3A_743 : vector<16xi32>
      %bitcast3A_745 = vector.bitcast %or3A_744 : vector<16xi32> to vector<16xf32>
      %ge3A = arith.constant 1.41421354 : f32
      %ge3A_746 = vector.broadcast %ge3A : f32 to vector<16xf32>
      %ge3A_747 = arith.cmpf oge, %bitcast3A_745, %ge3A_746 : vector<16xf32>
      %mul3A_748 = arith.constant 5.000000e-01 : f32
      %mul3A_749 = vector.broadcast %mul3A_748 : f32 to vector<16xf32>
      %mul3A_750 = arith.mulf %bitcast3A_745, %mul3A_749 : vector<16xf32>
      %select_n3A = arith.select %ge3A_747, %mul3A_750, %bitcast3A_745 : vector<16xi1>, vector<16xf32>
      %add3A_751 = arith.constant 1 : i32
      %add3A_752 = vector.broadcast %add3A_751 : i32 to vector<16xi32>
      %add3A_753 = arith.addi %sub3A_740, %add3A_752 : vector<16xi32>
      %select_n3A_754 = arith.select %ge3A_747, %add3A_753, %sub3A_740 : vector<16xi1>, vector<16xi32>
      %sub3A_755 = arith.constant 1.000000e+00 : f32
      %sub3A_756 = vector.broadcast %sub3A_755 : f32 to vector<16xf32>
      %sub3A_757 = arith.subf %select_n3A, %sub3A_756 : vector<16xf32>
      %add3A_758 = arith.constant 1.000000e+00 : f32
      %add3A_759 = vector.broadcast %add3A_758 : f32 to vector<16xf32>
      %add3A_760 = arith.addf %select_n3A, %add3A_759 : vector<16xf32>
      %div3A = arith.divf %sub3A_757, %add3A_760 : vector<16xf32>
      %mul3A_761 = arith.mulf %div3A, %div3A : vector<16xf32>
      %mul3A_762 = arith.constant 2.000000e+00 : f32
      %mul3A_763 = vector.broadcast %mul3A_762 : f32 to vector<16xf32>
      %mul3A_764 = arith.mulf %mul3A_763, %div3A : vector<16xf32>
      %mul3A_765 = arith.constant 0.111111112 : f32
      %mul3A_766 = vector.broadcast %mul3A_765 : f32 to vector<16xf32>
      %mul3A_767 = arith.mulf %mul3A_761, %mul3A_766 : vector<16xf32>
      %add3A_768 = arith.constant 0.142857149 : f32
      %add3A_769 = vector.broadcast %add3A_768 : f32 to vector<16xf32>
      %add3A_770 = arith.addf %add3A_769, %mul3A_767 : vector<16xf32>
      %mul3A_771 = arith.mulf %mul3A_761, %add3A_770 : vector<16xf32>
      %add3A_772 = arith.constant 2.000000e-01 : f32
      %add3A_773 = vector.broadcast %add3A_772 : f32 to vector<16xf32>
      %add3A_774 = arith.addf %add3A_773, %mul3A_771 : vector<16xf32>
      %mul3A_775 = arith.mulf %mul3A_761, %add3A_774 : vector<16xf32>
      %add3A_776 = arith.constant 0.333333343 : f32
      %add3A_777 = vector.broadcast %add3A_776 : f32 to vector<16xf32>
      %add3A_778 = arith.addf %add3A_777, %mul3A_775 : vector<16xf32>
      %mul3A_779 = arith.mulf %mul3A_761, %add3A_778 : vector<16xf32>
      %add3A_780 = arith.constant 1.000000e+00 : f32
      %add3A_781 = vector.broadcast %add3A_780 : f32 to vector<16xf32>
      %add3A_782 = arith.addf %add3A_781, %mul3A_779 : vector<16xf32>
      %mul3A_783 = arith.mulf %mul3A_764, %add3A_782 : vector<16xf32>
      %convert_element_type3A_784 = arith.sitofp %select_n3A_754 : vector<16xi32> to vector<16xf32>
      %mul3A_785 = arith.constant 0.693147182 : f32
      %mul3A_786 = vector.broadcast %mul3A_785 : f32 to vector<16xf32>
      %mul3A_787 = arith.mulf %convert_element_type3A_784, %mul3A_786 : vector<16xf32>
      %add3A_788 = arith.addf %mul3A_787, %mul3A_783 : vector<16xf32>
      %add3A_789 = arith.addf %add3A_725, %get3A_728 : vector<16xf32>
      %add3A_790 = arith.addf %add3A_789, %get3A_732 : vector<16xf32>
      %sub3A_791 = arith.subf %add3A_790, %add3A_788 : vector<16xf32>
      %ne3A_792 = arith.cmpf one, %sub3A_791, %sub3A_791 : vector<16xf32>
      %jit3A = arith.constant 0.000000e+00 : f32
      %broadcast_in_dim3A_793 = vector.broadcast %jit3A : f32 to vector<16xf32>
      %select_n3A_794 = arith.select %ne3A_792, %broadcast_in_dim3A_793, %sub3A_791 : vector<16xi1>, vector<16xf32>
      %abs3A = math.absf %select_n3A_794 : vector<16xf32>
      %eq3A_795 = arith.constant 0x7F800000 : f32
      %eq3A_796 = vector.broadcast %eq3A_795 : f32 to vector<16xf32>
      %eq3A_797 = arith.cmpf oeq, %abs3A, %eq3A_796 : vector<16xf32>
      %jit3A_798 = arith.constant 0.000000e+00 : f32
      %broadcast_in_dim3A_799 = vector.broadcast %jit3A_798 : f32 to vector<16xf32>
      %select_n3A_800 = arith.select %eq3A_797, %broadcast_in_dim3A_799, %select_n3A_794 : vector<16xi1>, vector<16xf32>
      %gt3A = arith.constant 1.000000e+02 : f32
      %gt3A_801 = vector.broadcast %gt3A : f32 to vector<16xf32>
      %gt3A_802 = arith.cmpf ogt, %get3A_736, %gt3A_801 : vector<16xf32>
      %sub3A_803 = arith.constant 4.60517025 : f32
      %sub3A_804 = vector.broadcast %sub3A_803 : f32 to vector<16xf32>
      %sub3A_805 = arith.subf %add3A_788, %sub3A_804 : vector<16xf32>
      %mul3A_806 = arith.constant 7.500000e-01 : f32
      %mul3A_807 = vector.broadcast %mul3A_806 : f32 to vector<16xf32>
      %mul3A_808 = arith.mulf %mul3A_807, %sub3A_805 : vector<16xf32>
      %exp3A = math.exp %mul3A_808 : vector<16xf32>
      %jit3A_809 = arith.constant 1.000000e+00 : f32
      %broadcast_in_dim3A_810 = vector.broadcast %jit3A_809 : f32 to vector<16xf32>
      %select_n3A_811 = arith.select %gt3A_802, %broadcast_in_dim3A_810, %exp3A : vector<16xi1>, vector<16xf32>
      %mul3A_812 = arith.constant 5.000000e-01 : f32
      %mul3A_813 = vector.broadcast %mul3A_812 : f32 to vector<16xf32>
      %mul3A_814 = arith.mulf %mul3A_813, %select_n3A_811 : vector<16xf32>
      %mul3A_815 = arith.mulf %mul3A_814, %select_n3A_800 : vector<16xf32>
      %mul3A_816 = arith.mulf %mul3A_815, %select_n3A_800 : vector<16xf32>
      %add3A_817 = arith.addf %scan3A_336, %mul3A_816 : vector<16xf32>
      scf.yield %add3A_817 : vector<16xf32>
    }
    %scan3A_319 = arith.constant 32 : i32
    %swap3A = arith.constant 0 : index
    %swap3A_320 = tpu.vector_load %arg17[%swap3A] {strides = array<i32>} : memref<16xf32, #tpu.memory_space<vmem>>, vector<16xf32>,
    tpu.vector_store %arg17[%swap3A], %scan3A_318 {strides = array<i32>} : memref<16xf32, #tpu.memory_space<vmem>>, vector<16xf32>,
    %swap3A_321 = arith.constant 0 : index
    %swap3A_322 = tpu.vector_load %arg18[%swap3A_321] {strides = array<i32>} : memref<16xi32, #tpu.memory_space<vmem>>, vector<16xi32>,
    tpu.vector_store %arg18[%swap3A_321], %iota3A {strides = array<i32>} : memref<16xi32, #tpu.memory_space<vmem>>, vector<16xi32>,
    %eq3A = arith.constant 0 : i32
    %eq3A_323 = arith.cmpi eq, %arg1, %eq3A : i32
    %convert_element_type3A = arith.extui %eq3A_323 : i1 to i32
    %cond3A = arith.constant 0 : i32
    %cond3A_324 = arith.cmpi ne, %convert_element_type3A, %cond3A : i32
    scf.if %cond3A_324 {
      "tpu.region"() ({
        %run_scoped3A_335 = tpu.sem_alloc : memref<!tpu.dma_semaphore, #tpu.memory_space<semaphore_mem>>
        tpu.enqueue_dma source(%arg17 : memref<16xf32, #tpu.memory_space<vmem>>) target(%arg19 : memref<16xf32, #tpu.memory_space<vmem_shared>>) target_semaphore(%run_scoped3A_335 : memref<!tpu.dma_semaphore, #tpu.memory_space<semaphore_mem>>)
        tpu.wait_dma2 semaphore(%run_scoped3A_335 : memref<!tpu.dma_semaphore, #tpu.memory_space<semaphore_mem>>) src(%arg17 : memref<16xf32, #tpu.memory_space<vmem>>) dst(%arg19 : memref<16xf32, #tpu.memory_space<vmem_shared>>)
        tpu.yield
      }) : () -> ()
    } else {
    }
    %barrier3A = arith.constant 0 : index
    tpu.barrier barrier_id(%barrier3A)
    %ne3A = arith.constant 0 : i32
    %ne3A_325 = arith.cmpi ne, %arg1, %ne3A : i32
    %convert_element_type3A_326 = arith.extui %ne3A_325 : i1 to i32
    %cond3A_327 = arith.constant 0 : i32
    %cond3A_328 = arith.cmpi ne, %convert_element_type3A_326, %cond3A_327 : i32
    scf.if %cond3A_328 {
      "tpu.region"() ({
        %run_scoped3A_335 = tpu.sem_alloc : memref<!tpu.dma_semaphore, #tpu.memory_space<semaphore_mem>>
        %dma_start3A_336 = arith.constant 0 : i32
        %dma_start3A_337 = tpu.memref_slice %arg19[%dma_start3A_336] : memref<16xf32, #tpu.memory_space<vmem_shared>> -> memref<16xf32, #tpu.memory_space<vmem_shared>>
        tpu.enqueue_indirect_dma source(%arg17 : memref<16xf32, #tpu.memory_space<vmem>>) target(%dma_start3A_337 : memref<16xf32, #tpu.memory_space<vmem_shared>>) offsets(%arg18 : memref<16xi32, #tpu.memory_space<vmem>>) semaphore(%run_scoped3A_335 : memref<!tpu.dma_semaphore, #tpu.memory_space<semaphore_mem>>) {add = true}
        %dma_wait3A_338 = arith.constant 0 : i32
        %dma_wait3A_339 = tpu.memref_slice %arg19[%dma_wait3A_338] : memref<16xf32, #tpu.memory_space<vmem_shared>> -> memref<16xf32, #tpu.memory_space<vmem_shared>>
        tpu.wait_indirect_dma semaphore(%run_scoped3A_335 : memref<!tpu.dma_semaphore, #tpu.memory_space<semaphore_mem>>) src(%arg17 : memref<16xf32, #tpu.memory_space<vmem>>) dst(%dma_wait3A_339 : memref<16xf32, #tpu.memory_space<vmem_shared>>)
        tpu.yield
      }) : () -> ()
    } else {
    }
    %barrier3A_329 = arith.constant 0 : index
    tpu.barrier barrier_id(%barrier3A_329)
    %eq3A_330 = arith.constant 0 : i32
    %eq3A_331 = arith.cmpi eq, %arg1, %eq3A_330 : i32
    %convert_element_type3A_332 = arith.extui %eq3A_331 : i1 to i32
    %cond3A_333 = arith.constant 0 : i32
    %cond3A_334 = arith.cmpi ne, %convert_element_type3A_332, %cond3A_333 : i32
    scf.if %cond3A_334 {
      "tpu.region"() ({
        %run_scoped3A_335 = tpu.sem_alloc : memref<!tpu.dma_semaphore, #tpu.memory_space<semaphore_mem>>
        tpu.enqueue_dma source(%arg19 : memref<16xf32, #tpu.memory_space<vmem_shared>>) target(%arg17 : memref<16xf32, #tpu.memory_space<vmem>>) target_semaphore(%run_scoped3A_335 : memref<!tpu.dma_semaphore, #tpu.memory_space<semaphore_mem>>)
        tpu.wait_dma2 semaphore(%run_scoped3A_335 : memref<!tpu.dma_semaphore, #tpu.memory_space<semaphore_mem>>) src(%arg19 : memref<16xf32, #tpu.memory_space<vmem_shared>>) dst(%arg17 : memref<16xf32, #tpu.memory_space<vmem>>)
        tpu.yield
      }) : () -> ()
      "tpu.region"() ({
        %run_scoped3A_335 = tpu.sem_alloc : memref<!tpu.dma_semaphore, #tpu.memory_space<semaphore_mem>>
        %dma_start3A_336 = arith.constant 0 : i32
        %dma_start3A_337 = tpu.memref_slice %arg9[%arg0, %dma_start3A_336] : memref<2x16xf32, #tpu.memory_space<hbm>> -> memref<1x16xf32, #tpu.memory_space<hbm>>
        %dma_start3A_338 = tpu.memref_squeeze %dma_start3A_337 : memref<1x16xf32, #tpu.memory_space<hbm>> -> memref<16xf32, #tpu.memory_space<hbm>>
        %dma_start3A_339 = arith.constant 0 : i32
        %dma_start3A_340 = tpu.memref_slice %arg9[%arg0, %dma_start3A_339] : memref<2x16xf32, #tpu.memory_space<hbm>> -> memref<1x16xf32, #tpu.memory_space<hbm>>
        %dma_start3A_341 = tpu.memref_squeeze %dma_start3A_340 : memref<1x16xf32, #tpu.memory_space<hbm>> -> memref<16xf32, #tpu.memory_space<hbm>>
        tpu.enqueue_dma source(%arg17 : memref<16xf32, #tpu.memory_space<vmem>>) target(%dma_start3A_341 : memref<16xf32, #tpu.memory_space<hbm>>) target_semaphore(%run_scoped3A_335 : memref<!tpu.dma_semaphore, #tpu.memory_space<semaphore_mem>>)
        %dma_wait3A_342 = arith.constant 0 : i32
        %dma_wait3A_343 = tpu.memref_slice %arg9[%arg0, %dma_wait3A_342] : memref<2x16xf32, #tpu.memory_space<hbm>> -> memref<1x16xf32, #tpu.memory_space<hbm>>
        %dma_wait3A_344 = tpu.memref_squeeze %dma_wait3A_343 : memref<1x16xf32, #tpu.memory_space<hbm>> -> memref<16xf32, #tpu.memory_space<hbm>>
        %dma_wait3A_345 = arith.constant 0 : i32
        %dma_wait3A_346 = tpu.memref_slice %arg9[%arg0, %dma_wait3A_345] : memref<2x16xf32, #tpu.memory_space<hbm>> -> memref<1x16xf32, #tpu.memory_space<hbm>>
        %dma_wait3A_347 = tpu.memref_squeeze %dma_wait3A_346 : memref<1x16xf32, #tpu.memory_space<hbm>> -> memref<16xf32, #tpu.memory_space<hbm>>
        tpu.wait_dma2 semaphore(%run_scoped3A_335 : memref<!tpu.dma_semaphore, #tpu.memory_space<semaphore_mem>>) src(%arg17 : memref<16xf32, #tpu.memory_space<vmem>>) dst(%dma_wait3A_347 : memref<16xf32, #tpu.memory_space<hbm>>)
        tpu.yield
      }) : () -> ()
    } else {
    }
    return
  }
}

</mosaic_0001>

<sc_bundles>
// kernel: kernel.4.cloned.1.call-start
scs
__scs_entry_jumppad:
0x0: {  	(pc) =	sbr.rel $0x88, $3  }
0x1: {  	(tag) =	ssettag $0x0;
	lr =	simm.s32 $0x1  }
0x2: {  	[smem:$0x3F9A] =	sst lr;
	_ =	strace $0xD0000000  }
0x3: {  	_ = 	snop  }
0x4: {  	_ = 	snop  }
0x5: {  	_ = 	snop  }
0x6: {  	_ = 	snop  }
0x7: {  	_ = 	snop  }
__scs_overlays_trampoline_lowered:
0x8: {  	[smem:$0x3FA9] =	sst s0  }
0x9: {  	[smem:$0x3FAA] =	sst s1  }
0xa: {  	[smem:$0x3FAB] =	sst s2  }
0xb: {  	[smem:$0x3FAC] =	sst s3  }
0xc: {  	[smem:$0x3FAD] =	sst s4  }
0xd: {  	[smem:$0x3FAE] =	sst s5  }
0xe: {  	[smem:$0x3FAF] =	sst s6  }
0xf: {  	[smem:$0x3FB0] =	sst s7  }
0x10: {  	[smem:$0x3FB1] =	sst s8  }
0x11: {  	[smem:$0x3FB2] =	sst s9;
	s0 =	simm.s32 @!p0 $0x0  }
0x12: {  	s1 =	sld [smem:$0x3F98];
	s0 =	simm.s32 @p0 $0x1  }
0x13: {  	[smem:$0x3FB3] =	sst s0;
	s0 =	simm.s32 @!p1 $0x0  }
0x14: {  	s2 =	sld [smem:$0x3F97];
	s0 =	simm.s32 @p1 $0x1  }
0x15: {  	[smem:$0x3FB4] =	sst s0;
	s0 =	simm.s32 @!p2 $0x0  }
0x16: {  	s3 =	sld [smem:$0x3FDB];
	s0 =	simm.s32 @p2 $0x1  }
0x17: {  	s4 =	simm.s32 $0x1BF5;
	[smem:$0x3FB6] =	sst s0  }
0x18: {  	s0 =	sld [smem:$0x3F99];
	_ =	swait.ge [sflag:s4], $0x0  }
0x19: {  	s7 =	sld [smem:$0x3F9A]  }
0x1a: {  	s8 =	sadd.s32 $0xFFFFE003, lr  }
0x1b: {  	s9 =	sadd.s32 $0xFFFFFEF7, lr;
	s5 =	simm.s32 $0xFFFFFFFF;
	p2 =	slt.u32 s8, $0xFFFFF086  }
0x1c: {  	p1 =	slt.u32 s9, $0xF7A;
	s5 =	simm.s32 @!p2 $0x0  }
0x1d: {  	s5 =	simm.s32 @p1 $0x1;
	p0 =	seq.s32 s7, s2  }
0x1e: {  	s7 =	smul.u32 @!p0 $0xF7A, s2;
	p2 =	seq.s32 @!p0 s5, $0x0  }
0x1f: {  	s9 =	smul.u32 $0xF7A, s1;
	s8 =	simm.s32 @!p0 $0x1BF5;
	p2 =	por !p2, p0  }
0x20: {  	[sflag:s8] =	ssyncset.s32 @!p0 $0xFFFFF086;
	s6 =	sadd.s32 @!p0 s3, s7;
	s7 =	simm.s32 @!p0 $0x108  }
0x21: {  	s3 =	sadd.s32 s3, s9;
	s6 =	sadd.s32 @!p0 $0x88, s6;
	s7 =	simm.s32 @p2 $0x1082  }
0x22: {  	[simem:s7], [sflag:s8] =	dma.local @!p0 [hbm:s6], $0xF7A  }
0x23: {  	s9 =	sor.u32 $0xD0000000, s2;
	s6 =	simm.s32 $0x108;
	_ =	swait.ge @!p0 [sflag:s8], $0x0  }
0x24: {  	s3 =	sadd.s32 $0x88, s3;
	s6 =	simm.s32 @!p1 $0x1082;
	[sflag:s4] =	ssyncset.s32 $0xFFFFF086  }
0x25: {  	[simem:s6], [sflag:s4] =	dma.local [hbm:s3], $0xF7A  }
0x26: {  	[smem:$0x3F9A] =	sst s1;
	(tag) =	ssettag s2;
	_ =	strace s9  }
0x27: {  	s1 =	sld [smem:$0x3FAA]  }
0x28: {  	s2 =	sld [smem:$0x3FAB]  }
0x29: {  	s4 =	sld [smem:$0x3FAD]  }
0x2a: {  	p0 =	seq.s32 s5, $0x0;
	s5 =	sld [smem:$0x3FAE]  }
0x2b: {  	s6 =	sld [smem:$0x3FAF]  }
0x2c: {  	s7 =	sld [smem:$0x3FB0]  }
0x2d: {  	s3 =	simm.s32 $0x108;
	s8 =	sld [smem:$0x3FB1]  }
0x2e: {  	s3 =	simm.s32 @!p0 $0x1082;
	s9 =	sld [smem:$0x3FB2]  }
0x2f: {  	lr =	sadd.s32 s0, s3;
	s0 =	sld [smem:$0x3FA9]  }
0x30: {  	s3 =	sld [smem:$0x3FAC]  }
0x31: {  	[smem:$0x3FB5] =	sst s10  }
0x32: {  	s10 =	sld [smem:$0x3FB3];
	_ =	sdelay $0x3  }
0x33: {  	p0 =	seq.s32 s10, $0x1;
	s10 =	sld [smem:$0x3FB5];
	_ =	sdelay $0x3  }
0x34: {  	[smem:$0x3FB5] =	sst s10  }
0x35: {  	s10 =	sld [smem:$0x3FB4];
	_ =	sdelay $0x3  }
0x36: {  	p1 =	seq.s32 s10, $0x1;
	s10 =	sld [smem:$0x3FB5];
	_ =	sdelay $0x3  }
0x37: {  	[smem:$0x3FB5] =	sst s10  }
0x38: {  	s10 =	sld [smem:$0x3FB6]  }
0x39: {  	_ = 	snop;
	(pc) =	sbr.ind lr, $3  }
0x3a: {  	_ = 	snop  }
0x3b: {  	_ = 	snop  }
0x3c: {  	p2 =	seq.s32 s10, $0x1;
	s10 =	sld [smem:$0x3FB5]  }
0x3d: {  	_ =	shalt  }
0x3e: {  	_ =	shalt  }
0x3f: {  	_ =	shalt  }
0x40: {  	_ =	shalt  }
0x41: {  	_ =	shalt  }
0x42: {  	_ =	shalt  }
0x43: {  	_ =	shalt  }
0x44: {  	_ =	shalt  }
0x45: {  	_ =	shalt  }
0x46: {  	_ =	shalt  }
0x47: {  	_ =	shalt  }
0x48: {  	_ =	shalt  }
0x49: {  	_ =	shalt  }
0x4a: {  	_ =	shalt  }
0x4b: {  	_ =	shalt  }
0x4c: {  	_ =	shalt  }
0x4d: {  	_ =	shalt  }
0x4e: {  	_ =	shalt  }
0x4f: {  	_ =	shalt  }
0x50: {  	_ =	shalt  }
0x51: {  	_ =	shalt  }
0x52: {  	_ =	shalt  }
0x53: {  	_ =	shalt  }
0x54: {  	_ =	shalt  }
0x55: {  	_ =	shalt  }
0x56: {  	_ =	shalt  }
0x57: {  	_ =	shalt  }
0x58: {  	_ =	shalt  }
0x59: {  	_ =	shalt  }
0x5a: {  	_ =	shalt  }
0x5b: {  	_ =	shalt  }
0x5c: {  	_ =	shalt  }
0x5d: {  	_ =	shalt  }
0x5e: {  	_ =	shalt  }
0x5f: {  	_ =	shalt  }
0x60: {  	_ =	shalt  }
0x61: {  	_ =	shalt  }
0x62: {  	_ =	shalt  }
0x63: {  	_ =	shalt  }
0x64: {  	_ =	shalt  }
0x65: {  	_ =	shalt  }
0x66: {  	_ =	shalt  }
0x67: {  	_ =	shalt  }
0x68: {  	_ =	shalt  }
0x69: {  	_ =	shalt  }
0x6a: {  	_ =	shalt  }
0x6b: {  	_ =	shalt  }
0x6c: {  	_ =	shalt  }
0x6d: {  	_ =	shalt  }
0x6e: {  	_ =	shalt  }
0x6f: {  	_ =	shalt  }
0x70: {  	_ =	shalt  }
0x71: {  	_ =	shalt  }
0x72: {  	_ =	shalt  }
0x73: {  	_ =	shalt  }
0x74: {  	_ =	shalt  }
0x75: {  	_ =	shalt  }
0x76: {  	_ =	shalt  }
0x77: {  	_ =	shalt  }
0x78: {  	_ =	shalt  }
0x79: {  	_ =	shalt  }
0x7a: {  	_ =	shalt  }
0x7b: {  	_ =	shalt  }
0x7c: {  	_ =	shalt  }
0x7d: {  	_ =	shalt  }
0x7e: {  	_ =	shalt  }
0x7f: {  	_ =	shalt  }
0x80: {  	_ =	shalt  }
0x81: {  	_ =	shalt  }
0x82: {  	_ =	shalt  }
0x83: {  	_ =	shalt  }
0x84: {  	_ =	shalt  }
0x85: {  	_ =	shalt  }
0x86: {  	_ =	shalt  }
0x87: {  	_ =	shalt  }
.Lfunc_end0:
.L_simem_size_0:
called_computation_lowered:
.L_overlay_start_0:
0x88: {  	s2 =	sld [smem:$0x3FD9]  }
0x89: {  	s3 =	sld [smem:$0x3FFE];
	_ =	sdelay $0x1  }
0x8a: {  	s1 =	srdreg.scid  }
0x8b: {  	s0 =	sand.u32 $0x1, s1  }
0x8c: {  	s16 =	sshll.u32 s0, $0xA;
	s2 =	sadd.s32 s3, s2  }
0x8d: {  	s2 =	sadd.s32 s2, s16  }
0x8e: {  	[smem:$0x3FC1] =	sst s2  }
0x8f: {  	_ = 	snop  }
0x90: {  	(tm) =	ssettm $0x1  }
0x91: {  	s17 =	sld [smem:$0x3FFB];
	_ =	sdelay $0x3  }
0x92: {  	_ =	strace s17  }
0x93: {  	s2 =	sld [smem:$0x3FFC];
	_ =	sdelay $0x3  }
0x94: {  	_ =	strace s2  }
0x95: {  	s2 =	sld [smem:$0x3FFD];
	_ =	sdelay $0x3  }
0x96: {  	_ =	strace s2  }
0x97: {  	_ =	strace $0x8FFFFFFF  }
0x98: {  	s18 =	sld [smem:$0x3FDB];
	_ =	sdelay $0x1  }
0x99: {  	s19 =	simm.s32 $_scs_section_size  }
0x9a: {  	s4 =	simm.s32 $_size__tile_overlayer_lowered;
	s5 =	simm.s32 $_tile_overlayer_lowered  }
0x9b: {  	s22 =	simm.s32 $0x1BFF;
	s21 =	sshll.u32 s5, $0x1;
	s2 =	sadd.s32 s19, s18  }
0x9c: {  	s6 =	simm.s32 $0x0;
	s20 =	sshll.u32 s4, $0x1;
	s4 =	sadd.s32 s21, s2  }
0x9d: {  	[timem:s6], [sflag:s22] =	dma.local [hbm:s4], s20  }
0x9e: {  	_ =	swait.ge [sflag:s22], s20  }
0x9f: {  	s3 =	ssub.s32 $0x0, s20;
	[sflag:s22] =	ssyncset.done $0x0  }
0xa0: {  	[sflag:s22] =	ssyncadd.s32 s3;
	_ =	sdelay $0x1  }
0xa1: {  	s23 =	simm.s32 $0x1B8B  }
0xa2: {  	_ =	swait.ge [sflag:s23], $0x1  }
0xa3: {  	[sflag:s23] =	ssyncset.done $0x0  }
0xa4: {  	s25 =	simm.s32 $0x1B8E;
	s24 =	sld [smem:$0x3FFE];
	[sflag:s23] =	ssyncadd.s32 $0xFFFFFFFF  }
0xa5: {  	s26 =	simm.s32 $execute0_lowered;
	[smem:$0x3FD2] =	sst s25  }
0xa6: {  	s4 =	sshll.u32 s26, $0x1;
	_ =	strace $0x80000046;
	[dreg:$0x1] =	wrdreg $0xFFFFFFFF  }
0xa7: {  	s28 =	simm.s32 $_size_execute0_lowered;
	s2 =	sadd.s32 s2, s4;
	[dreg:$0x0] =	wrdreg $0x0  }
0xa8: {  	s4 =	sshll.u32 s28, $0x1;
	[dreg:$0x2] =	wrdreg s2  }
0xa9: {  	[dreg:$0x3] =	wrdreg s4  }
0xaa: {  	[dreg:$0x4] =	wrdreg $0xC0  }
0xab: {  	_ =	task [dreg:s6], $0x5FFFF  }
0xac: {  	[dreg:$0x1] =	wrdreg $0xFFFFFFFF  }
0xad: {  	[dreg:$0x0] =	wrdreg $0x60  }
0xae: {  	[dreg:$0x2] =	wrdreg s24  }
0xaf: {  	[dreg:$0x3] =	wrdreg $0x9  }
0xb0: {  	_ =	task.clear_ibuf [dreg:s6], $0x4FFFF;
	_ =	strace $0x90000046  }
0xb1: {  	s29 =	simm.s32 $0x9;
	_ =	strace $0x80000048  }
0xb2: {  	_ =	swait.ge [sflag:s29], $0x1  }
0xb3: {  	[sflag:s29] =	ssyncadd.s32 $0xFFFFFFFF  }
0xb4: {  	_ =	strace $0x90000048  }
0xb5: {  	_ =	sfence  }
0xb6: {  	s30 =	sld [smem:$0x0];
	_ =	sdelay $0x2  }
0xb7: {  	s31 =	sshll.u32 s1, $0xD;
	s1 =	sshrl.u32 s1, $0x2  }
0xb8: {  	s3 =	sand.u32 $0x4000, s31;
	s1 =	sadd.s32 s1, s30  }
0xb9: {  	s0 =	sor.u32 s3, s0;
	s1 =	sshll.u32 s1, $0x11  }
0xba: {  	s0 =	sor.u32 s1, s0  }
0xbb: {  	s0 =	sadd.s32 $0x8F2B, s0  }
0xbc: {  	[sflag:s0] =	ssyncadd.remote.s32 $0x1  }
0xbd: {  	_ =	sfence.sel $0xFFFF  }
0xbe: {  	[dreg:$0x0] =	wrdreg $0xFFFFFFFF;
	(pc) =	sbr.abs _section_cstart, $3  }
0xbf: {  	[dreg:$0x1] =	wrdreg $0xFFFFFFFF  }
0xc0: {  	_ =	task.clear_ibuf [dreg:s6], $0x2FFFF;
	_ =	strace $0x9FFFFFFF  }
0xc1: {  	(tm) =	ssettm $0x7FFFFFFF  }
tec
execute0_lowered:
.L_overlay_start_1:
0x0: {  	(tag) =	ssettag $0x1  }
0x1: {  	s1 =	srdreg.scid  }
0x2: {  	s0 =	stileid.u32;
	s10 =	rddreg [dreg:$0x0]  }
0x3: {  	s2 =	simm.s32 $0x0;
	s13 =	simm.s32 $0x6400;
	s14 =	simm.s32 $0xC800  }
0x4: {  	s15 =	simm.s32 $0xD480;
	s3 =	sand.u32 $0x1, s1;
	s31 =	sshll.u32 s0, $0x1  }
0x5: {  	s16 =	simm.s32 $0x0;
	s1 =	rddreg [dreg:$0x1];
	s12 =	sor.u32 s3, s31  }
0x6: {  	[smem:$0x7FF] =	sst s2;
	s8 =	sadd.s32 $0x1A980, s10;
	s4 =	smul.u32 $0xC80, s12  }
0x7: {  	s9 =	sadd.s32 $0x36670, s10;
	s3 =	ssub.s32 $0x2, s3;
	s5 =	smul.u32 $0x190, s12  }
.Ltmp0:
0x8: {  	_ =	strace $0x80000047;
	s6 =	sshrl.u32 s3, $0x1;
	(pc) =	sbr.rel .LBB2_1-.Ltmp0, $4  }
0x9: {  	p0 =	seq.s32 s12, $0x1F;
	s12 =	simm.s32 $0x1;
	s11 =	ssub.s32 s3, s6  }
0xa: {  	s4 =	sadd.s32 s4, s10;
	s7 =	sadd.s32 s5, s10;
	s11 =	smax.u32 s11, $0x1  }
0xb: {  	v0 =	vlaneseq.u32;
	s3 =	sadd.s32 $0x1AE00, s4;
	s4 =	sadd.s32 $0x2600, s4;
	s5 =	sadd.s32 $0x33600, s7  }
0xc: {  	v0 =	vmul.u32 $0x8, v0;
	s6 =	sadd.s32 $0x36800, s7;
	s7 =	sadd.s32 $0x33180, s10;
	s10 =	sadd.s32 $0x39870, s10  }
.LBB2_7:
0xd: {  	v2 =	vshll.u32 v2, $0x3  }
0xe: {  	v2 =	vor.u32 v0, v2;
	_ =	sdelay $0x2  }
0xf: {  	s17 =	sadd.s32 $0x10, s17  }
0x10: {  	[tilespmem:s17+$0x0] =	vst v1  }
0x11: {  	v1 =	vld.idx.msk [tilespmem:v2+s2+$0x0], $0xffff;
	_ =	sdelay $0x3  }
0x12: {  	s18 =	sadd.s32 $0x10, s18  }
0x13: {  	[tilespmem:s18+$0x0] =	vst v1  }
0x14: {  	v1 =	vld.idx.msk [tilespmem:v2+s13+$0x0], $0xffff;
	_ =	sdelay $0x3  }
0x15: {  	s17 =	sadd.s32 $0x10, s17  }
0x16: {  	[tilespmem:s17+$0x0] =	vst v1  }
0x17: {  	[hbm4b:s9+s2] =	stream.linear.scatter [tilespmem:s14], [sflag:$0x1], $0x320, $0x38;
	[tilespmem:$0xE100] =	vst v63  }
0x18: {  	_ =	swait.ge [sflag:s12], $0x320  }
0x19: {  	[sflag:s12] =	ssyncset.done $0x0  }
0x1a: {  	[sflag:s12] =	ssyncadd.s32 $0xFFFFFCE0  }
0x1b: {  	[hbm4b:s10+s2] =	stream.linear.scatter [tilespmem:s15], [sflag:$0x1], $0x320, $0x38;
	[tilespmem:$0xE100] =	vst v63  }
0x1c: {  	_ =	swait.ge [sflag:s12], $0x320  }
0x1d: {  	[sflag:s12] =	ssyncset.done $0x0  }
0x1e: {  	[sflag:s12] =	ssyncadd.s32 $0xFFFFFCE0  }
.LBB2_8:
0x1f: {  	s16 =	sadd.s32 $0x1, s16  }
0x20: {  	p1 =	sne.s32 s16, s11  }
.Ltmp1:
0x21: {  	_ = 	snop;
	(pc) =	sbr.rel @!p1 .LBB2_9-.Ltmp1, $1  }
0x22: {  	_ =	sdelay $0x3  }
.LBB2_1:
.Ltmp2:
0x23: {  	(pc) =	sbr.rel @!p0 .LBB2_2-.Ltmp2, $2  }
0x24: {  	_ =	sdelay $0x2  }
0x25: {  	s17 =	simm.s32 $0x0  }
0x26: {  	[tilespmem:s17], [sflag:$0x1] =	stream.linear.gather [hbm4b:s7+s17], $0x1900, $0x38;
	[tilespmem:$0xE100] =	vst v63  }
0x27: {  	v1 =	vmov s17;
	_ =	swait.ge [sflag:s12], $0x1900  }
0x28: {  	v1 =	vshll.u32 v1, $0x3;
	[sflag:s12] =	ssyncset.done $0x0  }
0x29: {  	v1 =	vor.u32 v0, v1;
	[sflag:s12] =	ssyncadd.s32 $0xFFFFE700  }
0x2a: {  	[tilespmem:s13], [sflag:$0x1] =	stream.linear.gather [hbm4b:s8+s17], $0x1900, $0x38;
	[tilespmem:$0xE100] =	vst v63  }
0x2b: {  	_ =	swait.ge [sflag:s12], $0x1900  }
0x2c: {  	[sflag:s12] =	ssyncset.done $0x0  }
0x2d: {  	[sflag:s12] =	ssyncadd.s32 $0xFFFFE700  }
0x2e: {  	v2 =	vld.idx.msk [tilespmem:v1+s2+$0x0], $0xffff;
	_ =	sdelay $0x3  }
0x2f: {  	s31 =	simm.s32 $0xC800;
	s18 =	simm.s32 $0x10  }
0x30: {  	[tilespmem:s31+$0x0] =	vst v2;
	v2 =	vmov s18  }
0x31: {  	v1 =	vld.idx.msk [tilespmem:v1+s13+$0x0], $0xffff;
	v2 =	vshll.u32 v2, $0x3  }
0x32: {  	v3 =	vor.u32 v0, v2;
	_ =	sdelay $0x2  }
0x33: {  	s17 =	simm.s32 $0xD480  }
0x34: {  	[tilespmem:s17+$0x0] =	vst v1  }
0x35: {  	v1 =	vld.idx.msk [tilespmem:v3+s2+$0x0], $0xffff;
	_ =	sdelay $0x3  }
0x36: {  	s18 =	simm.s32 $0xC810  }
0x37: {  	s19 =	simm.s32 $0x20;
	[tilespmem:s18+$0x0] =	vst v1  }
0x38: {  	v2 =	vmov s19;
	s19 =	simm.s32 $0x30;
	v1 =	vld.idx.msk [tilespmem:v3+s13+$0x0], $0xffff  }
.LBB2_6:
0x39: {  	p1 =	sne.s32 s19, $0x310;
	v2 =	vshll.u32 v2, $0x3  }
0x3a: {  	v3 =	vor.u32 v0, v2;
	_ =	sdelay $0x2  }
0x3b: {  	s17 =	sadd.s32 $0x10, s17  }
0x3c: {  	[tilespmem:s17+$0x0] =	vst v1  }
0x3d: {  	v1 =	vld.idx.msk [tilespmem:v3+s2+$0x0], $0xffff;
	_ =	sdelay $0x2  }
.Ltmp3:
0x3e: {  	(pc) =	sbr.rel @p1 .LBB2_6-.Ltmp3, $4  }
0x3f: {  	_ = 	snop  }
0x40: {  	s18 =	sadd.s32 $0x10, s18  }
0x41: {  	[tilespmem:s18+$0x0] =	vst v1  }
0x42: {  	v2 =	vmov s19;
	s19 =	sadd.s32 $0x10, s19;
	v1 =	vld.idx.msk [tilespmem:v3+s13+$0x0], $0xffff  }
.Ltmp4:
0x43: {  	_ = 	snop;
	(pc) =	sbr.rel .LBB2_7-.Ltmp4, $1  }
0x44: {  	_ =	sdelay $0x3  }
.LBB2_2:
0x45: {  	[tilespmem:s17], [sflag:$0x1] =	stream.linear.gather [hbm4b:s3+s17], $0x6400, $0x38;
	[tilespmem:$0xE100] =	vst v63  }
0x46: {  	v1 =	vmov s17;
	_ =	swait.ge [sflag:s12], $0x6400  }
0x47: {  	v1 =	vshll.u32 v1, $0x3;
	[sflag:s12] =	ssyncset.done $0x0  }
0x48: {  	v1 =	vor.u32 v0, v1;
	[sflag:s12] =	ssyncadd.s32 $0xFFFF9C00  }
0x49: {  	[tilespmem:s13], [sflag:$0x1] =	stream.linear.gather [hbm4b:s4+s17], $0x6400, $0x38;
	[tilespmem:$0xE100] =	vst v63  }
0x4a: {  	_ =	swait.ge [sflag:s12], $0x6400  }
0x4b: {  	[sflag:s12] =	ssyncset.done $0x0  }
0x4c: {  	[sflag:s12] =	ssyncadd.s32 $0xFFFF9C00  }
0x4d: {  	v2 =	vld.idx.msk [tilespmem:v1+s2+$0x0], $0xffff;
	_ =	sdelay $0x3  }
0x4e: {  	s31 =	simm.s32 $0xC800;
	s18 =	simm.s32 $0x10  }
0x4f: {  	[tilespmem:s31+$0x0] =	vst v2;
	v2 =	vmov s18  }
0x50: {  	v1 =	vld.idx.msk [tilespmem:v1+s13+$0x0], $0xffff;
	v2 =	vshll.u32 v2, $0x3  }
0x51: {  	v3 =	vor.u32 v0, v2;
	_ =	sdelay $0x2  }
0x52: {  	s17 =	simm.s32 $0xD480  }
0x53: {  	[tilespmem:s17+$0x0] =	vst v1  }
0x54: {  	v1 =	vld.idx.msk [tilespmem:v3+s2+$0x0], $0xffff;
	_ =	sdelay $0x3  }
0x55: {  	s18 =	simm.s32 $0xC810  }
0x56: {  	s19 =	simm.s32 $0x20;
	[tilespmem:s18+$0x0] =	vst v1  }
0x57: {  	v2 =	vmov s19;
	s19 =	simm.s32 $0x30;
	v1 =	vld.idx.msk [tilespmem:v3+s13+$0x0], $0xffff  }
.LBB2_3:
0x58: {  	p1 =	sne.s32 s19, $0xC70;
	v2 =	vshll.u32 v2, $0x3  }
0x59: {  	v3 =	vor.u32 v0, v2;
	_ =	sdelay $0x2  }
0x5a: {  	s17 =	sadd.s32 $0x10, s17  }
0x5b: {  	[tilespmem:s17+$0x0] =	vst v1  }
0x5c: {  	v1 =	vld.idx.msk [tilespmem:v3+s2+$0x0], $0xffff;
	_ =	sdelay $0x2  }
.Ltmp5:
0x5d: {  	(pc) =	sbr.rel @p1 .LBB2_3-.Ltmp5, $4  }
0x5e: {  	_ = 	snop  }
0x5f: {  	s18 =	sadd.s32 $0x10, s18  }
0x60: {  	[tilespmem:s18+$0x0] =	vst v1  }
0x61: {  	v2 =	vmov s19;
	s19 =	sadd.s32 $0x10, s19;
	v1 =	vld.idx.msk [tilespmem:v3+s13+$0x0], $0xffff  }
0x62: {  	v2 =	vshll.u32 v2, $0x3  }
0x63: {  	v2 =	vor.u32 v0, v2;
	_ =	sdelay $0x2  }
0x64: {  	s17 =	sadd.s32 $0x10, s17  }
0x65: {  	[tilespmem:s17+$0x0] =	vst v1  }
0x66: {  	v1 =	vld.idx.msk [tilespmem:v2+s2+$0x0], $0xffff;
	_ =	sdelay $0x3  }
0x67: {  	s18 =	sadd.s32 $0x10, s18  }
0x68: {  	[tilespmem:s18+$0x0] =	vst v1  }
0x69: {  	v1 =	vld.idx.msk [tilespmem:v2+s13+$0x0], $0xffff;
	_ =	sdelay $0x3  }
0x6a: {  	s17 =	sadd.s32 $0x10, s17  }
0x6b: {  	[tilespmem:s17+$0x0] =	vst v1  }
0x6c: {  	[hbm4b:s5+s2] =	stream.linear.scatter [tilespmem:s14], [sflag:$0x1], $0xC80, $0x38;
	[tilespmem:$0xE100] =	vst v63  }
0x6d: {  	_ =	swait.ge [sflag:s12], $0xC80  }
0x6e: {  	[sflag:s12] =	ssyncset.done $0x0  }
.Ltmp6:
0x6f: {  	[sflag:s12] =	ssyncadd.s32 $0xFFFFF380;
	(pc) =	sbr.rel .LBB2_8-.Ltmp6, $4  }
0x70: {  	[hbm4b:s6+s2] =	stream.linear.scatter [tilespmem:s15], [sflag:$0x1], $0xC80, $0x38;
	[tilespmem:$0xE100] =	vst v63  }
0x71: {  	_ =	swait.ge [sflag:s12], $0xC80  }
0x72: {  	[sflag:s12] =	ssyncset.done $0x0  }
0x73: {  	[sflag:s12] =	ssyncadd.s32 $0xFFFFF380  }
.LBB2_9:
0x74: {  	_ =	sfence.sel $0x180000  }
0x75: {  	[bflag:$0x0] =	sbarrier.arrive $0xFFFF  }
0x76: {  	p0 =	sne.s32 s0, $0x0;
	_ =	strace $0x90000047  }
0x77: {  	s0 =	sadd.s32 @!p0 $0x100000, s1;
	[bflag:$0x2] =	sbarrier.arrive $0xFFFF  }
0x78: {  	[sflag:s0] =	ssyncadd.tile.s32 @!p0 $0x1;
	_ =	shalt  }
.Lfunc_end2:
_tile_overlayer_lowered:
.L_overlay_start_2:
0x79: {  	(tag) =	ssettag $0x2  }
0x7a: {  	s0 =	rddreg [dreg:$0x0];
	s2 =	stileid.u32  }
0x7b: {  	s1 =	rddreg [dreg:$0x1];
	p0 =	sne.s32 s2, $0x0  }
0x7c: {  	s3 =	rddreg [dreg:$0x2];
	[bflag:$0x3] =	sbarrier.arrive $0xFFFF;
	s2 =	simm.s32 @!p0 $0x1C01  }
0x7d: {  	[timem:s3], [sflag:s2] =	dma.local @!p0 [hbm:s0], s1  }
0x7e: {  	s0 =	simm.s32 @!p0 $0x1  }
0x7f: {  	_ =	swait.ge @!p0 [sflag:s0], s1  }
0x80: {  	s1 =	ssub.s32 @!p0 $0x0, s1;
	[sflag:s0] =	ssyncset.done @!p0 $0x0  }
0x81: {  	[sflag:s0] =	ssyncadd.s32 @!p0 s1  }
0x82: {  	[bflag:$0x3] =	sbarrier.arrive $0xFFFF  }
0x83: {  	_ =	shalt  }

// kernel: kernel.7.cloned.1.call-start
scs
__scs_entry_jumppad:
0x0: {  	(pc) =	sbr.rel $0x88, $3  }
0x1: {  	(tag) =	ssettag $0x0;
	lr =	simm.s32 $0x1  }
0x2: {  	[smem:$0x3F9A] =	sst lr;
	_ =	strace $0xD0000000  }
0x3: {  	_ = 	snop  }
0x4: {  	_ = 	snop  }
0x5: {  	_ = 	snop  }
0x6: {  	_ = 	snop  }
0x7: {  	_ = 	snop  }
__scs_overlays_trampoline_lowered:
0x8: {  	[smem:$0x3FA9] =	sst s0  }
0x9: {  	[smem:$0x3FAA] =	sst s1  }
0xa: {  	[smem:$0x3FAB] =	sst s2  }
0xb: {  	[smem:$0x3FAC] =	sst s3  }
0xc: {  	[smem:$0x3FAD] =	sst s4  }
0xd: {  	[smem:$0x3FAE] =	sst s5  }
0xe: {  	[smem:$0x3FAF] =	sst s6  }
0xf: {  	[smem:$0x3FB0] =	sst s7  }
0x10: {  	[smem:$0x3FB1] =	sst s8  }
0x11: {  	[smem:$0x3FB2] =	sst s9;
	s0 =	simm.s32 @!p0 $0x0  }
0x12: {  	s1 =	sld [smem:$0x3F98];
	s0 =	simm.s32 @p0 $0x1  }
0x13: {  	[smem:$0x3FB3] =	sst s0;
	s0 =	simm.s32 @!p1 $0x0  }
0x14: {  	s2 =	sld [smem:$0x3F97];
	s0 =	simm.s32 @p1 $0x1  }
0x15: {  	[smem:$0x3FB4] =	sst s0;
	s0 =	simm.s32 @!p2 $0x0  }
0x16: {  	s3 =	sld [smem:$0x3FDB];
	s0 =	simm.s32 @p2 $0x1  }
0x17: {  	s4 =	simm.s32 $0x1BF5;
	[smem:$0x3FB6] =	sst s0  }
0x18: {  	s0 =	sld [smem:$0x3F99];
	_ =	swait.ge [sflag:s4], $0x0  }
0x19: {  	s7 =	sld [smem:$0x3F9A]  }
0x1a: {  	s8 =	sadd.s32 $0xFFFFE003, lr  }
0x1b: {  	s9 =	sadd.s32 $0xFFFFFEF7, lr;
	s5 =	simm.s32 $0xFFFFFFFF;
	p2 =	slt.u32 s8, $0xFFFFF086  }
0x1c: {  	p1 =	slt.u32 s9, $0xF7A;
	s5 =	simm.s32 @!p2 $0x0  }
0x1d: {  	s5 =	simm.s32 @p1 $0x1;
	p0 =	seq.s32 s7, s2  }
0x1e: {  	s7 =	smul.u32 @!p0 $0xF7A, s2;
	p2 =	seq.s32 @!p0 s5, $0x0  }
0x1f: {  	s9 =	smul.u32 $0xF7A, s1;
	s8 =	simm.s32 @!p0 $0x1BF5;
	p2 =	por !p2, p0  }
0x20: {  	[sflag:s8] =	ssyncset.s32 @!p0 $0xFFFFF086;
	s6 =	sadd.s32 @!p0 s3, s7;
	s7 =	simm.s32 @!p0 $0x108  }
0x21: {  	s3 =	sadd.s32 s3, s9;
	s6 =	sadd.s32 @!p0 $0x88, s6;
	s7 =	simm.s32 @p2 $0x1082  }
0x22: {  	[simem:s7], [sflag:s8] =	dma.local @!p0 [hbm:s6], $0xF7A  }
0x23: {  	s9 =	sor.u32 $0xD0000000, s2;
	s6 =	simm.s32 $0x108;
	_ =	swait.ge @!p0 [sflag:s8], $0x0  }
0x24: {  	s3 =	sadd.s32 $0x88, s3;
	s6 =	simm.s32 @!p1 $0x1082;
	[sflag:s4] =	ssyncset.s32 $0xFFFFF086  }
0x25: {  	[simem:s6], [sflag:s4] =	dma.local [hbm:s3], $0xF7A  }
0x26: {  	[smem:$0x3F9A] =	sst s1;
	(tag) =	ssettag s2;
	_ =	strace s9  }
0x27: {  	s1 =	sld [smem:$0x3FAA]  }
0x28: {  	s2 =	sld [smem:$0x3FAB]  }
0x29: {  	s4 =	sld [smem:$0x3FAD]  }
0x2a: {  	p0 =	seq.s32 s5, $0x0;
	s5 =	sld [smem:$0x3FAE]  }
0x2b: {  	s6 =	sld [smem:$0x3FAF]  }
0x2c: {  	s7 =	sld [smem:$0x3FB0]  }
0x2d: {  	s3 =	simm.s32 $0x108;
	s8 =	sld [smem:$0x3FB1]  }
0x2e: {  	s3 =	simm.s32 @!p0 $0x1082;
	s9 =	sld [smem:$0x3FB2]  }
0x2f: {  	lr =	sadd.s32 s0, s3;
	s0 =	sld [smem:$0x3FA9]  }
0x30: {  	s3 =	sld [smem:$0x3FAC]  }
0x31: {  	[smem:$0x3FB5] =	sst s10  }
0x32: {  	s10 =	sld [smem:$0x3FB3];
	_ =	sdelay $0x3  }
0x33: {  	p0 =	seq.s32 s10, $0x1;
	s10 =	sld [smem:$0x3FB5];
	_ =	sdelay $0x3  }
0x34: {  	[smem:$0x3FB5] =	sst s10  }
0x35: {  	s10 =	sld [smem:$0x3FB4];
	_ =	sdelay $0x3  }
0x36: {  	p1 =	seq.s32 s10, $0x1;
	s10 =	sld [smem:$0x3FB5];
	_ =	sdelay $0x3  }
0x37: {  	[smem:$0x3FB5] =	sst s10  }
0x38: {  	s10 =	sld [smem:$0x3FB6]  }
0x39: {  	_ = 	snop;
	(pc) =	sbr.ind lr, $3  }
0x3a: {  	_ = 	snop  }
0x3b: {  	_ = 	snop  }
0x3c: {  	p2 =	seq.s32 s10, $0x1;
	s10 =	sld [smem:$0x3FB5]  }
0x3d: {  	_ =	shalt  }
0x3e: {  	_ =	shalt  }
0x3f: {  	_ =	shalt  }
0x40: {  	_ =	shalt  }
0x41: {  	_ =	shalt  }
0x42: {  	_ =	shalt  }
0x43: {  	_ =	shalt  }
0x44: {  	_ =	shalt  }
0x45: {  	_ =	shalt  }
0x46: {  	_ =	shalt  }
0x47: {  	_ =	shalt  }
0x48: {  	_ =	shalt  }
0x49: {  	_ =	shalt  }
0x4a: {  	_ =	shalt  }
0x4b: {  	_ =	shalt  }
0x4c: {  	_ =	shalt  }
0x4d: {  	_ =	shalt  }
0x4e: {  	_ =	shalt  }
0x4f: {  	_ =	shalt  }
0x50: {  	_ =	shalt  }
0x51: {  	_ =	shalt  }
0x52: {  	_ =	shalt  }
0x53: {  	_ =	shalt  }
0x54: {  	_ =	shalt  }
0x55: {  	_ =	shalt  }
0x56: {  	_ =	shalt  }
0x57: {  	_ =	shalt  }
0x58: {  	_ =	shalt  }
0x59: {  	_ =	shalt  }
0x5a: {  	_ =	shalt  }
0x5b: {  	_ =	shalt  }
0x5c: {  	_ =	shalt  }
0x5d: {  	_ =	shalt  }
0x5e: {  	_ =	shalt  }
0x5f: {  	_ =	shalt  }
0x60: {  	_ =	shalt  }
0x61: {  	_ =	shalt  }
0x62: {  	_ =	shalt  }
0x63: {  	_ =	shalt  }
0x64: {  	_ =	shalt  }
0x65: {  	_ =	shalt  }
0x66: {  	_ =	shalt  }
0x67: {  	_ =	shalt  }
0x68: {  	_ =	shalt  }
0x69: {  	_ =	shalt  }
0x6a: {  	_ =	shalt  }
0x6b: {  	_ =	shalt  }
0x6c: {  	_ =	shalt  }
0x6d: {  	_ =	shalt  }
0x6e: {  	_ =	shalt  }
0x6f: {  	_ =	shalt  }
0x70: {  	_ =	shalt  }
0x71: {  	_ =	shalt  }
0x72: {  	_ =	shalt  }
0x73: {  	_ =	shalt  }
0x74: {  	_ =	shalt  }
0x75: {  	_ =	shalt  }
0x76: {  	_ =	shalt  }
0x77: {  	_ =	shalt  }
0x78: {  	_ =	shalt  }
0x79: {  	_ =	shalt  }
0x7a: {  	_ =	shalt  }
0x7b: {  	_ =	shalt  }
0x7c: {  	_ =	shalt  }
0x7d: {  	_ =	shalt  }
0x7e: {  	_ =	shalt  }
0x7f: {  	_ =	shalt  }
0x80: {  	_ =	shalt  }
0x81: {  	_ =	shalt  }
0x82: {  	_ =	shalt  }
0x83: {  	_ =	shalt  }
0x84: {  	_ =	shalt  }
0x85: {  	_ =	shalt  }
0x86: {  	_ =	shalt  }
0x87: {  	_ =	shalt  }
.Lfunc_end0:
.L_simem_size_0:
called_computation.1_lowered:
.L_overlay_start_0:
0x88: {  	s2 =	sld [smem:$0x3FD9]  }
0x89: {  	s3 =	sld [smem:$0x3FFE];
	_ =	sdelay $0x1  }
0x8a: {  	s1 =	srdreg.scid  }
0x8b: {  	s0 =	sand.u32 $0x1, s1  }
0x8c: {  	s17 =	sshll.u32 s0, $0xA;
	s2 =	sadd.s32 s3, s2  }
0x8d: {  	s2 =	sadd.s32 s2, s17  }
0x8e: {  	[smem:$0x3FC1] =	sst s2  }
0x8f: {  	_ = 	snop  }
0x90: {  	s2 =	sld [smem:$0x3FC9]  }
0x91: {  	s18 =	sld [smem:$0x3FC8]  }
0x92: {  	s4 =	sld [smem:$0x3FC7]  }
0x93: {  	s5 =	sld [smem:$0x3FD0];
	(tm) =	ssettm $0x1  }
0x94: {  	s6 =	sld [smem:$0x3FFB];
	_ =	sdelay $0x3  }
0x95: {  	_ =	strace s6  }
0x96: {  	s6 =	sld [smem:$0x3FFC];
	_ =	sdelay $0x3  }
0x97: {  	_ =	strace s6  }
0x98: {  	s6 =	sld [smem:$0x3FFD];
	_ =	sdelay $0x3  }
0x99: {  	_ =	strace s6  }
0x9a: {  	_ =	strace $0x8FFFFFFF  }
0x9b: {  	s19 =	sld [smem:$0x3FDB];
	_ =	sdelay $0x1  }
0x9c: {  	s7 =	simm.s32 $_scs_section_size  }
0x9d: {  	s8 =	simm.s32 $_size__tile_overlayer_lowered;
	s9 =	simm.s32 $_tile_overlayer_lowered  }
0x9e: {  	s22 =	simm.s32 $0x1BFF;
	s21 =	sshll.u32 s9, $0x1;
	s6 =	sadd.s32 s7, s19  }
0x9f: {  	s10 =	simm.s32 $0x0;
	s20 =	sshll.u32 s8, $0x1;
	s8 =	sadd.s32 s21, s6  }
0xa0: {  	[timem:s10], [sflag:s22] =	dma.local [hbm:s8], s20  }
0xa1: {  	_ =	swait.ge [sflag:s22], s20  }
0xa2: {  	s7 =	ssub.s32 $0x0, s20;
	[sflag:s22] =	ssyncset.done $0x0  }
0xa3: {  	[sflag:s22] =	ssyncadd.s32 s7;
	_ =	sdelay $0x1  }
0xa4: {  	s23 =	simm.s32 $0x1B8B  }
0xa5: {  	_ =	swait.ge [sflag:s23], $0x1  }
0xa6: {  	[sflag:s23] =	ssyncset.done $0x0  }
0xa7: {  	s25 =	simm.s32 $0x1B8E;
	s24 =	sld [smem:$0x3FFE];
	[sflag:s23] =	ssyncadd.s32 $0xFFFFFFFF  }
0xa8: {  	s26 =	simm.s32 $execute0_lowered;
	[smem:$0x3FD2] =	sst s25  }
0xa9: {  	s8 =	sshll.u32 s26, $0x1;
	_ =	strace $0x80000049;
	[dreg:$0x1] =	wrdreg $0xFFFFFFFF  }
0xaa: {  	s28 =	simm.s32 $_size_execute0_lowered;
	s6 =	sadd.s32 s6, s8;
	[dreg:$0x0] =	wrdreg $0x0  }
0xab: {  	s8 =	sshll.u32 s28, $0x1;
	[dreg:$0x2] =	wrdreg s6  }
0xac: {  	[dreg:$0x3] =	wrdreg s8  }
0xad: {  	[dreg:$0x4] =	wrdreg $0xC0  }
0xae: {  	_ =	task [dreg:s10], $0x5FFFF  }
0xaf: {  	[dreg:$0x1] =	wrdreg $0xFFFFFFFF  }
0xb0: {  	[dreg:$0x0] =	wrdreg $0x60  }
0xb1: {  	[dreg:$0x2] =	wrdreg s2  }
0xb2: {  	[dreg:$0x3] =	wrdreg s18  }
0xb3: {  	[dreg:$0x4] =	wrdreg s4  }
0xb4: {  	[dreg:$0x5] =	wrdreg s24  }
0xb5: {  	[dreg:$0x6] =	wrdreg s5  }
0xb6: {  	[dreg:$0x7] =	wrdreg $0x10A200  }
0xb7: {  	[dreg:$0x8] =	wrdreg $0x9  }
0xb8: {  	_ =	task.clear_ibuf [dreg:s10], $0x9FFFF;
	_ =	strace $0x90000049  }
0xb9: {  	s29 =	simm.s32 $0x9;
	_ =	strace $0x8000004B  }
0xba: {  	_ =	swait.ge [sflag:s29], $0x1  }
0xbb: {  	[sflag:s29] =	ssyncadd.s32 $0xFFFFFFFF  }
0xbc: {  	_ =	strace $0x9000004B  }
0xbd: {  	_ =	sfence  }
0xbe: {  	s30 =	sld [smem:$0x0];
	_ =	sdelay $0x2  }
0xbf: {  	s31 =	sshll.u32 s1, $0xD;
	s1 =	sshrl.u32 s1, $0x2  }
0xc0: {  	s3 =	sand.u32 $0x4000, s31;
	s1 =	sadd.s32 s1, s30  }
0xc1: {  	s0 =	sor.u32 s3, s0;
	s1 =	sshll.u32 s1, $0x11  }
0xc2: {  	s0 =	sor.u32 s1, s0  }
0xc3: {  	s0 =	sadd.s32 $0x8F2B, s0  }
0xc4: {  	[sflag:s0] =	ssyncadd.remote.s32 $0x1  }
0xc5: {  	_ =	sfence.sel $0xFFFF  }
0xc6: {  	[dreg:$0x0] =	wrdreg $0xFFFFFFFF;
	(pc) =	sbr.abs _section_cstart, $3  }
0xc7: {  	[dreg:$0x1] =	wrdreg $0xFFFFFFFF  }
0xc8: {  	_ =	task.clear_ibuf [dreg:s10], $0x2FFFF;
	_ =	strace $0x9FFFFFFF  }
0xc9: {  	(tm) =	ssettm $0x7FFFFFFF  }
tec
execute0_lowered:
.L_overlay_start_1:
0x0: {  	(tag) =	ssettag $0x1  }
0x1: {  	s0 =	rddreg [dreg:$0x0]  }
0x2: {  	s3 =	rddreg [dreg:$0x1]  }
0x3: {  	s8 =	rddreg [dreg:$0x2]  }
0x4: {  	s7 =	rddreg [dreg:$0x3]  }
0x5: {  	s9 =	rddreg [dreg:$0x4]  }
0x6: {  	s1 =	rddreg [dreg:$0x5];
	s2 =	simm.s32 $0x0  }
0x7: {  	s6 =	srdreg.scid;
	s26 =	stileid.u32;
	s19 =	simm.s32 $0x2  }
0x8: {  	s20 =	simm.s32 $0x200;
	s21 =	simm.s32 $0x80;
	s28 =	simm.s32 $0x600  }
0x9: {  	s29 =	simm.s32 $0x8600;
	s30 =	simm.s32 $0x1;
	[smem:$0x7FF] =	sst s2  }
0xa: {  	s31 =	simm.s32 $0x0;
	s4 =	sadd.s32 $0x283A00, s7;
	s5 =	sadd.s32 $0x1C0400, s7  }
0xb: {  	s17 =	sand.u32 $0x1, s6;
	s11 =	sshll.u32 s26, $0x7;
	s6 =	sadd.s32 $0x33600, s7  }
0xc: {  	s7 =	sadd.s32 $0x36800, s7;
	p0 =	seq.s32 s26, $0x0;
	s26 =	simm.s32 $0x380  }
0xd: {  	_ =	strace $0x8000004A;
	s10 =	ssub.s32 $0x2, s17;
	s12 =	sshll.u32 s17, $0x6  }
0xe: {  	s25 =	sshll.u32 s17, $0x1;
	s13 =	sshrl.u32 s10, $0x1;
	s16 =	sor.u32 s12, s11  }
0xf: {  	s17 =	sadd.s32 s9, s25;
	s25 =	simm.s32 $0x180;
	s18 =	ssub.s32 s10, s13  }
0x10: {  	s11 =	sor.u32 $0x10, s16;
	s22 =	sadd.s32 s0, s16;
	s23 =	sadd.s32 s3, s16  }
0x11: {  	s24 =	sor.u32 $0x20, s16;
	s15 =	sor.u32 $0x30, s16;
	[dreg:$0x7] =	wrdreg s22  }
0x12: {  	s16 =	sadd.s32 s8, s16;
	[dreg:$0x8] =	wrdreg s23;
	s10 =	sadd.s32 s0, s11  }
0x13: {  	s11 =	sadd.s32 s3, s11;
	s12 =	sadd.s32 s0, s24;
	s13 =	sadd.s32 s3, s24  }
0x14: {  	v0 =	vlaneseq.u32;
	s14 =	sadd.s32 s0, s15;
	s15 =	sadd.s32 s3, s15;
	s18 =	smax.u32 s18, $0x1  }
0x15: {  	v2 =	vimm.s32 $0xFFFFFF81;
	v1 =	vmul.u32 $0x40, v0;
	s22 =	simm.s32 $0x280;
	s23 =	simm.s32 $0x100;
	s24 =	simm.s32 $0x300  }
.LBB2_1:
0x16: {  	s0 =	rddreg [dreg:$0x7]  }
0x17: {  	[tilespmem:s2], [sflag:$0x2] =	stream.linear.gather [hbm4b:s0+s2], $0x80, $0x38;
	[tilespmem:$0x10A28] =	vst v63  }
0x18: {  	_ =	swait.ge [sflag:s19], $0x80  }
0x19: {  	[sflag:s19] =	ssyncset.done $0x0  }
0x1a: {  	s9 =	rddreg [dreg:$0x8];
	[sflag:s19] =	ssyncadd.s32 $0xFFFFFF80  }
0x1b: {  	[tilespmem:s20], [sflag:$0x2] =	stream.linear.gather [hbm4b:s9+s2], $0x80, $0x38;
	[tilespmem:$0x10A28] =	vst v63  }
0x1c: {  	_ =	swait.ge [sflag:s19], $0x80  }
0x1d: {  	[sflag:s19] =	ssyncset.done $0x0  }
0x1e: {  	[sflag:s19] =	ssyncadd.s32 $0xFFFFFF80  }
0x1f: {  	[tilespmem:s21], [sflag:$0x2] =	stream.linear.gather [hbm4b:s10+s2], $0x80, $0x38;
	[tilespmem:$0x10A28] =	vst v63  }
0x20: {  	_ =	swait.ge [sflag:s19], $0x80  }
0x21: {  	[sflag:s19] =	ssyncset.done $0x0  }
0x22: {  	[sflag:s19] =	ssyncadd.s32 $0xFFFFFF80  }
0x23: {  	[tilespmem:s22], [sflag:$0x2] =	stream.linear.gather [hbm4b:s11+s2], $0x80, $0x38;
	[tilespmem:$0x10A28] =	vst v63  }
0x24: {  	_ =	swait.ge [sflag:s19], $0x80  }
0x25: {  	[sflag:s19] =	ssyncset.done $0x0  }
0x26: {  	[sflag:s19] =	ssyncadd.s32 $0xFFFFFF80  }
0x27: {  	[tilespmem:s23], [sflag:$0x2] =	stream.linear.gather [hbm4b:s12+s2], $0x80, $0x38;
	[tilespmem:$0x10A28] =	vst v63  }
0x28: {  	_ =	swait.ge [sflag:s19], $0x80  }
0x29: {  	[sflag:s19] =	ssyncset.done $0x0  }
0x2a: {  	[sflag:s19] =	ssyncadd.s32 $0xFFFFFF80  }
0x2b: {  	[tilespmem:s24], [sflag:$0x2] =	stream.linear.gather [hbm4b:s13+s2], $0x80, $0x38;
	[tilespmem:$0x10A28] =	vst v63  }
0x2c: {  	_ =	swait.ge [sflag:s19], $0x80  }
0x2d: {  	[sflag:s19] =	ssyncset.done $0x0  }
0x2e: {  	[sflag:s19] =	ssyncadd.s32 $0xFFFFFF80  }
0x2f: {  	[tilespmem:s25], [sflag:$0x2] =	stream.linear.gather [hbm4b:s14+s2], $0x80, $0x38;
	[tilespmem:$0x10A28] =	vst v63  }
0x30: {  	_ =	swait.ge [sflag:s19], $0x80  }
0x31: {  	[sflag:s19] =	ssyncset.done $0x0  }
0x32: {  	[sflag:s19] =	ssyncadd.s32 $0xFFFFFF80  }
0x33: {  	[tilespmem:s26], [sflag:$0x2] =	stream.linear.gather [hbm4b:s15+s2], $0x80, $0x38;
	[tilespmem:$0x10A28] =	vst v63  }
0x34: {  	_ =	swait.ge [sflag:s19], $0x80  }
0x35: {  	[sflag:s19] =	ssyncset.done $0x0  }
0x36: {  	s8 =	simm.s32 $0x400;
	[sflag:s19] =	ssyncadd.s32 $0xFFFFFF80  }
0x37: {  	[tilespmem:s8], [sflag:$0x2] =	stream.linear.gather [hbm4b:s16+s2], $0x200, $0x38;
	[tilespmem:$0x10A28] =	vst v63  }
0x38: {  	_ =	swait.ge [sflag:s19], $0x200  }
0x39: {  	[sflag:s19] =	ssyncset.done $0x0  }
0x3a: {  	[sflag:s19] =	ssyncadd.s32 $0xFFFFFE00  }
0x3b: {  	[tilespmem:s28], [sflag:$0x1] =	stream.indirect.gather [hbm4b:s4+s21], $0x40, s2, s21, $0xb8;
	[tilespmem:$0x10A28] =	vst v63  }
0x3c: {  	_ = 	snop  }
0x3d: {  	[tilespmem:s29], [sflag:$0x1] =	stream.indirect.gather [hbm4b:s5+s21], $0x40, s20, s21, $0xb8;
	[tilespmem:$0x10A28] =	vst v63  }
0x3e: {  	s3 =	simm.s32 $0x10600  }
0x3f: {  	[tilespmem:s3], [sflag:$0x1] =	stream.indirect.gather [hbm4b:s6+s21], $0x1, s2, s21, $0xb8;
	[tilespmem:$0x10A28] =	vst v63  }
0x40: {  	s0 =	simm.s32 $0x10800  }
0x41: {  	[tilespmem:s0], [sflag:$0x1] =	stream.indirect.gather [hbm4b:s7+s21], $0x1, s20, s21, $0xb8;
	[tilespmem:$0x10A28] =	vst v63  }
0x42: {  	s9 =	simm.s32 $0x2600  }
0x43: {  	[tilespmem:s9], [sflag:$0x1] =	stream.indirect.gather [hbm4b:s4+s21], $0x40, s21, s21, $0xb8;
	[tilespmem:$0x10A28] =	vst v63  }
0x44: {  	s9 =	simm.s32 $0xA600  }
0x45: {  	[tilespmem:s9], [sflag:$0x1] =	stream.indirect.gather [hbm4b:s5+s21], $0x40, s22, s21, $0xb8;
	[tilespmem:$0x10A28] =	vst v63  }
0x46: {  	s9 =	simm.s32 $0x10680  }
0x47: {  	[tilespmem:s9], [sflag:$0x1] =	stream.indirect.gather [hbm4b:s6+s21], $0x1, s21, s21, $0xb8;
	[tilespmem:$0x10A28] =	vst v63  }
0x48: {  	s9 =	simm.s32 $0x10880  }
0x49: {  	[tilespmem:s9], [sflag:$0x1] =	stream.indirect.gather [hbm4b:s7+s21], $0x1, s22, s21, $0xb8;
	[tilespmem:$0x10A28] =	vst v63  }
0x4a: {  	s9 =	simm.s32 $0x4600  }
0x4b: {  	[tilespmem:s9], [sflag:$0x1] =	stream.indirect.gather [hbm4b:s4+s21], $0x40, s23, s21, $0xb8;
	[tilespmem:$0x10A28] =	vst v63  }
0x4c: {  	s9 =	simm.s32 $0xC600  }
0x4d: {  	[tilespmem:s9], [sflag:$0x1] =	stream.indirect.gather [hbm4b:s5+s21], $0x40, s24, s21, $0xb8;
	[tilespmem:$0x10A28] =	vst v63  }
0x4e: {  	s9 =	simm.s32 $0x10700  }
0x4f: {  	[tilespmem:s9], [sflag:$0x1] =	stream.indirect.gather [hbm4b:s6+s21], $0x1, s23, s21, $0xb8;
	[tilespmem:$0x10A28] =	vst v63  }
0x50: {  	s9 =	simm.s32 $0x10900  }
0x51: {  	[tilespmem:s9], [sflag:$0x1] =	stream.indirect.gather [hbm4b:s7+s21], $0x1, s24, s21, $0xb8;
	[tilespmem:$0x10A28] =	vst v63  }
0x52: {  	s9 =	simm.s32 $0x6600  }
0x53: {  	[tilespmem:s9], [sflag:$0x1] =	stream.indirect.gather [hbm4b:s4+s21], $0x40, s25, s21, $0xb8;
	[tilespmem:$0x10A28] =	vst v63  }
0x54: {  	s9 =	simm.s32 $0xE600  }
0x55: {  	[tilespmem:s9], [sflag:$0x1] =	stream.indirect.gather [hbm4b:s5+s21], $0x40, s26, s21, $0xb8;
	[tilespmem:$0x10A28] =	vst v63  }
0x56: {  	s9 =	simm.s32 $0x10780  }
0x57: {  	[tilespmem:s9], [sflag:$0x1] =	stream.indirect.gather [hbm4b:s6+s21], $0x1, s25, s21, $0xb8;
	[tilespmem:$0x10A28] =	vst v63  }
0x58: {  	s9 =	simm.s32 $0x10980  }
0x59: {  	[tilespmem:s9], [sflag:$0x1] =	stream.indirect.gather [hbm4b:s7+s21], $0x1, s26, s21, $0xb8;
	[tilespmem:$0x10A28] =	vst v63  }
0x5a: {  	_ =	swait.ge [sflag:s30], $0x2000  }
0x5b: {  	[sflag:s30] =	ssyncset.done $0x0  }
0x5c: {  	[sflag:s30] =	ssyncadd.s32 $0xFFFFE000  }
0x5d: {  	_ =	swait.ge [sflag:s30], $0x2000  }
0x5e: {  	[sflag:s30] =	ssyncset.done $0x0  }
0x5f: {  	[sflag:s30] =	ssyncadd.s32 $0xFFFFE000  }
0x60: {  	_ =	swait.ge [sflag:s30], $0x80  }
0x61: {  	[sflag:s30] =	ssyncset.done $0x0  }
0x62: {  	[sflag:s30] =	ssyncadd.s32 $0xFFFFFF80  }
0x63: {  	_ =	swait.ge [sflag:s30], $0x80  }
0x64: {  	[sflag:s30] =	ssyncset.done $0x0  }
0x65: {  	[sflag:s30] =	ssyncadd.s32 $0xFFFFFF80  }
0x66: {  	_ =	swait.ge [sflag:s30], $0x2000  }
0x67: {  	[sflag:s30] =	ssyncset.done $0x0  }
0x68: {  	[sflag:s30] =	ssyncadd.s32 $0xFFFFE000  }
0x69: {  	_ =	swait.ge [sflag:s30], $0x2000  }
0x6a: {  	[sflag:s30] =	ssyncset.done $0x0  }
0x6b: {  	[sflag:s30] =	ssyncadd.s32 $0xFFFFE000  }
0x6c: {  	_ =	swait.ge [sflag:s30], $0x80  }
0x6d: {  	[sflag:s30] =	ssyncset.done $0x0  }
0x6e: {  	[sflag:s30] =	ssyncadd.s32 $0xFFFFFF80  }
0x6f: {  	_ =	swait.ge [sflag:s30], $0x80  }
0x70: {  	[sflag:s30] =	ssyncset.done $0x0  }
0x71: {  	[sflag:s30] =	ssyncadd.s32 $0xFFFFFF80  }
0x72: {  	_ =	swait.ge [sflag:s30], $0x2000  }
0x73: {  	[sflag:s30] =	ssyncset.done $0x0  }
0x74: {  	[sflag:s30] =	ssyncadd.s32 $0xFFFFE000  }
0x75: {  	_ =	swait.ge [sflag:s30], $0x2000  }
0x76: {  	[sflag:s30] =	ssyncset.done $0x0  }
0x77: {  	[sflag:s30] =	ssyncadd.s32 $0xFFFFE000  }
0x78: {  	_ =	swait.ge [sflag:s30], $0x80  }
0x79: {  	[sflag:s30] =	ssyncset.done $0x0  }
0x7a: {  	[sflag:s30] =	ssyncadd.s32 $0xFFFFFF80  }
0x7b: {  	_ =	swait.ge [sflag:s30], $0x80  }
0x7c: {  	[sflag:s30] =	ssyncset.done $0x0  }
0x7d: {  	[sflag:s30] =	ssyncadd.s32 $0xFFFFFF80  }
0x7e: {  	_ =	swait.ge [sflag:s30], $0x2000  }
0x7f: {  	[sflag:s30] =	ssyncset.done $0x0  }
0x80: {  	[sflag:s30] =	ssyncadd.s32 $0xFFFFE000  }
0x81: {  	_ =	swait.ge [sflag:s30], $0x2000  }
0x82: {  	v0 =	vmov s2;
	[sflag:s30] =	ssyncset.done $0x0  }
0x83: {  	v0 =	vshll.u32 v0, $0x6;
	[sflag:s30] =	ssyncadd.s32 $0xFFFFE000  }
0x84: {  	v4 =	vor.u32 v1, v0;
	_ =	swait.ge [sflag:s30], $0x80  }
0x85: {  	v0 =	vor.u32 $0x1, v4;
	[sflag:s30] =	ssyncset.done $0x0  }
0x86: {  	[sflag:s30] =	ssyncadd.s32 $0xFFFFFF80  }
0x87: {  	v53 =	vor.u32 $0x1A, v4;
	_ =	swait.ge [sflag:s30], $0x80  }
0x88: {  	[sflag:s30] =	ssyncset.done $0x0  }
0x89: {  	[sflag:s30] =	ssyncadd.s32 $0xFFFFFF80  }
0x8a: {  	v11 =	vld.idx.msk [tilespmem:v0+s28+$0x0], $0xffff  }
0x8b: {  	v9 =	vld.idx.msk [tilespmem:v0+s29+$0x0], $0xffff  }
0x8c: {  	v55 =	vor.u32 $0x1B, v4;
	v0 =	vld.idx.msk [tilespmem:v53+s28+$0x0], $0xffff;
	_ =	sdelay $0x4  }
0x8d: {  	v57 =	vor.u32 $0x1C, v4;
	[tilespmem:$0x1FCA0] =	vst v0;
	v0 =	vld.idx.msk [tilespmem:v55+s28+$0x0], $0xffff;
	_ =	sdelay $0x4  }
0x8e: {  	v59 =	vor.u32 $0x1D, v4;
	[tilespmem:$0x1FCB0] =	vst v0;
	v0 =	vld.idx.msk [tilespmem:v57+s28+$0x0], $0xffff;
	_ =	sdelay $0x1  }
0x8f: {  	v5 =	vor.u32 $0x2, v4;
	_ =	sdelay $0x1  }
0x90: {  	v63 =	vor.u32 $0x1F, v4  }
0x91: {  	v61 =	vor.u32 $0x1E, v4;
	[tilespmem:$0x1FCC0] =	vst v0;
	v0 =	vld.idx.msk [tilespmem:v59+s28+$0x0], $0xffff;
	_ =	sdelay $0x1  }
0x92: {  	v14 =	vld.idx.msk [tilespmem:v5+s28+$0x0], $0xffff  }
0x93: {  	v13 =	vld.idx.msk [tilespmem:v5+s29+$0x0], $0xffff  }
0x94: {  	v5 =	vld.idx.msk [tilespmem:v63+s28+$0x0], $0xffff  }
0x95: {  	v3 =	vld.idx.msk [tilespmem:v61+s28+$0x0], $0xffff;
	[tilespmem:$0x1FCD0] =	vst v0;
	v0 =	vor.u32 $0x20, v4;
	_ =	sdelay $0x3  }
0x96: {  	[tilespmem:$0x1FCF0] =	vst v5;
	v5 =	vld.idx.msk [tilespmem:v63+s29+$0x0], $0xffff  }
0x97: {  	[tilespmem:$0x1FCE0] =	vst v3;
	v3 =	vor.u32 $0x21, v4;
	v6 =	vld.idx.msk [tilespmem:v0+s28+$0x0], $0xffff;
	_ =	sdelay $0x3  }
0x98: {  	[tilespmem:$0x1FD00] =	vst v5;
	v0 =	vld.idx.msk [tilespmem:v0+s29+$0x0], $0xffff  }
0x99: {  	v5 =	vor.u32 $0x22, v4;
	[tilespmem:$0x1FD10] =	vst v6;
	v6 =	vld.idx.msk [tilespmem:v3+s28+$0x0], $0xffff;
	_ =	sdelay $0x3  }
0x9a: {  	[tilespmem:$0x1FD20] =	vst v0;
	v3 =	vld.idx.msk [tilespmem:v3+s29+$0x0], $0xffff  }
0x9b: {  	v0 =	vor.u32 $0x23, v4;
	[tilespmem:$0x1FD30] =	vst v6;
	v6 =	vld.idx.msk [tilespmem:v5+s28+$0x0], $0xffff;
	_ =	sdelay $0x3  }
0x9c: {  	[tilespmem:$0x1FD40] =	vst v3;
	v5 =	vld.idx.msk [tilespmem:v5+s29+$0x0], $0xffff  }
0x9d: {  	v3 =	vor.u32 $0x24, v4;
	[tilespmem:$0x1FD50] =	vst v6;
	v6 =	vld.idx.msk [tilespmem:v0+s28+$0x0], $0xffff;
	_ =	sdelay $0x3  }
0x9e: {  	[tilespmem:$0x1FD60] =	vst v5;
	v0 =	vld.idx.msk [tilespmem:v0+s29+$0x0], $0xffff  }
0x9f: {  	v5 =	vor.u32 $0x25, v4;
	[tilespmem:$0x1FD70] =	vst v6;
	v6 =	vld.idx.msk [tilespmem:v3+s28+$0x0], $0xffff;
	_ =	sdelay $0x3  }
0xa0: {  	[tilespmem:$0x1FD80] =	vst v0  }
0xa1: {  	v0 =	vor.u32 $0x26, v4;
	[tilespmem:$0x1FD90] =	vst v6;
	v6 =	vld.idx.msk [tilespmem:v5+s28+$0x0], $0xffff  }
0xa2: {  	v3 =	vld.idx.msk [tilespmem:v3+s29+$0x0], $0xffff;
	_ =	sdelay $0x3  }
0xa3: {  	[tilespmem:$0x1FDB0] =	vst v6;
	v6 =	vld.idx.msk [tilespmem:v0+s28+$0x0], $0xffff  }
0xa4: {  	[tilespmem:$0x1FDA0] =	vst v3;
	v3 =	vor.u32 $0x27, v4;
	v0 =	vld.idx.msk [tilespmem:v0+s29+$0x0], $0xffff  }
0xa5: {  	v5 =	vld.idx.msk [tilespmem:v5+s29+$0x0], $0xffff;
	_ =	sdelay $0x3  }
0xa6: {  	[tilespmem:$0x1FDE0] =	vst v0;
	v0 =	vld.idx.msk [tilespmem:v3+s28+$0x0], $0xffff  }
0xa7: {  	[tilespmem:$0x1FDC0] =	vst v5;
	v5 =	vor.u32 $0x28, v4;
	_ =	sdelay $0x3  }
0xa8: {  	v7 =	vor.u32 $0x3, v4;
	[tilespmem:$0x1FDF0] =	vst v0;
	v0 =	vld.idx.msk [tilespmem:v3+s29+$0x0], $0xffff  }
0xa9: {  	v3 =	vld.idx.msk [tilespmem:v5+s28+$0x0], $0xffff;
	_ =	sdelay $0x3  }
0xaa: {  	v22 =	vld.idx.msk [tilespmem:v7+s28+$0x0], $0xffff;
	[tilespmem:$0x1FE00] =	vst v0  }
0xab: {  	v0 =	vor.u32 $0x29, v4;
	[tilespmem:$0x1FE10] =	vst v3;
	v3 =	vld.idx.msk [tilespmem:v5+s29+$0x0], $0xffff  }
0xac: {  	v16 =	vld.idx.msk [tilespmem:v7+s29+$0x0], $0xffff  }
0xad: {  	v7 =	vld.idx.msk [tilespmem:v4+s28+$0x0], $0xffff  }
0xae: {  	[tilespmem:$0x1FDD0] =	vst v6;
	v6 =	vld.idx.msk [tilespmem:v4+s29+$0x0], $0xffff;
	v5 =	vor.u32 $0x2B, v4;
	_ =	sdelay $0x1  }
0xaf: {  	[tilespmem:$0x1FE20] =	vst v3;
	v3 =	vor.u32 $0x2A, v4;
	v63 =	vld.idx.msk [tilespmem:v0+s28+$0x0], $0xffff  }
0xb0: {  	v0 =	vld.idx.msk [tilespmem:v0+s29+$0x0], $0xffff;
	_ =	sdelay $0x1  }
0xb1: {  	v6 =	vmul.f32 v6, v7;
	v7 =	vld.idx.msk [tilespmem:v5+s28+$0x0], $0xffff  }
0xb2: {  	v5 =	vld.idx.msk [tilespmem:v5+s29+$0x0], $0xffff  }
0xb3: {  	[tilespmem:$0x1FE30] =	vst v63;
	v63 =	vld.idx.msk [tilespmem:v3+s28+$0x0], $0xffff  }
0xb4: {  	[tilespmem:$0x1FE40] =	vst v0;
	v0 =	vor.u32 $0x2C, v4;
	_ =	sdelay $0x1  }
0xb5: {  	v8 =	vor.u32 $0x4, v4  }
0xb6: {  	[tilespmem:$0x1FE70] =	vst v5  }
0xb7: {  	v5 =	vor.u32 $0x2E, v4;
	[tilespmem:$0x1FE50] =	vst v63;
	v63 =	vld.idx.msk [tilespmem:v3+s29+$0x0], $0xffff  }
0xb8: {  	v6 =	vadd.f32 $0.0e+00, v6;
	[tilespmem:$0x1FE60] =	vst v7;
	v7 =	vmul.f32 v9, v11;
	v3 =	vor.u32 $0x2D, v4;
	v9 =	vld.idx.msk [tilespmem:v0+s28+$0x0], $0xffff  }
0xb9: {  	v0 =	vld.idx.msk [tilespmem:v0+s29+$0x0], $0xffff  }
0xba: {  	v18 =	vld.idx.msk [tilespmem:v8+s28+$0x0], $0xffff;
	v6 =	vadd.f32 v7, v6;
	v7 =	vmul.f32 v13, v14  }
0xbb: {  	v10 =	vor.u32 $0x5, v4;
	v8 =	vld.idx.msk [tilespmem:v8+s29+$0x0], $0xffff  }
0xbc: {  	v6 =	vadd.f32 v7, v6;
	v7 =	vld.idx.msk [tilespmem:v5+s28+$0x0], $0xffff  }
0xbd: {  	[tilespmem:$0x1FE80] =	vst v9;
	v9 =	vld.idx.msk [tilespmem:v3+s28+$0x0], $0xffff  }
0xbe: {  	[tilespmem:$0x1FE90] =	vst v0;
	v0 =	vor.u32 $0x2F, v4;
	v3 =	vld.idx.msk [tilespmem:v3+s29+$0x0], $0xffff  }
0xbf: {  	v12 =	vor.u32 $0x6, v4  }
0xc0: {  	v20 =	vld.idx.msk [tilespmem:v10+s28+$0x0], $0xffff  }
0xc1: {  	v15 =	vor.u32 $0x7, v4;
	v10 =	vld.idx.msk [tilespmem:v10+s29+$0x0], $0xffff  }
0xc2: {  	v5 =	vld.idx.msk [tilespmem:v5+s29+$0x0], $0xffff;
	[tilespmem:$0x1FEC0] =	vst v7  }
0xc3: {  	v7 =	vmul.f32 v8, v18;
	[tilespmem:$0x1FEB0] =	vst v3;
	v3 =	vor.u32 $0x30, v4;
	v8 =	vld.idx.msk [tilespmem:v0+s28+$0x0], $0xffff  }
0xc4: {  	v24 =	vld.idx.msk [tilespmem:v12+s28+$0x0], $0xffff  }
0xc5: {  	v17 =	vor.u32 $0x8, v4;
	v12 =	vld.idx.msk [tilespmem:v12+s29+$0x0], $0xffff  }
0xc6: {  	v26 =	vld.idx.msk [tilespmem:v15+s28+$0x0], $0xffff  }
0xc7: {  	[tilespmem:$0x1FED0] =	vst v5;
	v0 =	vld.idx.msk [tilespmem:v0+s29+$0x0], $0xffff  }
0xc8: {  	v5 =	vor.u32 $0x31, v4;
	[tilespmem:$0x1FEE0] =	vst v8;
	v8 =	vld.idx.msk [tilespmem:v3+s28+$0x0], $0xffff  }
0xc9: {  	v19 =	vor.u32 $0x9, v4;
	v15 =	vld.idx.msk [tilespmem:v15+s29+$0x0], $0xffff  }
0xca: {  	v28 =	vld.idx.msk [tilespmem:v17+s28+$0x0], $0xffff  }
0xcb: {  	v21 =	vor.u32 $0xA, v4;
	v17 =	vld.idx.msk [tilespmem:v17+s29+$0x0], $0xffff  }
0xcc: {  	[tilespmem:$0x1FEF0] =	vst v0;
	v3 =	vld.idx.msk [tilespmem:v3+s29+$0x0], $0xffff  }
0xcd: {  	v0 =	vor.u32 $0x32, v4;
	[tilespmem:$0x1FF00] =	vst v8;
	v8 =	vld.idx.msk [tilespmem:v5+s28+$0x0], $0xffff  }
0xce: {  	v30 =	vld.idx.msk [tilespmem:v19+s28+$0x0], $0xffff  }
0xcf: {  	v23 =	vor.u32 $0xB, v4;
	v19 =	vld.idx.msk [tilespmem:v19+s29+$0x0], $0xffff  }
0xd0: {  	v32 =	vld.idx.msk [tilespmem:v21+s28+$0x0], $0xffff  }
0xd1: {  	[tilespmem:$0x1FF10] =	vst v3;
	v5 =	vld.idx.msk [tilespmem:v5+s29+$0x0], $0xffff  }
0xd2: {  	v3 =	vor.u32 $0x33, v4;
	[tilespmem:$0x1FF20] =	vst v8;
	v8 =	vld.idx.msk [tilespmem:v0+s28+$0x0], $0xffff  }
0xd3: {  	v25 =	vor.u32 $0xC, v4;
	v21 =	vld.idx.msk [tilespmem:v21+s29+$0x0], $0xffff  }
0xd4: {  	v34 =	vld.idx.msk [tilespmem:v23+s28+$0x0], $0xffff  }
0xd5: {  	v27 =	vor.u32 $0xD, v4;
	v23 =	vld.idx.msk [tilespmem:v23+s29+$0x0], $0xffff  }
0xd6: {  	[tilespmem:$0x1FF30] =	vst v5;
	v0 =	vld.idx.msk [tilespmem:v0+s29+$0x0], $0xffff  }
0xd7: {  	v5 =	vor.u32 $0x34, v4;
	[tilespmem:$0x1FF40] =	vst v8;
	v8 =	vld.idx.msk [tilespmem:v3+s28+$0x0], $0xffff  }
0xd8: {  	v36 =	vld.idx.msk [tilespmem:v25+s28+$0x0], $0xffff  }
0xd9: {  	v29 =	vor.u32 $0xE, v4;
	v25 =	vld.idx.msk [tilespmem:v25+s29+$0x0], $0xffff  }
0xda: {  	v38 =	vld.idx.msk [tilespmem:v27+s28+$0x0], $0xffff  }
0xdb: {  	[tilespmem:$0x1FF50] =	vst v0;
	v3 =	vld.idx.msk [tilespmem:v3+s29+$0x0], $0xffff  }
0xdc: {  	v0 =	vor.u32 $0x35, v4;
	[tilespmem:$0x1FF60] =	vst v8;
	v8 =	vld.idx.msk [tilespmem:v5+s28+$0x0], $0xffff  }
0xdd: {  	v31 =	vor.u32 $0xF, v4;
	v27 =	vld.idx.msk [tilespmem:v27+s29+$0x0], $0xffff;
	[tilespmem:$0x1FEA0] =	vst v9;
	v9 =	vmul.f32 v16, v22  }
0xde: {  	v40 =	vld.idx.msk [tilespmem:v29+s28+$0x0], $0xffff  }
0xdf: {  	v33 =	vor.u32 $0x10, v4;
	v29 =	vld.idx.msk [tilespmem:v29+s29+$0x0], $0xffff;
	v6 =	vadd.f32 v9, v6  }
0xe0: {  	[tilespmem:$0x1FF70] =	vst v3;
	v5 =	vld.idx.msk [tilespmem:v5+s29+$0x0], $0xffff  }
0xe1: {  	v6 =	vadd.f32 v7, v6;
	v7 =	vmul.f32 v10, v20;
	v3 =	vor.u32 $0x36, v4;
	[tilespmem:$0x1FF80] =	vst v8;
	v8 =	vld.idx.msk [tilespmem:v0+s28+$0x0], $0xffff  }
0xe2: {  	v35 =	vor.u32 $0x11, v4;
	v42 =	vld.idx.msk [tilespmem:v31+s28+$0x0], $0xffff  }
0xe3: {  	v31 =	vld.idx.msk [tilespmem:v31+s29+$0x0], $0xffff;
	v6 =	vadd.f32 v7, v6;
	v7 =	vmul.f32 v12, v24  }
0xe4: {  	v44 =	vld.idx.msk [tilespmem:v33+s28+$0x0], $0xffff  }
0xe5: {  	v37 =	vor.u32 $0x12, v4;
	v33 =	vld.idx.msk [tilespmem:v33+s29+$0x0], $0xffff;
	v6 =	vadd.f32 v7, v6;
	v7 =	vmul.f32 v15, v26;
	[tilespmem:$0x1FF90] =	vst v5  }
0xe6: {  	v5 =	vor.u32 $0x37, v4;
	[tilespmem:$0x1FFA0] =	vst v8;
	v8 =	vld.idx.msk [tilespmem:v3+s28+$0x0], $0xffff  }
0xe7: {  	v46 =	vld.idx.msk [tilespmem:v35+s28+$0x0], $0xffff;
	v6 =	vadd.f32 v7, v6;
	v7 =	vmul.f32 v17, v28  }
0xe8: {  	v0 =	vld.idx.msk [tilespmem:v0+s29+$0x0], $0xffff  }
0xe9: {  	v39 =	vor.u32 $0x13, v4;
	v35 =	vld.idx.msk [tilespmem:v35+s29+$0x0], $0xffff;
	v6 =	vadd.f32 v7, v6;
	v7 =	vmul.f32 v19, v30  }
0xea: {  	v48 =	vld.idx.msk [tilespmem:v37+s28+$0x0], $0xffff  }
0xeb: {  	v41 =	vor.u32 $0x14, v4;
	v6 =	vadd.f32 v7, v6;
	v7 =	vmul.f32 v21, v32;
	[tilespmem:$0x1FFC0] =	vst v8;
	v8 =	vld.idx.msk [tilespmem:v5+s28+$0x0], $0xffff  }
0xec: {  	v5 =	vld.idx.msk [tilespmem:v5+s29+$0x0], $0xffff  }
0xed: {  	v37 =	vld.idx.msk [tilespmem:v37+s29+$0x0], $0xffff;
	v6 =	vadd.f32 v7, v6;
	v7 =	vmul.f32 v23, v34;
	[tilespmem:$0x1FFB0] =	vst v0;
	v0 =	vor.u32 $0x38, v4  }
0xee: {  	v50 =	vld.idx.msk [tilespmem:v39+s28+$0x0], $0xffff  }
0xef: {  	v43 =	vor.u32 $0x15, v4;
	v39 =	vld.idx.msk [tilespmem:v39+s29+$0x0], $0xffff;
	v6 =	vadd.f32 v7, v6;
	v7 =	vmul.f32 v25, v36  }
0xf0: {  	v52 =	vld.idx.msk [tilespmem:v41+s28+$0x0], $0xffff  }
0xf1: {  	v41 =	vld.idx.msk [tilespmem:v41+s29+$0x0], $0xffff;
	v6 =	vadd.f32 v7, v6;
	v7 =	vmul.f32 v27, v38;
	[tilespmem:$0x1FFF0] =	vst v5;
	v5 =	vor.u32 $0x3A, v4  }
0xf2: {  	v20 =	vld.idx.msk [tilespmem:v0+s28+$0x0], $0xffff  }
0xf3: {  	v6 =	vadd.f32 v7, v6;
	v7 =	vmul.f32 v29, v40;
	v21 =	vld.idx.msk [tilespmem:v0+s29+$0x0], $0xffff;
	v0 =	vor.u32 $0x3B, v4  }
0xf4: {  	v54 =	vld.idx.msk [tilespmem:v43+s28+$0x0], $0xffff  }
0xf5: {  	v45 =	vor.u32 $0x16, v4;
	v43 =	vld.idx.msk [tilespmem:v43+s29+$0x0], $0xffff;
	v6 =	vadd.f32 v7, v6;
	v7 =	vmul.f32 v31, v42  }
0xf6: {  	v32 =	vld.idx.msk [tilespmem:v5+s28+$0x0], $0xffff  }
0xf7: {  	v47 =	vor.u32 $0x17, v4;
	v34 =	vld.idx.msk [tilespmem:v5+s29+$0x0], $0xffff;
	v5 =	vadd.f32 v7, v6;
	v6 =	vmul.f32 v33, v44  }
0xf8: {  	v30 =	vld.idx.msk [tilespmem:v0+s28+$0x0], $0xffff  }
0xf9: {  	v31 =	vld.idx.msk [tilespmem:v0+s29+$0x0], $0xffff;
	v0 =	vor.u32 $0x3E, v4;
	v7 =	vmul.f32 v35, v46;
	v6 =	vadd.f32 v6, v5  }
0xfa: {  	v56 =	vld.idx.msk [tilespmem:v45+s28+$0x0], $0xffff  }
0xfb: {  	v45 =	vld.idx.msk [tilespmem:v45+s29+$0x0], $0xffff;
	v6 =	vadd.f32 v7, v6;
	v7 =	vmul.f32 v37, v48  }
0xfc: {  	v49 =	vor.u32 $0x18, v4;
	v58 =	vld.idx.msk [tilespmem:v47+s28+$0x0], $0xffff  }
0xfd: {  	v47 =	vld.idx.msk [tilespmem:v47+s29+$0x0], $0xffff;
	v6 =	vadd.f32 v7, v6;
	v7 =	vmul.f32 v39, v50  }
0xfe: {  	v51 =	vor.u32 $0x19, v4;
	v42 =	vld.idx.msk [tilespmem:v0+s28+$0x0], $0xffff  }
0xff: {  	v44 =	vld.idx.msk [tilespmem:v0+s29+$0x0], $0xffff;
	v0 =	vadd.f32 v7, v6;
	v6 =	vmul.f32 v41, v52  }
0x100: {  	v3 =	vld.idx.msk [tilespmem:v3+s29+$0x0], $0xffff  }
0x101: {  	v60 =	vld.idx.msk [tilespmem:v49+s28+$0x0], $0xffff;
	v0 =	vadd.f32 v6, v0;
	v6 =	vmul.f32 v43, v54  }
0x102: {  	v49 =	vld.idx.msk [tilespmem:v49+s29+$0x0], $0xffff  }
0x103: {  	v62 =	vld.idx.msk [tilespmem:v51+s28+$0x0], $0xffff;
	v0 =	vadd.f32 v6, v0;
	v6 =	vmul.f32 v45, v56  }
0x104: {  	v51 =	vld.idx.msk [tilespmem:v51+s29+$0x0], $0xffff  }
0x105: {  	[tilespmem:$0x1FFD0] =	vst v3;
	v3 =	vor.u32 $0x39, v4;
	v0 =	vadd.f32 v6, v0;
	v6 =	vmul.f32 v47, v58;
	_ =	sdelay $0x1  }
0x106: {  	v0 =	vadd.f32 v6, v0;
	v6 =	vmul.f32 v49, v60;
	_ =	sdelay $0x1  }
0x107: {  	v53 =	vld.idx.msk [tilespmem:v53+s29+$0x0], $0xffff;
	v0 =	vadd.f32 v6, v0;
	v6 =	vmul.f32 v51, v62  }
0x108: {  	v36 =	vld.idx.msk [tilespmem:v3+s28+$0x0], $0xffff  }
0x109: {  	v0 =	vadd.f32 v6, v0;
	v6 =	vld [tilespmem:$0x1FCA0]  }
0x10a: {  	v38 =	vld.idx.msk [tilespmem:v3+s29+$0x0], $0xffff;
	v3 =	vor.u32 $0x3C, v4;
	_ =	sdelay $0x3  }
0x10b: {  	v55 =	vld.idx.msk [tilespmem:v55+s29+$0x0], $0xffff;
	v6 =	vmul.f32 v53, v6  }
0x10c: {  	[tilespmem:$0x1FFE0] =	vst v8;
	v8 =	vor.u32 $0x3D, v4;
	v33 =	vld.idx.msk [tilespmem:v3+s28+$0x0], $0xffff  }
0x10d: {  	v0 =	vadd.f32 v6, v0;
	v6 =	vld [tilespmem:$0x1FCB0]  }
0x10e: {  	s9 =	simm.s32 $0x10;
	v35 =	vld.idx.msk [tilespmem:v3+s29+$0x0], $0xffff;
	v3 =	vor.u32 $0x3F, v4  }
0x10f: {  	v57 =	vld.idx.msk [tilespmem:v57+s29+$0x0], $0xffff;
	v5 =	vmov s9  }
0x110: {  	v59 =	vld.idx.msk [tilespmem:v59+s29+$0x0], $0xffff;
	v4 =	vshll.u32 v5, $0x6  }
0x111: {  	v40 =	vld.idx.msk [tilespmem:v8+s28+$0x0], $0xffff;
	v5 =	vor.u32 v1, v4  }
0x112: {  	v4 =	vld.idx.msk [tilespmem:v8+s29+$0x0], $0xffff;
	v6 =	vmul.f32 v55, v6  }
0x113: {  	v8 =	vor.u32 $0x1, v5;
	v46 =	vld.idx.msk [tilespmem:v3+s28+$0x0], $0xffff  }
0x114: {  	v0 =	vadd.f32 v6, v0;
	v6 =	vld [tilespmem:$0x1FCC0]  }
0x115: {  	v48 =	vld.idx.msk [tilespmem:v3+s29+$0x0], $0xffff;
	v3 =	vor.u32 $0x2, v5  }
0x116: {  	v10 =	vld.idx.msk [tilespmem:v5+s28+$0x0], $0xffff  }
0x117: {  	v11 =	vld.idx.msk [tilespmem:v5+s29+$0x0], $0xffff  }
0x118: {  	v7 =	vld.idx.msk [tilespmem:v8+s28+$0x0], $0xffff  }
0x119: {  	v8 =	vld.idx.msk [tilespmem:v8+s29+$0x0], $0xffff;
	v6 =	vmul.f32 v57, v6  }
0x11a: {  	v9 =	vor.u32 $0x3, v5;
	v13 =	vld.idx.msk [tilespmem:v3+s28+$0x0], $0xffff  }
0x11b: {  	v0 =	vadd.f32 v6, v0;
	v6 =	vld [tilespmem:$0x1FCD0]  }
0x11c: {  	v16 =	vor.u32 $0x6, v5;
	v3 =	vld.idx.msk [tilespmem:v3+s29+$0x0], $0xffff;
	_ =	sdelay $0x1  }
0x11d: {  	v61 =	vld.idx.msk [tilespmem:v61+s29+$0x0], $0xffff  }
0x11e: {  	v12 =	vor.u32 $0x4, v5;
	v15 =	vld.idx.msk [tilespmem:v9+s28+$0x0], $0xffff;
	v10 =	vmul.f32 v11, v10  }
0x11f: {  	v17 =	vor.u32 $0x7, v5;
	v9 =	vld.idx.msk [tilespmem:v9+s29+$0x0], $0xffff;
	v6 =	vmul.f32 v59, v6  }
0x120: {  	v7 =	vmul.f32 v8, v7;
	v3 =	vmul.f32 v3, v13;
	v13 =	vld.idx.msk [tilespmem:v16+s29+$0x0], $0xffff;
	v8 =	vadd.f32 $0.0e+00, v10  }
0x121: {  	v14 =	vor.u32 $0x5, v5;
	v0 =	vadd.f32 v6, v0;
	v6 =	vld [tilespmem:$0x1FCE0]  }
0x122: {  	v7 =	vadd.f32 v7, v8;
	v8 =	vld.idx.msk [tilespmem:v16+s28+$0x0], $0xffff  }
0x123: {  	v11 =	vld.idx.msk [tilespmem:v12+s28+$0x0], $0xffff  }
0x124: {  	v12 =	vld.idx.msk [tilespmem:v12+s29+$0x0], $0xffff  }
0x125: {  	v9 =	vmul.f32 v9, v15;
	v15 =	vld.idx.msk [tilespmem:v17+s29+$0x0], $0xffff  }
0x126: {  	v10 =	vld.idx.msk [tilespmem:v14+s28+$0x0], $0xffff;
	v6 =	vmul.f32 v61, v6  }
0x127: {  	v8 =	vmul.f32 v13, v8;
	v13 =	vld [tilespmem:$0x1FD00]  }
0x128: {  	v18 =	vor.u32 $0x8, v5;
	v0 =	vadd.f32 v6, v0;
	v6 =	vld [tilespmem:$0x1FCF0]  }
0x129: {  	v3 =	vadd.f32 v3, v7;
	v7 =	vld.idx.msk [tilespmem:v17+s28+$0x0], $0xffff  }
0x12a: {  	v14 =	vld.idx.msk [tilespmem:v14+s29+$0x0], $0xffff;
	_ =	sdelay $0x2  }
0x12b: {  	v3 =	vadd.f32 v9, v3;
	v9 =	vmul.f32 v12, v11;
	v11 =	vld.idx.msk [tilespmem:v18+s28+$0x0], $0xffff;
	v6 =	vmul.f32 v13, v6  }
0x12c: {  	v16 =	vor.u32 $0x9, v5;
	v7 =	vmul.f32 v15, v7;
	v15 =	vld [tilespmem:$0x1FD20]  }
0x12d: {  	v3 =	vadd.f32 v9, v3;
	v9 =	vmul.f32 v14, v10;
	v0 =	vadd.f32 v6, v0;
	v6 =	vld [tilespmem:$0x1FD10]  }
0x12e: {  	v12 =	vld.idx.msk [tilespmem:v18+s29+$0x0], $0xffff  }
0x12f: {  	v3 =	vadd.f32 v9, v3;
	_ =	sdelay $0x1  }
0x130: {  	v10 =	vld.idx.msk [tilespmem:v16+s28+$0x0], $0xffff;
	v3 =	vadd.f32 v8, v3  }
0x131: {  	v14 =	vld.idx.msk [tilespmem:v16+s29+$0x0], $0xffff;
	v6 =	vmul.f32 v15, v6  }
0x132: {  	v17 =	vor.u32 $0xA, v5;
	v3 =	vadd.f32 v7, v3;
	v7 =	vmul.f32 v12, v11;
	v12 =	vld [tilespmem:$0x1FD40]  }
0x133: {  	v0 =	vadd.f32 v6, v0;
	v6 =	vld [tilespmem:$0x1FD30];
	_ =	sdelay $0x3  }
0x134: {  	v9 =	vld.idx.msk [tilespmem:v17+s28+$0x0], $0xffff  }
0x135: {  	v3 =	vadd.f32 v7, v3;
	v7 =	vmul.f32 v14, v10;
	v14 =	vld [tilespmem:$0x1FD60];
	v6 =	vmul.f32 v12, v6  }
0x136: {  	v18 =	vor.u32 $0xB, v5;
	v13 =	vld.idx.msk [tilespmem:v17+s29+$0x0], $0xffff  }
0x137: {  	v0 =	vadd.f32 v6, v0;
	v6 =	vld [tilespmem:$0x1FD50];
	_ =	sdelay $0x3  }
0x138: {  	v8 =	vld.idx.msk [tilespmem:v18+s28+$0x0], $0xffff  }
0x139: {  	v3 =	vadd.f32 v7, v3;
	v7 =	vmul.f32 v13, v9;
	v13 =	vld [tilespmem:$0x1FD80];
	v6 =	vmul.f32 v14, v6  }
0x13a: {  	v16 =	vor.u32 $0xC, v5;
	v15 =	vld.idx.msk [tilespmem:v18+s29+$0x0], $0xffff  }
0x13b: {  	v0 =	vadd.f32 v6, v0;
	v6 =	vld [tilespmem:$0x1FD70];
	_ =	sdelay $0x3  }
0x13c: {  	v11 =	vld.idx.msk [tilespmem:v16+s28+$0x0], $0xffff  }
0x13d: {  	v3 =	vadd.f32 v7, v3;
	v7 =	vmul.f32 v15, v8;
	v15 =	vld [tilespmem:$0x1FDA0];
	v6 =	vmul.f32 v13, v6  }
0x13e: {  	v17 =	vor.u32 $0xD, v5;
	v12 =	vld.idx.msk [tilespmem:v16+s29+$0x0], $0xffff  }
0x13f: {  	v0 =	vadd.f32 v6, v0;
	v6 =	vld [tilespmem:$0x1FD90];
	_ =	sdelay $0x3  }
0x140: {  	v10 =	vld.idx.msk [tilespmem:v17+s28+$0x0], $0xffff  }
0x141: {  	v3 =	vadd.f32 v7, v3;
	v7 =	vmul.f32 v12, v11;
	v12 =	vld [tilespmem:$0x1FDC0];
	v6 =	vmul.f32 v15, v6  }
0x142: {  	v18 =	vor.u32 $0xE, v5;
	v14 =	vld.idx.msk [tilespmem:v17+s29+$0x0], $0xffff  }
0x143: {  	v0 =	vadd.f32 v6, v0;
	v6 =	vld [tilespmem:$0x1FDB0];
	_ =	sdelay $0x3  }
0x144: {  	v9 =	vld.idx.msk [tilespmem:v18+s28+$0x0], $0xffff  }
0x145: {  	v3 =	vadd.f32 v7, v3;
	v7 =	vmul.f32 v14, v10;
	v10 =	vld [tilespmem:$0x1FDE0];
	v6 =	vmul.f32 v12, v6  }
0x146: {  	v16 =	vor.u32 $0xF, v5;
	v13 =	vld.idx.msk [tilespmem:v18+s29+$0x0], $0xffff  }
0x147: {  	v0 =	vadd.f32 v6, v0;
	v6 =	vld [tilespmem:$0x1FDD0];
	_ =	sdelay $0x3  }
0x148: {  	v8 =	vld.idx.msk [tilespmem:v16+s28+$0x0], $0xffff  }
0x149: {  	v3 =	vadd.f32 v7, v3;
	v7 =	vmul.f32 v13, v9;
	v13 =	vld [tilespmem:$0x1FE00];
	v6 =	vmul.f32 v10, v6  }
0x14a: {  	v17 =	vor.u32 $0x10, v5;
	v15 =	vld.idx.msk [tilespmem:v16+s29+$0x0], $0xffff  }
0x14b: {  	v0 =	vadd.f32 v6, v0;
	v6 =	vld [tilespmem:$0x1FDF0];
	_ =	sdelay $0x3  }
0x14c: {  	v11 =	vld.idx.msk [tilespmem:v17+s28+$0x0], $0xffff;
	v16 =	vor.u32 $0x11, v5  }
0x14d: {  	v3 =	vadd.f32 v7, v3;
	v7 =	vmul.f32 v15, v8;
	v15 =	vld [tilespmem:$0x1FE20];
	v6 =	vmul.f32 v13, v6  }
0x14e: {  	v12 =	vld.idx.msk [tilespmem:v17+s29+$0x0], $0xffff;
	v17 =	vor.u32 $0x12, v5  }
0x14f: {  	v0 =	vadd.f32 v6, v0;
	v6 =	vld [tilespmem:$0x1FE10]  }
0x150: {  	v10 =	vor.u32 $0x13, v5  }
0x151: {  	v9 =	vld.idx.msk [tilespmem:v16+s28+$0x0], $0xffff  }
0x152: {  	v13 =	vld.idx.msk [tilespmem:v16+s29+$0x0], $0xffff  }
0x153: {  	v8 =	vld.idx.msk [tilespmem:v17+s28+$0x0], $0xffff  }
0x154: {  	v6 =	vmul.f32 v15, v6;
	v15 =	vld.idx.msk [tilespmem:v17+s29+$0x0], $0xffff  }
0x155: {  	v3 =	vadd.f32 v7, v3;
	v7 =	vmul.f32 v12, v11;
	v11 =	vld.idx.msk [tilespmem:v10+s28+$0x0], $0xffff  }
0x156: {  	v10 =	vld.idx.msk [tilespmem:v10+s29+$0x0], $0xffff  }
0x157: {  	v12 =	vld [tilespmem:$0x1FE40];
	v3 =	vadd.f32 v7, v3;
	v9 =	vmul.f32 v13, v9  }
0x158: {  	v0 =	vadd.f32 v6, v0;
	v6 =	vld [tilespmem:$0x1FE30]  }
0x159: {  	v3 =	vadd.f32 v9, v3;
	v8 =	vmul.f32 v15, v8  }
0x15a: {  	v14 =	vor.u32 $0x14, v5;
	v17 =	vld [tilespmem:$0x1FE50]  }
0x15b: {  	v16 =	vor.u32 $0x15, v5;
	v3 =	vadd.f32 v8, v3;
	v8 =	vmul.f32 v10, v11;
	v10 =	vld [tilespmem:$0x1FE60]  }
0x15c: {  	v11 =	vld [tilespmem:$0x1FE70]  }
0x15d: {  	v6 =	vmul.f32 v12, v6  }
0x15e: {  	v50 =	vld [tilespmem:s8+$0x0]  }
0x15f: {  	v13 =	vld.idx.msk [tilespmem:v14+s28+$0x0], $0xffff;
	v17 =	vmul.f32 v63, v17;
	v0 =	vadd.f32 v6, v0  }
0x160: {  	v15 =	vld.idx.msk [tilespmem:v16+s28+$0x0], $0xffff  }
0x161: {  	v6 =	vld.idx.msk [tilespmem:v14+s29+$0x0], $0xffff;
	v0 =	vadd.f32 v17, v0;
	v10 =	vmul.f32 v11, v10  }
0x162: {  	v17 =	vld [tilespmem:$0x1FE90]  }
0x163: {  	v12 =	vor.u32 $0x16, v5;
	v0 =	vadd.f32 v10, v0;
	v10 =	vld [tilespmem:$0x1FE80]  }
0x164: {  	v7 =	vand.u32 $0x7FFFFF, v50;
	v16 =	vld.idx.msk [tilespmem:v16+s29+$0x0], $0xffff  }
0x165: {  	v7 =	vor.u32 $0x3F800000, v7  }
0x166: {  	v9 =	vmul.f32 $5.000000000e-01, v7  }
0x167: {  	vm0 =	vge.f32 v7, $1.414213540e+00;
	v3 =	vadd.f32 v8, v3;
	v6 =	vmul.f32 v6, v13  }
0x168: {  	v7 =	vsel vm0, v9, v7;
	v9 =	vld.idx.msk [tilespmem:v12+s28+$0x0], $0xffff;
	v10 =	vmul.f32 v17, v10  }
0x169: {  	v14 =	vor.u32 $0x17, v5;
	v3 =	vadd.f32 v6, v3;
	v6 =	vmul.f32 v16, v15;
	v15 =	vld [tilespmem:$0x1FEB0]  }
0x16a: {  	v0 =	vadd.f32 v10, v0;
	v10 =	vld [tilespmem:$0x1FEA0]  }
0x16b: {  	v11 =	vld.idx.msk [tilespmem:v12+s29+$0x0], $0xffff;
	_ =	sdelay $0x1  }
0x16c: {  	v18 =	vor.u32 $0x18, v5  }
0x16d: {  	v12 =	vor.u32 $0x19, v5;
	v13 =	vld.idx.msk [tilespmem:v14+s28+$0x0], $0xffff  }
0x16e: {  	v14 =	vld.idx.msk [tilespmem:v14+s29+$0x0], $0xffff;
	v17 =	vor.u32 $0x1A, v5;
	v10 =	vmul.f32 v15, v10  }
0x16f: {  	v8 =	vadd.f32 $1.000000000e+00, v7;
	v3 =	vadd.f32 v6, v3;
	v6 =	vmul.f32 v11, v9;
	v11 =	vld [tilespmem:$0x1FED0]  }
0x170: {  	v0 =	vadd.f32 v10, v0;
	v10 =	vld [tilespmem:$0x1FEC0]  }
0x171: {  	(erf) = vrcp.f32 v8;
	v8 =	vld.idx.msk [tilespmem:v18+s28+$0x0], $0xffff  }
0x172: {  	v9 =	vld.idx.msk [tilespmem:v12+s28+$0x0], $0xffff  }
0x173: {  	v3 =	vadd.f32 v6, v3;
	v6 =	vmul.f32 v14, v13;
	v13 =	vld.idx.msk [tilespmem:v17+s28+$0x0], $0xffff  }
0x174: {  	v15 =	vld.idx.msk [tilespmem:v18+s29+$0x0], $0xffff  }
0x175: {  	v18 =	vld [tilespmem:$0x1FEF0];
	v10 =	vmul.f32 v11, v10  }
0x176: {  	v11 =	vld.idx.msk [tilespmem:v12+s29+$0x0], $0xffff  }
0x177: {  	v0 =	vadd.f32 v10, v0;
	v10 =	vld.idx.msk [tilespmem:v17+s29+$0x0], $0xffff  }
0x178: {  	v14 =	vor.u32 $0x1D, v5;
	v17 =	vld [tilespmem:$0x1FEE0]  }
0x179: {  	v3 =	vadd.f32 v6, v3;
	v8 =	vmul.f32 v15, v8;
	_ =	sdelay $0x1  }
0x17a: {  	v3 =	vadd.f32 v8, v3;
	v8 =	vmul.f32 v11, v9  }
0x17b: {  	v11 =	vld [tilespmem:$0x1FF00]  }
0x17c: {  	v17 =	vmul.f32 v18, v17;
	v10 =	vmul.f32 v10, v13;
	v13 =	vld.idx.msk [tilespmem:v14+s28+$0x0], $0xffff  }
0x17d: {  	v7 =	vadd.f32 $-1.000000000e+00, v7;
	v18 =	vld [tilespmem:$0x1FF30]  }
0x17e: {  	v3 =	vadd.f32 v8, v3;
	v0 =	vadd.f32 v17, v0;
	v17 =	vld [tilespmem:$0x1FF10];
	v8 =	vpop (erf)  }
0x17f: {  	v7 =	vmul.f32 v8, v7;
	v8 =	vld.idx.msk [tilespmem:v14+s29+$0x0], $0xffff  }
0x180: {  	v16 =	vor.u32 $0x1B, v5;
	v14 =	vld [tilespmem:$0x1FF20];
	_ =	sdelay $0x2  }
0x181: {  	v11 =	vmul.f32 v17, v11  }
0x182: {  	v19 =	vld [tilespmem:$0x1FF50]  }
0x183: {  	v6 =	vld.idx.msk [tilespmem:v16+s28+$0x0], $0xffff;
	v14 =	vmul.f32 v18, v14;
	v0 =	vadd.f32 v11, v0  }
0x184: {  	v15 =	vld.idx.msk [tilespmem:v16+s29+$0x0], $0xffff  }
0x185: {  	v16 =	vor.u32 $0x1E, v5;
	v0 =	vadd.f32 v14, v0;
	v14 =	vld [tilespmem:$0x1FF40];
	_ =	sdelay $0x4  }
0x186: {  	v12 =	vor.u32 $0x1C, v5;
	v6 =	vmul.f32 v15, v6;
	v15 =	vld.idx.msk [tilespmem:v16+s29+$0x0], $0xffff;
	v14 =	vmul.f32 v19, v14  }
0x187: {  	v8 =	vmul.f32 v8, v13;
	v13 =	vld [tilespmem:$0x1FF60]  }
0x188: {  	v17 =	vor.u32 $0x1F, v5;
	v0 =	vadd.f32 v14, v0;
	v14 =	vld [tilespmem:$0x1FF70]  }
0x189: {  	v18 =	vld.idx.msk [tilespmem:v16+s28+$0x0], $0xffff;
	_ =	sdelay $0x1  }
0x18a: {  	v9 =	vld.idx.msk [tilespmem:v12+s28+$0x0], $0xffff;
	v3 =	vadd.f32 v10, v3  }
0x18b: {  	v12 =	vld.idx.msk [tilespmem:v12+s29+$0x0], $0xffff  }
0x18c: {  	v3 =	vadd.f32 v6, v3;
	v6 =	vld.idx.msk [tilespmem:v17+s28+$0x0], $0xffff;
	v13 =	vmul.f32 v14, v13  }
0x18d: {  	v14 =	vmul.f32 v15, v18;
	v18 =	vld [tilespmem:$0x1FF90]  }
0x18e: {  	v0 =	vadd.f32 v13, v0;
	v13 =	vld [tilespmem:$0x1FF80]  }
0x18f: {  	v17 =	vld.idx.msk [tilespmem:v17+s29+$0x0], $0xffff;
	_ =	sdelay $0x1  }
0x190: {  	v11 =	vor.u32 $0x20, v5  }
0x191: {  	v9 =	vmul.f32 v12, v9  }
0x192: {  	v10 =	vmul.f32 v7, v7;
	v13 =	vmul.f32 v18, v13  }
0x193: {  	v6 =	vmul.f32 v17, v6;
	v17 =	vld [tilespmem:$0x1FFB0]  }
0x194: {  	v3 =	vadd.f32 v9, v3;
	v12 =	vmul.f32 $1.111111120e-01, v10;
	v13 =	vadd.f32 v13, v0;
	v0 =	vld [tilespmem:$0x1FFA0]  }
0x195: {  	v9 =	vld.idx.msk [tilespmem:v11+s28+$0x0], $0xffff  }
0x196: {  	v12 =	vadd.f32 $1.428571490e-01, v12;
	v3 =	vadd.f32 v8, v3;
	v11 =	vld.idx.msk [tilespmem:v11+s29+$0x0], $0xffff  }
0x197: {  	v16 =	vor.u32 $0x21, v5  }
0x198: {  	v12 =	vmul.f32 v12, v10;
	v3 =	vadd.f32 v14, v3  }
0x199: {  	v17 =	vmul.f32 v17, v0  }
0x19a: {  	v3 =	vadd.f32 v6, v3;
	v6 =	vadd.f32 $2.000000030e-01, v12;
	v12 =	vld [tilespmem:$0x1FFC0]  }
0x19b: {  	v19 =	vor.u32 $0x22, v5;
	v9 =	vmul.f32 v11, v9;
	v11 =	vadd.f32 v17, v13;
	v13 =	vld [tilespmem:$0x1FFD0]  }
0x19c: {  	v15 =	vld.idx.msk [tilespmem:v16+s28+$0x0], $0xffff  }
0x19d: {  	v16 =	vld.idx.msk [tilespmem:v16+s29+$0x0], $0xffff;
	_ =	sdelay $0x2  }
0x19e: {  	v8 =	vor.u32 $0x23, v5;
	v14 =	vld.idx.msk [tilespmem:v19+s28+$0x0], $0xffff;
	v12 =	vmul.f32 v13, v12  }
0x19f: {  	v9 =	vadd.f32 v9, v3;
	v3 =	vld [tilespmem:$0x1FFE0]  }
0x1a0: {  	v15 =	vmul.f32 v16, v15;
	v16 =	vor.u32 $0x26, v5;
	v11 =	vadd.f32 v12, v11;
	v12 =	vld [tilespmem:$0x1FFF0]  }
0x1a1: {  	v19 =	vld.idx.msk [tilespmem:v19+s29+$0x0], $0xffff;
	v18 =	vor.u32 $0x24, v5  }
0x1a2: {  	v51 =	vld [tilespmem:s0+$0x0]  }
0x1a3: {  	v17 =	vld.idx.msk [tilespmem:v8+s28+$0x0], $0xffff;
	v13 =	vor.u32 $0x25, v5  }
0x1a4: {  	v8 =	vld.idx.msk [tilespmem:v8+s29+$0x0], $0xffff  }
0x1a5: {  	v54 =	vld.idx.msk [tilespmem:v16+s28+$0x0], $0xffff;
	v12 =	vmul.f32 v12, v3  }
0x1a6: {  	v6 =	vmul.f32 v6, v10;
	v14 =	vmul.f32 v19, v14;
	v9 =	vadd.f32 v15, v9;
	v15 =	vld.idx.msk [tilespmem:v18+s28+$0x0], $0xffff  }
0x1a7: {  	v11 =	vadd.f32 v12, v11;
	v12 =	vld.idx.msk [tilespmem:v18+s29+$0x0], $0xffff;
	v18 =	vor.u32 $0x27, v5  }
0x1a8: {  	v52 =	vshra.s32 v50, $0x17;
	v6 =	vadd.f32 $3.333333430e-01, v6;
	v9 =	vadd.f32 v14, v9;
	v14 =	vld.idx.msk [tilespmem:v13+s28+$0x0], $0xffff  }
0x1a9: {  	v55 =	vor.u32 $0x2A, v5;
	v8 =	vmul.f32 v8, v17;
	v17 =	vor.u32 $0x28, v5;
	v13 =	vld.idx.msk [tilespmem:v13+s29+$0x0], $0xffff  }
0x1aa: {  	s8 =	simm.s32 $0x410;
	v53 =	vsel vm0, $0xFFFFFF82, v2;
	v7 =	vadd.f32 v7, v7;
	v6 =	vmul.f32 v6, v10;
	v16 =	vld.idx.msk [tilespmem:v16+s29+$0x0], $0xffff  }
0x1ab: {  	v19 =	vmul.f32 v21, v20;
	v8 =	vadd.f32 v8, v9;
	v9 =	vor.u32 $0x29, v5;
	v3 =	vld [tilespmem:s8+$0x0]  }
0x1ac: {  	v10 =	vadd.s32 v52, v53;
	v6 =	vadd.f32 $1.000000000e+00, v6;
	v12 =	vmul.f32 v12, v15;
	v15 =	vld.idx.msk [tilespmem:v18+s28+$0x0], $0xffff  }
0x1ad: {  	v10 =	vcvt.s32.f32 v10;
	v11 =	vadd.f32 v19, v11;
	v19 =	vmul.f32 v38, v36;
	v18 =	vld.idx.msk [tilespmem:v18+s29+$0x0], $0xffff  }
0x1ae: {  	v6 =	vmul.f32 v6, v7;
	v7 =	vadd.f32 v12, v8;
	v8 =	vmul.f32 v13, v14;
	v12 =	vld.idx.msk [tilespmem:v17+s28+$0x0], $0xffff  }
0x1af: {  	v58 =	vmul.f32 v31, v30;
	v10 =	vmul.f32 $6.931471820e-01, v10;
	v11 =	vadd.f32 v19, v11;
	v13 =	vld.idx.msk [tilespmem:v17+s29+$0x0], $0xffff  }
0x1b0: {  	v19 =	vld.idx.msk [tilespmem:v9+s28+$0x0], $0xffff;
	v14 =	vor.u32 $0x2B, v5;
	v7 =	vadd.f32 v8, v7;
	v8 =	vmul.f32 v16, v54  }
0x1b1: {  	v6 =	vadd.f32 v6, v10;
	v10 =	vor.u32 $0x2C, v5;
	v9 =	vld.idx.msk [tilespmem:v9+s29+$0x0], $0xffff;
	v17 =	vmul.f32 v34, v32  }
0x1b2: {  	v56 =	vand.u32 $0x7FFFFF, v3;
	v16 =	vld.idx.msk [tilespmem:v55+s28+$0x0], $0xffff;
	v7 =	vadd.f32 v8, v7;
	v8 =	vmul.f32 v18, v15  }
0x1b3: {  	v20 =	vor.u32 $0x3F800000, v56;
	v11 =	vadd.f32 v17, v11;
	v15 =	vadd.f32 $-4.605170250e+00, v6;
	v18 =	vld.idx.msk [tilespmem:v55+s29+$0x0], $0xffff  }
0x1b4: {  	v0 =	vld [tilespmem:s3+$0x0];
	v17 =	vor.u32 $0x2D, v5;
	v7 =	vadd.f32 v8, v7;
	v8 =	vmul.f32 v13, v12  }
0x1b5: {  	v57 =	vld.idx.msk [tilespmem:v14+s28+$0x0], $0xffff;
	v12 =	vmul.f32 $7.500000000e-01, v15;
	v15 =	vmul.f32 $5.000000000e-01, v20  }
0x1b6: {  	vm15 =	vge.f32 v20, $1.414213540e+00;
	v14 =	vld.idx.msk [tilespmem:v14+s29+$0x0], $0xffff;
	v13 =	vor.u32 $0x2E, v5;
	v7 =	vadd.f32 v8, v7  }
0x1b7: {  	v8 =	vmul.f32 v9, v19;
	v9 =	vld.idx.msk [tilespmem:v10+s28+$0x0], $0xffff;
	v12 =	vmul.f32 $1.442695020e+00, v12;
	v15 =	vsel vm15, v15, v20  }
0x1b8: {  	v19 =	vor.u32 $0x2F, v5;
	v10 =	vld.idx.msk [tilespmem:v10+s29+$0x0], $0xffff;
	v16 =	vmul.f32 v18, v16;
	v18 =	vadd.f32 $1.000000000e+00, v15  }
0x1b9: {  	v11 =	vadd.f32 v58, v11;
	v7 =	vadd.f32 v8, v7;
	v8 =	vld.idx.msk [tilespmem:v17+s28+$0x0], $0xffff;
	(erf) = vpow2.f32 v12  }
0x1ba: {  	v12 =	vld.idx.msk [tilespmem:v17+s29+$0x0], $0xffff;
	v17 =	vor.u32 $0x30, v5;
	(erf) = vrcp.f32 v18;
	v18 =	vmul.f32 v35, v33  }
0x1bb: {  	v14 =	vmul.f32 v14, v57;
	v7 =	vadd.f32 v16, v7;
	v16 =	vld.idx.msk [tilespmem:v13+s28+$0x0], $0xffff  }
0x1bc: {  	v4 =	vmul.f32 v4, v40;
	v59 =	vor.u32 $0x31, v5;
	v13 =	vld.idx.msk [tilespmem:v13+s29+$0x0], $0xffff;
	v11 =	vadd.f32 v18, v11  }
0x1bd: {  	v9 =	vmul.f32 v10, v9;
	v10 =	vld.idx.msk [tilespmem:v19+s28+$0x0], $0xffff;
	v7 =	vadd.f32 v14, v7  }
0x1be: {  	v18 =	vor.u32 $0x32, v5;
	v14 =	vld.idx.msk [tilespmem:v19+s29+$0x0], $0xffff;
	v4 =	vadd.f32 v4, v11;
	v11 =	vmul.f32 v44, v42  }
0x1bf: {  	v8 =	vmul.f32 v12, v8;
	v12 =	vld.idx.msk [tilespmem:v17+s29+$0x0], $0xffff;
	v7 =	vadd.f32 v9, v7  }
0x1c0: {  	v9 =	vld.idx.msk [tilespmem:v17+s28+$0x0], $0xffff;
	v17 =	vor.u32 $0x33, v5;
	v4 =	vadd.f32 v11, v4  }
0x1c1: {  	v11 =	vmul.f32 v48, v46;
	v7 =	vadd.f32 v8, v7;
	v8 =	vmul.f32 v13, v16;
	v13 =	vld.idx.msk [tilespmem:v59+s28+$0x0], $0xffff  }
0x1c2: {  	v15 =	vadd.f32 $-1.000000000e+00, v15;
	v19 =	vor.u32 $0x34, v5;
	v16 =	vld.idx.msk [tilespmem:v59+s29+$0x0], $0xffff  }
0x1c3: {  	v60 =	vpop (erf);
	v10 =	vmul.f32 v14, v10;
	v4 =	vadd.f32 v11, v4;
	v11 =	vld.idx.msk [tilespmem:v18+s29+$0x0], $0xffff;
	v7 =	vadd.f32 v8, v7  }
0x1c4: {  	v14 =	vor.u32 $0x35, v5;
	v8 =	vld.idx.msk [tilespmem:v18+s28+$0x0], $0xffff;
	v18 =	vpop (erf)  }
0x1c5: {  	v15 =	vmul.f32 v18, v15;
	v9 =	vmul.f32 v12, v9;
	v7 =	vadd.f32 v10, v7  }
0x1c6: {  	v0 =	vadd.f32 v4, v0;
	v4 =	vld.idx.msk [tilespmem:v17+s29+$0x0], $0xffff;
	v12 =	vor.u32 $0x36, v5  }
0x1c7: {  	v10 =	vld.idx.msk [tilespmem:v17+s28+$0x0], $0xffff;
	v13 =	vmul.f32 v16, v13;
	v7 =	vadd.f32 v9, v7;
	v9 =	vmul.f32 v15, v15  }
0x1c8: {  	v18 =	vor.u32 $0x37, v5;
	v17 =	vld.idx.msk [tilespmem:v19+s28+$0x0], $0xffff  }
0x1c9: {  	v0 =	vadd.f32 v0, v51;
	v16 =	vld.idx.msk [tilespmem:v19+s29+$0x0], $0xffff;
	v7 =	vadd.f32 v13, v7;
	v13 =	vmul.f32 $1.111111120e-01, v9  }
0x1ca: {  	v19 =	vld.idx.msk [tilespmem:v14+s28+$0x0], $0xffff;
	v8 =	vmul.f32 v11, v8  }
0x1cb: {  	v0 =	vsub.f32 v0, v6;
	v6 =	vld.idx.msk [tilespmem:v14+s29+$0x0], $0xffff;
	v11 =	vor.u32 $0x38, v5;
	v13 =	vadd.f32 $1.428571490e-01, v13  }
0x1cc: {  	vm2 =	vgt.f32 v50, $1.000000000e+02;
	v14 =	vld.idx.msk [tilespmem:v12+s28+$0x0], $0xffff;
	v4 =	vmul.f32 v4, v10;
	v7 =	vadd.f32 v8, v7  }
0x1cd: {  	v10 =	vld.idx.msk [tilespmem:v12+s29+$0x0], $0xffff;
	v12 =	vor.u32 $0x39, v5;
	vm1 =	vclass.f32 v0, $0x102;
	v13 =	vmul.f32 v13, v9  }
0x1ce: {  	v8 =	vmul.f32 $5.000000000e-01, v60;
	v16 =	vmul.f32 v16, v17;
	v17 =	vld.idx.msk [tilespmem:v18+s29+$0x0], $0xffff;
	v4 =	vadd.f32 v4, v7  }
0x1cf: {  	v0 =	vsel vm1, $0x0, v0;
	v7 =	vld.idx.msk [tilespmem:v18+s28+$0x0], $0xffff;
	v18 =	vor.u32 $0x3A, v5;
	v13 =	vadd.f32 $2.000000030e-01, v13  }
0x1d0: {  	v8 =	vsel vm2, $0x3F000000, v8;
	v61 =	vld.idx.msk [tilespmem:v11+s28+$0x0], $0xffff;
	v6 =	vmul.f32 v6, v19;
	v4 =	vadd.f32 v16, v4  }
0x1d1: {  	v11 =	vld.idx.msk [tilespmem:v11+s29+$0x0], $0xffff;
	v8 =	vmul.f32 v8, v0;
	v16 =	vor.u32 $0x3B, v5;
	v13 =	vmul.f32 v13, v9  }
0x1d2: {  	v19 =	vld.idx.msk [tilespmem:v12+s28+$0x0], $0xffff;
	v4 =	vadd.f32 v6, v4;
	v6 =	vmul.f32 v10, v14  }
0x1d3: {  	v0 =	vmul.f32 v8, v0;
	v10 =	vld.idx.msk [tilespmem:v12+s29+$0x0], $0xffff;
	v12 =	vor.u32 $0x3C, v5;
	v8 =	vadd.f32 $3.333333430e-01, v13  }
0x1d4: {  	v14 =	vld.idx.msk [tilespmem:v18+s28+$0x0], $0xffff;
	v4 =	vadd.f32 v6, v4;
	v6 =	vmul.f32 v17, v7;
	v17 =	vor.u32 $0x3D, v5  }
0x1d5: {  	v62 =	vor.u32 $0x3E, v5;
	v13 =	vld.idx.msk [tilespmem:v18+s29+$0x0], $0xffff  }
0x1d6: {  	v63 =	vsel vm15, $0xFFFFFF82, v2;
	v7 =	vshra.s32 v3, $0x17;
	v18 =	vld.idx.msk [tilespmem:v16+s28+$0x0], $0xffff;
	v8 =	vmul.f32 v8, v9  }
0x1d7: {  	v16 =	vld.idx.msk [tilespmem:v16+s29+$0x0], $0xffff;
	v4 =	vadd.f32 v6, v4;
	v6 =	vmul.f32 v11, v61;
	v9 =	vadd.s32 v7, v63  }
0x1d8: {  	v11 =	vadd.f32 v15, v15;
	v7 =	vld.idx.msk [tilespmem:v12+s28+$0x0], $0xffff;
	v15 =	vadd.f32 $1.000000000e+00, v8;
	v8 =	vimm.f32 $0.0e+00  }
0x1d9: {  	v9 =	vcvt.s32.f32 v9;
	v6 =	vadd.f32 v6, v4;
	v4 =	vadd.f32 v0, v8;
	v8 =	vld.idx.msk [tilespmem:v17+s28+$0x0], $0xffff  }
0x1da: {  	v19 =	vmul.f32 v10, v19;
	v0 =	vmul.f32 v15, v11;
	v11 =	vld.idx.msk [tilespmem:v17+s29+$0x0], $0xffff;
	v17 =	vor.u32 $0x3F, v5  }
0x1db: {  	s9 =	simm.s32 $0x20;
	v10 =	vld.idx.msk [tilespmem:v12+s29+$0x0], $0xffff;
	v12 =	vmul.f32 $6.931471820e-01, v9  }
0x1dc: {  	v9 =	vmov s9;
	v13 =	vmul.f32 v13, v14;
	v15 =	vadd.f32 v19, v6  }
0x1dd: {  	v5 =	vshll.u32 v9, $0x6;
	v9 =	vld.idx.msk [tilespmem:v62+s28+$0x0], $0xffff;
	v6 =	vadd.f32 v0, v12  }
0x1de: {  	s9 =	simm.s32 $0x30;
	v16 =	vmul.f32 v16, v18;
	v5 =	vor.u32 v1, v5;
	v15 =	vadd.f32 v13, v15;
	v12 =	vld.idx.msk [tilespmem:v62+s29+$0x0], $0xffff  }
.LBB2_2:
0x1df: {  	p1 =	sne.s32 s9, $0x1F0;
	v0 =	vld.idx.msk [tilespmem:v17+s28+$0x0], $0xffff;
	v13 =	vadd.f32 $-4.605170250e+00, v6  }
0x1e0: {  	v14 =	vor.u32 $0x3, v5;
	v7 =	vmul.f32 v10, v7;
	s0 =	sadd.s32 $0x10, s0;
	v15 =	vadd.f32 v16, v15;
	v10 =	vld.idx.msk [tilespmem:v17+s29+$0x0], $0xffff  }
0x1e1: {  	s3 =	sadd.s32 $0x10, s3;
	v16 =	vor.u32 $0x1, v5;
	v17 =	vld [tilespmem:s0+$0x0];
	v13 =	vmul.f32 $7.500000000e-01, v13  }
0x1e2: {  	v8 =	vmul.f32 v11, v8;
	v7 =	vadd.f32 v7, v15;
	v11 =	vld [tilespmem:s3+$0x0]  }
0x1e3: {  	v18 =	vor.u32 $0x2, v5;
	v15 =	vld.idx.msk [tilespmem:v5+s28+$0x0], $0xffff;
	v13 =	vmul.f32 $1.442695020e+00, v13  }
0x1e4: {  	v19 =	vld.idx.msk [tilespmem:v5+s29+$0x0], $0xffff;
	v7 =	vadd.f32 v8, v7;
	v8 =	vmul.f32 v12, v9  }
0x1e5: {  	v9 =	vld.idx.msk [tilespmem:v14+s28+$0x0], $0xffff;
	(erf) = vpow2.f32 v13  }
0x1e6: {  	v0 =	vmul.f32 v10, v0;
	v12 =	vld.idx.msk [tilespmem:v16+s28+$0x0], $0xffff;
	v7 =	vadd.f32 v8, v7  }
0x1e7: {  	v10 =	vor.u32 $0x4, v5;
	v8 =	vld.idx.msk [tilespmem:v16+s29+$0x0], $0xffff  }
0x1e8: {  	v13 =	vld.idx.msk [tilespmem:v18+s28+$0x0], $0xffff;
	v0 =	vadd.f32 v0, v7  }
0x1e9: {  	v16 =	vor.u32 $0x5, v5;
	v7 =	vld.idx.msk [tilespmem:v18+s29+$0x0], $0xffff  }
0x1ea: {  	s8 =	sadd.s32 $0x10, s8;
	v14 =	vld.idx.msk [tilespmem:v14+s29+$0x0], $0xffff;
	v0 =	vadd.f32 v0, v11  }
0x1eb: {  	v11 =	vmul.f32 v19, v15;
	v15 =	vor.u32 $0x6, v5;
	v18 =	vld [tilespmem:s8+$0x0]  }
0x1ec: {  	v19 =	vld.idx.msk [tilespmem:v10+s28+$0x0], $0xffff;
	v0 =	vadd.f32 v0, v17  }
0x1ed: {  	v11 =	vadd.f32 $0.0e+00, v11;
	v8 =	vmul.f32 v8, v12;
	v12 =	vor.u32 $0x7, v5;
	v10 =	vld.idx.msk [tilespmem:v10+s29+$0x0], $0xffff  }
0x1ee: {  	v20 =	vor.u32 $0x8, v5;
	v21 =	vor.u32 $0x9, v5;
	v17 =	vld.idx.msk [tilespmem:v16+s28+$0x0], $0xffff;
	v0 =	vsub.f32 v0, v6;
	v6 =	vpop (erf)  }
0x1ef: {  	v8 =	vadd.f32 v8, v11;
	v7 =	vmul.f32 v7, v13;
	v11 =	vld.idx.msk [tilespmem:v16+s29+$0x0], $0xffff;
	v6 =	vmul.f32 $5.000000000e-01, v6  }
0x1f0: {  	vm1 =	vgt.f32 v3, $1.000000000e+02;
	v9 =	vmul.f32 v14, v9;
	v13 =	vld.idx.msk [tilespmem:v15+s28+$0x0], $0xffff;
	vm0 =	vclass.f32 v0, $0x102;
	v3 =	vmovc v18  }
0x1f1: {  	v7 =	vadd.f32 v7, v8;
	v8 =	vld.idx.msk [tilespmem:v15+s29+$0x0], $0xffff;
	v0 =	vsel vm0, $0x0, v0;
	v6 =	vsel vm1, $0x3F000000, v6  }
0x1f2: {  	v14 =	vld.idx.msk [tilespmem:v12+s28+$0x0], $0xffff;
	v6 =	vmul.f32 v6, v0  }
0x1f3: {  	v7 =	vadd.f32 v9, v7;
	v9 =	vmul.f32 v10, v19;
	v10 =	vld.idx.msk [tilespmem:v12+s29+$0x0], $0xffff;
	v12 =	vor.u32 $0xA, v5  }
0x1f4: {  	v15 =	vld.idx.msk [tilespmem:v20+s28+$0x0], $0xffff;
	v0 =	vmul.f32 v6, v0  }
0x1f5: {  	v6 =	vadd.f32 v9, v7;
	v7 =	vmul.f32 v11, v17;
	v11 =	vor.u32 $0xB, v5;
	v9 =	vld.idx.msk [tilespmem:v20+s29+$0x0], $0xffff  }
0x1f6: {  	v16 =	vld.idx.msk [tilespmem:v21+s28+$0x0], $0xffff;
	v4 =	vadd.f32 v0, v4  }
0x1f7: {  	v0 =	vadd.f32 v7, v6;
	v6 =	vmul.f32 v8, v13;
	v8 =	vor.u32 $0xC, v5;
	v7 =	vld.idx.msk [tilespmem:v21+s29+$0x0], $0xffff  }
0x1f8: {  	v13 =	vld.idx.msk [tilespmem:v12+s28+$0x0], $0xffff  }
0x1f9: {  	v0 =	vadd.f32 v6, v0;
	v6 =	vmul.f32 v10, v14;
	v10 =	vld.idx.msk [tilespmem:v12+s29+$0x0], $0xffff;
	v12 =	vor.u32 $0xD, v5  }
0x1fa: {  	v14 =	vld.idx.msk [tilespmem:v11+s28+$0x0], $0xffff  }
0x1fb: {  	v0 =	vadd.f32 v6, v0;
	v6 =	vmul.f32 v9, v15;
	v9 =	vld.idx.msk [tilespmem:v11+s29+$0x0], $0xffff;
	v11 =	vor.u32 $0xE, v5  }
0x1fc: {  	v15 =	vld.idx.msk [tilespmem:v8+s28+$0x0], $0xffff  }
0x1fd: {  	v0 =	vadd.f32 v6, v0;
	v6 =	vmul.f32 v7, v16;
	v7 =	vld.idx.msk [tilespmem:v8+s29+$0x0], $0xffff;
	v8 =	vor.u32 $0xF, v5  }
0x1fe: {  	v16 =	vld.idx.msk [tilespmem:v12+s28+$0x0], $0xffff  }
0x1ff: {  	v0 =	vadd.f32 v6, v0;
	v6 =	vmul.f32 v10, v13;
	v10 =	vld.idx.msk [tilespmem:v12+s29+$0x0], $0xffff;
	v12 =	vor.u32 $0x10, v5  }
0x200: {  	v13 =	vld.idx.msk [tilespmem:v11+s28+$0x0], $0xffff  }
0x201: {  	v0 =	vadd.f32 v6, v0;
	v6 =	vmul.f32 v9, v14;
	v9 =	vld.idx.msk [tilespmem:v11+s29+$0x0], $0xffff;
	v11 =	vor.u32 $0x11, v5  }
0x202: {  	v14 =	vld.idx.msk [tilespmem:v8+s28+$0x0], $0xffff  }
0x203: {  	v0 =	vadd.f32 v6, v0;
	v6 =	vmul.f32 v7, v15;
	v7 =	vld.idx.msk [tilespmem:v8+s29+$0x0], $0xffff;
	v8 =	vor.u32 $0x12, v5  }
0x204: {  	v15 =	vld.idx.msk [tilespmem:v12+s28+$0x0], $0xffff  }
0x205: {  	v0 =	vadd.f32 v6, v0;
	v6 =	vmul.f32 v10, v16;
	v10 =	vld.idx.msk [tilespmem:v12+s29+$0x0], $0xffff;
	v12 =	vor.u32 $0x13, v5  }
0x206: {  	v16 =	vld.idx.msk [tilespmem:v11+s28+$0x0], $0xffff  }
0x207: {  	v0 =	vadd.f32 v6, v0;
	v6 =	vmul.f32 v9, v13;
	v9 =	vld.idx.msk [tilespmem:v11+s29+$0x0], $0xffff;
	v11 =	vor.u32 $0x14, v5  }
0x208: {  	v13 =	vld.idx.msk [tilespmem:v8+s28+$0x0], $0xffff  }
0x209: {  	v0 =	vadd.f32 v6, v0;
	v6 =	vmul.f32 v7, v14;
	v7 =	vld.idx.msk [tilespmem:v8+s29+$0x0], $0xffff;
	v8 =	vor.u32 $0x15, v5  }
0x20a: {  	v14 =	vld.idx.msk [tilespmem:v12+s28+$0x0], $0xffff  }
0x20b: {  	v0 =	vadd.f32 v6, v0;
	v6 =	vmul.f32 v10, v15;
	v10 =	vld.idx.msk [tilespmem:v12+s29+$0x0], $0xffff;
	v12 =	vor.u32 $0x16, v5  }
0x20c: {  	v15 =	vld.idx.msk [tilespmem:v11+s28+$0x0], $0xffff  }
0x20d: {  	v0 =	vadd.f32 v6, v0;
	v6 =	vmul.f32 v9, v16;
	v9 =	vld.idx.msk [tilespmem:v11+s29+$0x0], $0xffff;
	v11 =	vor.u32 $0x17, v5  }
0x20e: {  	v16 =	vld.idx.msk [tilespmem:v8+s28+$0x0], $0xffff  }
0x20f: {  	v0 =	vadd.f32 v6, v0;
	v6 =	vmul.f32 v7, v13;
	v7 =	vld.idx.msk [tilespmem:v8+s29+$0x0], $0xffff;
	v8 =	vor.u32 $0x18, v5  }
0x210: {  	v13 =	vld.idx.msk [tilespmem:v12+s28+$0x0], $0xffff  }
0x211: {  	v0 =	vadd.f32 v6, v0;
	v6 =	vmul.f32 v10, v14;
	v10 =	vld.idx.msk [tilespmem:v12+s29+$0x0], $0xffff;
	v12 =	vor.u32 $0x19, v5  }
0x212: {  	v14 =	vld.idx.msk [tilespmem:v11+s28+$0x0], $0xffff  }
0x213: {  	v0 =	vadd.f32 v6, v0;
	v6 =	vmul.f32 v9, v15;
	v9 =	vld.idx.msk [tilespmem:v11+s29+$0x0], $0xffff;
	v11 =	vor.u32 $0x1A, v5  }
0x214: {  	v15 =	vld.idx.msk [tilespmem:v8+s28+$0x0], $0xffff  }
0x215: {  	v0 =	vadd.f32 v6, v0;
	v6 =	vmul.f32 v7, v16;
	v7 =	vld.idx.msk [tilespmem:v8+s29+$0x0], $0xffff;
	v8 =	vor.u32 $0x1B, v5  }
0x216: {  	v16 =	vld.idx.msk [tilespmem:v12+s28+$0x0], $0xffff  }
0x217: {  	v0 =	vadd.f32 v6, v0;
	v6 =	vmul.f32 v10, v13;
	v10 =	vld.idx.msk [tilespmem:v12+s29+$0x0], $0xffff;
	v12 =	vor.u32 $0x1C, v5  }
0x218: {  	v13 =	vld.idx.msk [tilespmem:v11+s28+$0x0], $0xffff  }
0x219: {  	v0 =	vadd.f32 v6, v0;
	v6 =	vmul.f32 v9, v14;
	v9 =	vld.idx.msk [tilespmem:v11+s29+$0x0], $0xffff;
	v11 =	vor.u32 $0x1D, v5  }
0x21a: {  	v14 =	vld.idx.msk [tilespmem:v8+s28+$0x0], $0xffff  }
0x21b: {  	v0 =	vadd.f32 v6, v0;
	v6 =	vmul.f32 v7, v15;
	v7 =	vld.idx.msk [tilespmem:v8+s29+$0x0], $0xffff;
	v8 =	vor.u32 $0x1E, v5  }
0x21c: {  	v15 =	vld.idx.msk [tilespmem:v12+s28+$0x0], $0xffff  }
0x21d: {  	v0 =	vadd.f32 v6, v0;
	v6 =	vmul.f32 v10, v16;
	v10 =	vld.idx.msk [tilespmem:v12+s29+$0x0], $0xffff;
	v12 =	vor.u32 $0x1F, v5  }
0x21e: {  	v16 =	vld.idx.msk [tilespmem:v11+s28+$0x0], $0xffff  }
0x21f: {  	v0 =	vadd.f32 v6, v0;
	v6 =	vmul.f32 v9, v13;
	v9 =	vld.idx.msk [tilespmem:v11+s29+$0x0], $0xffff;
	v11 =	vor.u32 $0x20, v5  }
0x220: {  	v13 =	vld.idx.msk [tilespmem:v8+s28+$0x0], $0xffff  }
0x221: {  	v0 =	vadd.f32 v6, v0;
	v6 =	vmul.f32 v7, v14;
	v7 =	vld.idx.msk [tilespmem:v8+s29+$0x0], $0xffff;
	v8 =	vor.u32 $0x21, v5  }
0x222: {  	v14 =	vld.idx.msk [tilespmem:v12+s28+$0x0], $0xffff  }
0x223: {  	v0 =	vadd.f32 v6, v0;
	v6 =	vmul.f32 v10, v15;
	v10 =	vld.idx.msk [tilespmem:v12+s29+$0x0], $0xffff;
	v12 =	vor.u32 $0x22, v5  }
0x224: {  	v15 =	vld.idx.msk [tilespmem:v11+s28+$0x0], $0xffff  }
0x225: {  	v0 =	vadd.f32 v6, v0;
	v6 =	vmul.f32 v9, v16;
	v9 =	vld.idx.msk [tilespmem:v11+s29+$0x0], $0xffff;
	v11 =	vor.u32 $0x23, v5  }
0x226: {  	v16 =	vld.idx.msk [tilespmem:v8+s28+$0x0], $0xffff  }
0x227: {  	v0 =	vadd.f32 v6, v0;
	v6 =	vmul.f32 v7, v13;
	v7 =	vld.idx.msk [tilespmem:v8+s29+$0x0], $0xffff;
	v8 =	vor.u32 $0x24, v5  }
0x228: {  	v13 =	vld.idx.msk [tilespmem:v12+s28+$0x0], $0xffff  }
0x229: {  	v0 =	vadd.f32 v6, v0;
	v6 =	vmul.f32 v10, v14;
	v10 =	vld.idx.msk [tilespmem:v12+s29+$0x0], $0xffff;
	v12 =	vor.u32 $0x25, v5  }
0x22a: {  	v14 =	vld.idx.msk [tilespmem:v11+s28+$0x0], $0xffff  }
0x22b: {  	v0 =	vadd.f32 v6, v0;
	v6 =	vmul.f32 v9, v15;
	v9 =	vld.idx.msk [tilespmem:v11+s29+$0x0], $0xffff;
	v11 =	vor.u32 $0x26, v5  }
0x22c: {  	v15 =	vld.idx.msk [tilespmem:v8+s28+$0x0], $0xffff  }
0x22d: {  	v0 =	vadd.f32 v6, v0;
	v6 =	vmul.f32 v7, v16;
	v7 =	vld.idx.msk [tilespmem:v8+s29+$0x0], $0xffff;
	v8 =	vor.u32 $0x27, v5  }
0x22e: {  	v16 =	vld.idx.msk [tilespmem:v12+s28+$0x0], $0xffff  }
0x22f: {  	v0 =	vadd.f32 v6, v0;
	v6 =	vmul.f32 v10, v13;
	v10 =	vld.idx.msk [tilespmem:v12+s29+$0x0], $0xffff;
	v12 =	vor.u32 $0x28, v5  }
0x230: {  	v13 =	vld.idx.msk [tilespmem:v11+s28+$0x0], $0xffff  }
0x231: {  	v0 =	vadd.f32 v6, v0;
	v6 =	vmul.f32 v9, v14;
	v9 =	vld.idx.msk [tilespmem:v11+s29+$0x0], $0xffff;
	v11 =	vor.u32 $0x29, v5  }
0x232: {  	v14 =	vld.idx.msk [tilespmem:v8+s28+$0x0], $0xffff  }
0x233: {  	v0 =	vadd.f32 v6, v0;
	v6 =	vmul.f32 v7, v15;
	v7 =	vld.idx.msk [tilespmem:v8+s29+$0x0], $0xffff;
	v8 =	vor.u32 $0x2A, v5  }
0x234: {  	v15 =	vld.idx.msk [tilespmem:v12+s28+$0x0], $0xffff  }
0x235: {  	v0 =	vadd.f32 v6, v0;
	v6 =	vmul.f32 v10, v16;
	v10 =	vld.idx.msk [tilespmem:v12+s29+$0x0], $0xffff;
	v12 =	vor.u32 $0x2B, v5  }
0x236: {  	v16 =	vld.idx.msk [tilespmem:v11+s28+$0x0], $0xffff  }
0x237: {  	v0 =	vadd.f32 v6, v0;
	v6 =	vmul.f32 v9, v13;
	v9 =	vld.idx.msk [tilespmem:v11+s29+$0x0], $0xffff;
	v11 =	vor.u32 $0x2C, v5  }
0x238: {  	v17 =	vor.u32 $0x2D, v5;
	v13 =	vld.idx.msk [tilespmem:v8+s28+$0x0], $0xffff  }
0x239: {  	v0 =	vadd.f32 v6, v0;
	v6 =	vmul.f32 v7, v14;
	v7 =	vld.idx.msk [tilespmem:v8+s29+$0x0], $0xffff;
	v8 =	vand.u32 $0x7FFFFF, v3  }
0x23a: {  	v18 =	vor.u32 $0x2E, v5;
	v14 =	vld.idx.msk [tilespmem:v12+s28+$0x0], $0xffff;
	v8 =	vor.u32 $0x3F800000, v8  }
0x23b: {  	v0 =	vadd.f32 v6, v0;
	v6 =	vmul.f32 v10, v15;
	v10 =	vld.idx.msk [tilespmem:v12+s29+$0x0], $0xffff;
	v12 =	vmul.f32 $5.000000000e-01, v8  }
0x23c: {  	v19 =	vor.u32 $0x2F, v5;
	vm0 =	vge.f32 v8, $1.414213540e+00;
	v15 =	vld.idx.msk [tilespmem:v11+s28+$0x0], $0xffff  }
0x23d: {  	v0 =	vadd.f32 v6, v0;
	v6 =	vmul.f32 v9, v16;
	v9 =	vld.idx.msk [tilespmem:v11+s29+$0x0], $0xffff;
	v8 =	vsel vm0, v12, v8  }
0x23e: {  	v11 =	vld.idx.msk [tilespmem:v17+s28+$0x0], $0xffff;
	v12 =	vadd.f32 $1.000000000e+00, v8  }
0x23f: {  	v0 =	vadd.f32 v6, v0;
	v6 =	vmul.f32 v7, v13;
	v13 =	vor.u32 $0x30, v5;
	v7 =	vld.idx.msk [tilespmem:v17+s29+$0x0], $0xffff  }
0x240: {  	v16 =	vld.idx.msk [tilespmem:v18+s28+$0x0], $0xffff;
	(erf) = vrcp.f32 v12  }
0x241: {  	v0 =	vadd.f32 v6, v0;
	v6 =	vmul.f32 v10, v14;
	v12 =	vor.u32 $0x31, v5;
	v10 =	vld.idx.msk [tilespmem:v18+s29+$0x0], $0xffff  }
0x242: {  	v14 =	vld.idx.msk [tilespmem:v19+s28+$0x0], $0xffff  }
0x243: {  	v0 =	vadd.f32 v6, v0;
	v6 =	vmul.f32 v9, v15;
	v15 =	vor.u32 $0x32, v5;
	v9 =	vld.idx.msk [tilespmem:v19+s29+$0x0], $0xffff  }
0x244: {  	v17 =	vld.idx.msk [tilespmem:v13+s28+$0x0], $0xffff  }
0x245: {  	v0 =	vadd.f32 v6, v0;
	v6 =	vmul.f32 v7, v11;
	v11 =	vor.u32 $0x33, v5;
	v7 =	vld.idx.msk [tilespmem:v13+s29+$0x0], $0xffff  }
0x246: {  	v13 =	vld.idx.msk [tilespmem:v12+s28+$0x0], $0xffff  }
0x247: {  	v0 =	vadd.f32 v6, v0;
	v6 =	vmul.f32 v10, v16;
	v10 =	vld.idx.msk [tilespmem:v12+s29+$0x0], $0xffff;
	v12 =	vor.u32 $0x34, v5  }
0x248: {  	v8 =	vadd.f32 $-1.000000000e+00, v8;
	v16 =	vld.idx.msk [tilespmem:v15+s28+$0x0], $0xffff  }
0x249: {  	v0 =	vadd.f32 v6, v0;
	v6 =	vmul.f32 v9, v14;
	v14 =	vor.u32 $0x35, v5;
	v9 =	vld.idx.msk [tilespmem:v15+s29+$0x0], $0xffff;
	v15 =	vpop (erf)  }
0x24a: {  	v18 =	vld.idx.msk [tilespmem:v11+s28+$0x0], $0xffff;
	v8 =	vmul.f32 v15, v8  }
0x24b: {  	v0 =	vadd.f32 v6, v0;
	v6 =	vmul.f32 v7, v17;
	v7 =	vld.idx.msk [tilespmem:v11+s29+$0x0], $0xffff;
	v11 =	vor.u32 $0x36, v5  }
0x24c: {  	v15 =	vld.idx.msk [tilespmem:v12+s28+$0x0], $0xffff;
	v17 =	vmul.f32 v8, v8  }
0x24d: {  	v0 =	vadd.f32 v6, v0;
	v6 =	vmul.f32 v10, v13;
	v10 =	vld.idx.msk [tilespmem:v12+s29+$0x0], $0xffff;
	v12 =	vor.u32 $0x37, v5  }
0x24e: {  	v13 =	vld.idx.msk [tilespmem:v14+s28+$0x0], $0xffff;
	v19 =	vmul.f32 $1.111111120e-01, v17  }
0x24f: {  	v0 =	vadd.f32 v6, v0;
	v6 =	vmul.f32 v9, v16;
	v9 =	vld.idx.msk [tilespmem:v14+s29+$0x0], $0xffff;
	v14 =	vor.u32 $0x38, v5  }
0x250: {  	v16 =	vld.idx.msk [tilespmem:v11+s28+$0x0], $0xffff;
	v19 =	vadd.f32 $1.428571490e-01, v19  }
0x251: {  	v0 =	vadd.f32 v6, v0;
	v6 =	vmul.f32 v7, v18;
	v7 =	vld.idx.msk [tilespmem:v11+s29+$0x0], $0xffff;
	v11 =	vor.u32 $0x39, v5  }
0x252: {  	v18 =	vld.idx.msk [tilespmem:v12+s28+$0x0], $0xffff;
	v19 =	vmul.f32 v19, v17  }
0x253: {  	v0 =	vadd.f32 v6, v0;
	v6 =	vmul.f32 v10, v15;
	v10 =	vld.idx.msk [tilespmem:v12+s29+$0x0], $0xffff;
	v12 =	vor.u32 $0x3A, v5  }
0x254: {  	v15 =	vld.idx.msk [tilespmem:v14+s28+$0x0], $0xffff;
	v19 =	vadd.f32 $2.000000030e-01, v19  }
0x255: {  	v0 =	vadd.f32 v6, v0;
	v6 =	vmul.f32 v9, v13;
	v13 =	vor.u32 $0x3B, v5;
	v9 =	vld.idx.msk [tilespmem:v14+s29+$0x0], $0xffff  }
0x256: {  	v14 =	vld.idx.msk [tilespmem:v11+s28+$0x0], $0xffff;
	v19 =	vmul.f32 v19, v17  }
0x257: {  	v0 =	vadd.f32 v6, v0;
	v6 =	vmul.f32 v7, v16;
	v16 =	vor.u32 $0x3C, v5;
	v11 =	vld.idx.msk [tilespmem:v11+s29+$0x0], $0xffff  }
0x258: {  	v21 =	vor.u32 $0x3E, v5;
	v20 =	vld.idx.msk [tilespmem:v12+s28+$0x0], $0xffff;
	v7 =	vadd.f32 $3.333333430e-01, v19  }
0x259: {  	v0 =	vadd.f32 v6, v0;
	v6 =	vmul.f32 v10, v18;
	v18 =	vor.u32 $0x3D, v5;
	v12 =	vld.idx.msk [tilespmem:v12+s29+$0x0], $0xffff  }
0x25a: {  	v22 =	vsel vm0, $0xFFFFFF82, v2;
	v10 =	vshra.s32 v3, $0x17;
	v19 =	vld.idx.msk [tilespmem:v13+s28+$0x0], $0xffff;
	v17 =	vmul.f32 v7, v17  }
0x25b: {  	v0 =	vadd.f32 v6, v0;
	v6 =	vmul.f32 v9, v15;
	v9 =	vadd.s32 v10, v22;
	v13 =	vld.idx.msk [tilespmem:v13+s29+$0x0], $0xffff  }
0x25c: {  	v15 =	vadd.f32 v8, v8;
	v9 =	vcvt.s32.f32 v9;
	v7 =	vld.idx.msk [tilespmem:v16+s28+$0x0], $0xffff;
	v22 =	vadd.f32 $1.000000000e+00, v17  }
.Ltmp0:
0x25d: {  	v0 =	vadd.f32 v6, v0;
	v6 =	vmul.f32 v11, v14;
	v17 =	vor.u32 $0x3F, v5;
	v10 =	vld.idx.msk [tilespmem:v16+s29+$0x0], $0xffff;
	(pc) =	sbr.rel @p1 .LBB2_2-.Ltmp0, $4  }
0x25e: {  	v14 =	vmul.f32 $6.931471820e-01, v9;
	v8 =	vld.idx.msk [tilespmem:v18+s28+$0x0], $0xffff;
	v5 =	vmul.f32 v22, v15  }
0x25f: {  	v9 =	vmov s9;
	v0 =	vadd.f32 v6, v0;
	v12 =	vmul.f32 v12, v20;
	v11 =	vld.idx.msk [tilespmem:v18+s29+$0x0], $0xffff  }
0x260: {  	v15 =	vshll.u32 v9, $0x6;
	v9 =	vld.idx.msk [tilespmem:v21+s28+$0x0], $0xffff;
	v6 =	vadd.f32 v5, v14  }
0x261: {  	s9 =	sadd.s32 $0x10, s9;
	v5 =	vor.u32 v1, v15;
	v15 =	vadd.f32 v12, v0;
	v16 =	vmul.f32 v13, v19;
	v12 =	vld.idx.msk [tilespmem:v21+s29+$0x0], $0xffff  }
0x262: {  	_ =	sdelay $0x2  }
0x263: {  	v0 =	vor.u32 $0x3, v5  }
0x264: {  	v13 =	vor.u32 $0x1, v5;
	v14 =	vld.idx.msk [tilespmem:v17+s28+$0x0], $0xffff  }
0x265: {  	v18 =	vld.idx.msk [tilespmem:v5+s28+$0x0], $0xffff  }
0x266: {  	v19 =	vor.u32 $0x2, v5;
	v20 =	vld.idx.msk [tilespmem:v5+s29+$0x0], $0xffff  }
0x267: {  	v17 =	vld.idx.msk [tilespmem:v17+s29+$0x0], $0xffff  }
0x268: {  	v21 =	vld.idx.msk [tilespmem:v0+s28+$0x0], $0xffff  }
0x269: {  	v22 =	vld.idx.msk [tilespmem:v13+s28+$0x0], $0xffff  }
0x26a: {  	v24 =	vor.u32 $0x4, v5;
	v23 =	vld.idx.msk [tilespmem:v13+s29+$0x0], $0xffff  }
0x26b: {  	v25 =	vld.idx.msk [tilespmem:v19+s28+$0x0], $0xffff  }
0x26c: {  	v26 =	vor.u32 $0x5, v5;
	v19 =	vld.idx.msk [tilespmem:v19+s29+$0x0], $0xffff  }
0x26d: {  	s8 =	sadd.s32 $0x10, s8;
	v0 =	vld.idx.msk [tilespmem:v0+s29+$0x0], $0xffff;
	v18 =	vmul.f32 v20, v18  }
0x26e: {  	v58 =	vor.u32 $0x6, v5;
	v13 =	vld [tilespmem:s8+$0x0]  }
0x26f: {  	v27 =	vld.idx.msk [tilespmem:v24+s28+$0x0], $0xffff;
	v18 =	vadd.f32 $0.0e+00, v18;
	v22 =	vmul.f32 v23, v22  }
0x270: {  	v60 =	vor.u32 $0x7, v5;
	v59 =	vld.idx.msk [tilespmem:v24+s29+$0x0], $0xffff  }
0x271: {  	v28 =	vld.idx.msk [tilespmem:v26+s28+$0x0], $0xffff;
	v19 =	vmul.f32 v19, v25;
	v18 =	vadd.f32 v22, v18  }
0x272: {  	v61 =	vor.u32 $0x8, v5;
	v62 =	vld.idx.msk [tilespmem:v26+s29+$0x0], $0xffff  }
0x273: {  	v63 =	vld.idx.msk [tilespmem:v58+s28+$0x0], $0xffff;
	v0 =	vmul.f32 v0, v21;
	v18 =	vadd.f32 v19, v18  }
0x274: {  	v32 =	vor.u32 $0x9, v5;
	v20 =	vld.idx.msk [tilespmem:v58+s29+$0x0], $0xffff  }
0x275: {  	v33 =	vld.idx.msk [tilespmem:v60+s28+$0x0], $0xffff;
	v34 =	vmul.f32 v59, v27;
	v0 =	vadd.f32 v0, v18  }
0x276: {  	v36 =	vor.u32 $0xA, v5;
	v35 =	vld.idx.msk [tilespmem:v60+s29+$0x0], $0xffff  }
0x277: {  	v37 =	vld.idx.msk [tilespmem:v61+s28+$0x0], $0xffff;
	v38 =	vmul.f32 v62, v28;
	v0 =	vadd.f32 v34, v0  }
0x278: {  	v39 =	vor.u32 $0xB, v5;
	v22 =	vld.idx.msk [tilespmem:v61+s29+$0x0], $0xffff  }
0x279: {  	v40 =	vld.idx.msk [tilespmem:v32+s28+$0x0], $0xffff;
	v41 =	vmul.f32 v20, v63;
	v0 =	vadd.f32 v38, v0  }
0x27a: {  	v42 =	vor.u32 $0xC, v5;
	v19 =	vld.idx.msk [tilespmem:v32+s29+$0x0], $0xffff  }
0x27b: {  	v43 =	vld.idx.msk [tilespmem:v36+s28+$0x0], $0xffff;
	v44 =	vmul.f32 v35, v33;
	v0 =	vadd.f32 v41, v0  }
0x27c: {  	v46 =	vor.u32 $0xD, v5;
	v45 =	vld.idx.msk [tilespmem:v36+s29+$0x0], $0xffff  }
0x27d: {  	v47 =	vld.idx.msk [tilespmem:v39+s28+$0x0], $0xffff;
	v48 =	vmul.f32 v22, v37;
	v0 =	vadd.f32 v44, v0  }
0x27e: {  	v50 =	vor.u32 $0xE, v5;
	v49 =	vld.idx.msk [tilespmem:v39+s29+$0x0], $0xffff  }
0x27f: {  	v51 =	vld.idx.msk [tilespmem:v42+s28+$0x0], $0xffff;
	v52 =	vmul.f32 v19, v40;
	v0 =	vadd.f32 v48, v0  }
0x280: {  	v54 =	vor.u32 $0xF, v5;
	v53 =	vld.idx.msk [tilespmem:v42+s29+$0x0], $0xffff  }
0x281: {  	v55 =	vld.idx.msk [tilespmem:v46+s28+$0x0], $0xffff;
	v56 =	vmul.f32 v45, v43;
	v0 =	vadd.f32 v52, v0  }
0x282: {  	v57 =	vld.idx.msk [tilespmem:v46+s29+$0x0], $0xffff;
	v58 =	vor.u32 $0x10, v5  }
0x283: {  	v59 =	vld.idx.msk [tilespmem:v50+s28+$0x0], $0xffff;
	v60 =	vmul.f32 v49, v47;
	v0 =	vadd.f32 v56, v0  }
0x284: {  	v62 =	vor.u32 $0x11, v5;
	v61 =	vld.idx.msk [tilespmem:v50+s29+$0x0], $0xffff  }
0x285: {  	v63 =	vld.idx.msk [tilespmem:v54+s28+$0x0], $0xffff;
	v32 =	vmul.f32 v53, v51;
	v0 =	vadd.f32 v60, v0  }
0x286: {  	v33 =	vld.idx.msk [tilespmem:v54+s29+$0x0], $0xffff;
	v34 =	vor.u32 $0x12, v5  }
0x287: {  	v35 =	vld.idx.msk [tilespmem:v58+s28+$0x0], $0xffff;
	v36 =	vmul.f32 v57, v55;
	v0 =	vadd.f32 v32, v0  }
0x288: {  	v37 =	vld.idx.msk [tilespmem:v58+s29+$0x0], $0xffff;
	v38 =	vor.u32 $0x13, v5  }
0x289: {  	v39 =	vld.idx.msk [tilespmem:v62+s28+$0x0], $0xffff;
	v40 =	vmul.f32 v61, v59;
	v0 =	vadd.f32 v36, v0  }
0x28a: {  	v42 =	vor.u32 $0x14, v5;
	v41 =	vld.idx.msk [tilespmem:v62+s29+$0x0], $0xffff  }
0x28b: {  	v43 =	vld.idx.msk [tilespmem:v34+s28+$0x0], $0xffff;
	v44 =	vmul.f32 v33, v63;
	v0 =	vadd.f32 v40, v0  }
0x28c: {  	v46 =	vor.u32 $0x15, v5;
	v45 =	vld.idx.msk [tilespmem:v34+s29+$0x0], $0xffff  }
0x28d: {  	v47 =	vld.idx.msk [tilespmem:v38+s28+$0x0], $0xffff;
	v48 =	vmul.f32 v37, v35;
	v0 =	vadd.f32 v44, v0  }
0x28e: {  	v50 =	vor.u32 $0x16, v5;
	v49 =	vld.idx.msk [tilespmem:v38+s29+$0x0], $0xffff  }
0x28f: {  	v51 =	vld.idx.msk [tilespmem:v42+s28+$0x0], $0xffff;
	v52 =	vmul.f32 v41, v39;
	v0 =	vadd.f32 v48, v0  }
0x290: {  	v54 =	vor.u32 $0x17, v5;
	v53 =	vld.idx.msk [tilespmem:v42+s29+$0x0], $0xffff  }
0x291: {  	v55 =	vld.idx.msk [tilespmem:v46+s28+$0x0], $0xffff;
	v56 =	vmul.f32 v45, v43;
	v0 =	vadd.f32 v52, v0  }
0x292: {  	v57 =	vld.idx.msk [tilespmem:v46+s29+$0x0], $0xffff;
	v58 =	vor.u32 $0x18, v5  }
0x293: {  	v59 =	vld.idx.msk [tilespmem:v50+s28+$0x0], $0xffff;
	v60 =	vmul.f32 v49, v47;
	v0 =	vadd.f32 v56, v0  }
0x294: {  	v61 =	vld.idx.msk [tilespmem:v50+s29+$0x0], $0xffff;
	v62 =	vor.u32 $0x19, v5  }
0x295: {  	v63 =	vld.idx.msk [tilespmem:v54+s28+$0x0], $0xffff;
	v32 =	vmul.f32 v53, v51;
	v0 =	vadd.f32 v60, v0  }
0x296: {  	v34 =	vor.u32 $0x1A, v5;
	v33 =	vld.idx.msk [tilespmem:v54+s29+$0x0], $0xffff  }
0x297: {  	v35 =	vld.idx.msk [tilespmem:v58+s28+$0x0], $0xffff;
	v36 =	vmul.f32 v57, v55;
	v0 =	vadd.f32 v32, v0  }
0x298: {  	v38 =	vor.u32 $0x1B, v5;
	v37 =	vld.idx.msk [tilespmem:v58+s29+$0x0], $0xffff  }
0x299: {  	v39 =	vld.idx.msk [tilespmem:v62+s28+$0x0], $0xffff;
	v40 =	vmul.f32 v61, v59;
	v0 =	vadd.f32 v36, v0  }
0x29a: {  	v42 =	vor.u32 $0x1C, v5;
	v41 =	vld.idx.msk [tilespmem:v62+s29+$0x0], $0xffff  }
0x29b: {  	v43 =	vld.idx.msk [tilespmem:v34+s28+$0x0], $0xffff;
	v44 =	vmul.f32 v33, v63;
	v0 =	vadd.f32 v40, v0  }
0x29c: {  	v46 =	vor.u32 $0x1D, v5;
	v45 =	vld.idx.msk [tilespmem:v34+s29+$0x0], $0xffff  }
0x29d: {  	v47 =	vld.idx.msk [tilespmem:v38+s28+$0x0], $0xffff;
	v48 =	vmul.f32 v37, v35;
	v0 =	vadd.f32 v44, v0  }
0x29e: {  	v50 =	vor.u32 $0x1E, v5;
	v49 =	vld.idx.msk [tilespmem:v38+s29+$0x0], $0xffff  }
0x29f: {  	v51 =	vld.idx.msk [tilespmem:v42+s28+$0x0], $0xffff;
	v52 =	vmul.f32 v41, v39;
	v0 =	vadd.f32 v48, v0  }
0x2a0: {  	v54 =	vor.u32 $0x1F, v5;
	v53 =	vld.idx.msk [tilespmem:v42+s29+$0x0], $0xffff  }
0x2a1: {  	v55 =	vld.idx.msk [tilespmem:v46+s28+$0x0], $0xffff;
	v56 =	vmul.f32 v45, v43;
	v0 =	vadd.f32 v52, v0  }
0x2a2: {  	v58 =	vor.u32 $0x20, v5;
	v57 =	vld.idx.msk [tilespmem:v46+s29+$0x0], $0xffff  }
0x2a3: {  	v59 =	vld.idx.msk [tilespmem:v50+s28+$0x0], $0xffff;
	v60 =	vmul.f32 v49, v47;
	v0 =	vadd.f32 v56, v0  }
0x2a4: {  	v62 =	vor.u32 $0x21, v5;
	v61 =	vld.idx.msk [tilespmem:v50+s29+$0x0], $0xffff  }
0x2a5: {  	v63 =	vld.idx.msk [tilespmem:v54+s28+$0x0], $0xffff;
	v32 =	vmul.f32 v53, v51;
	v0 =	vadd.f32 v60, v0  }
0x2a6: {  	v34 =	vor.u32 $0x22, v5;
	v33 =	vld.idx.msk [tilespmem:v54+s29+$0x0], $0xffff  }
0x2a7: {  	v35 =	vld.idx.msk [tilespmem:v58+s28+$0x0], $0xffff;
	v36 =	vmul.f32 v57, v55;
	v0 =	vadd.f32 v32, v0  }
0x2a8: {  	v38 =	vor.u32 $0x23, v5;
	v37 =	vld.idx.msk [tilespmem:v58+s29+$0x0], $0xffff  }
0x2a9: {  	v39 =	vld.idx.msk [tilespmem:v62+s28+$0x0], $0xffff;
	v40 =	vmul.f32 v61, v59;
	v0 =	vadd.f32 v36, v0  }
0x2aa: {  	v42 =	vor.u32 $0x24, v5;
	v41 =	vld.idx.msk [tilespmem:v62+s29+$0x0], $0xffff  }
0x2ab: {  	v43 =	vld.idx.msk [tilespmem:v34+s28+$0x0], $0xffff;
	v44 =	vmul.f32 v33, v63;
	v0 =	vadd.f32 v40, v0  }
0x2ac: {  	v46 =	vor.u32 $0x25, v5;
	v45 =	vld.idx.msk [tilespmem:v34+s29+$0x0], $0xffff  }
0x2ad: {  	v47 =	vld.idx.msk [tilespmem:v38+s28+$0x0], $0xffff;
	v48 =	vmul.f32 v37, v35;
	v0 =	vadd.f32 v44, v0  }
0x2ae: {  	v50 =	vor.u32 $0x26, v5;
	v49 =	vld.idx.msk [tilespmem:v38+s29+$0x0], $0xffff  }
0x2af: {  	v51 =	vld.idx.msk [tilespmem:v42+s28+$0x0], $0xffff;
	v52 =	vmul.f32 v41, v39;
	v0 =	vadd.f32 v48, v0  }
0x2b0: {  	v54 =	vor.u32 $0x27, v5;
	v53 =	vld.idx.msk [tilespmem:v42+s29+$0x0], $0xffff  }
0x2b1: {  	v55 =	vld.idx.msk [tilespmem:v46+s28+$0x0], $0xffff;
	v56 =	vmul.f32 v45, v43;
	v0 =	vadd.f32 v52, v0  }
0x2b2: {  	v58 =	vor.u32 $0x28, v5;
	v57 =	vld.idx.msk [tilespmem:v46+s29+$0x0], $0xffff  }
0x2b3: {  	v59 =	vld.idx.msk [tilespmem:v50+s28+$0x0], $0xffff;
	v60 =	vmul.f32 v49, v47;
	v0 =	vadd.f32 v56, v0  }
0x2b4: {  	v62 =	vor.u32 $0x29, v5;
	v61 =	vld.idx.msk [tilespmem:v50+s29+$0x0], $0xffff  }
0x2b5: {  	v31 =	vmul.f32 v53, v51;
	v63 =	vld.idx.msk [tilespmem:v54+s28+$0x0], $0xffff;
	v0 =	vadd.f32 v60, v0  }
0x2b6: {  	v33 =	vor.u32 $0x2A, v5;
	v32 =	vld.idx.msk [tilespmem:v54+s29+$0x0], $0xffff  }
0x2b7: {  	v34 =	vld.idx.msk [tilespmem:v58+s28+$0x0], $0xffff;
	v35 =	vmul.f32 v57, v55;
	v0 =	vadd.f32 v31, v0  }
0x2b8: {  	v37 =	vor.u32 $0x2B, v5;
	v36 =	vld.idx.msk [tilespmem:v58+s29+$0x0], $0xffff  }
0x2b9: {  	v38 =	vld.idx.msk [tilespmem:v62+s28+$0x0], $0xffff;
	v39 =	vmul.f32 v61, v59;
	v43 =	vand.u32 $0x7FFFFF, v13;
	v0 =	vadd.f32 v35, v0  }
0x2ba: {  	v24 =	vld.idx.msk [tilespmem:v62+s29+$0x0], $0xffff;
	v41 =	vor.u32 $0x2C, v5;
	v19 =	vor.u32 $0x3F800000, v43  }
0x2bb: {  	v29 =	vld.idx.msk [tilespmem:v33+s28+$0x0], $0xffff;
	v40 =	vadd.f32 $-4.605170250e+00, v6;
	v42 =	vmul.f32 v32, v63;
	v0 =	vadd.f32 v39, v0  }
0x2bc: {  	v20 =	vld.idx.msk [tilespmem:v33+s29+$0x0], $0xffff;
	v46 =	vmul.f32 $5.000000000e-01, v19;
	vm0 =	vge.f32 v19, $1.414213540e+00;
	v44 =	vor.u32 $0x2D, v5  }
0x2bd: {  	v30 =	vld.idx.msk [tilespmem:v37+s28+$0x0], $0xffff;
	v22 =	vmul.f32 $7.500000000e-01, v40;
	v45 =	vmul.f32 v36, v34;
	v0 =	vadd.f32 v42, v0  }
0x2be: {  	v23 =	vld.idx.msk [tilespmem:v37+s29+$0x0], $0xffff;
	v47 =	vor.u32 $0x2E, v5;
	v19 =	vsel vm0, v46, v19  }
0x2bf: {  	v50 =	vld.idx.msk [tilespmem:v41+s29+$0x0], $0xffff;
	v22 =	vmul.f32 $1.442695020e+00, v22;
	v48 =	vmul.f32 v24, v38;
	v0 =	vadd.f32 v45, v0  }
0x2c0: {  	v49 =	vor.u32 $0x2F, v5;
	v51 =	vadd.f32 $1.000000000e+00, v19;
	v31 =	vld.idx.msk [tilespmem:v41+s28+$0x0], $0xffff  }
0x2c1: {  	v53 =	vmul.f32 v20, v29;
	(erf) = vpow2.f32 v22;
	v52 =	vld.idx.msk [tilespmem:v44+s28+$0x0], $0xffff;
	v0 =	vadd.f32 v48, v0  }
0x2c2: {  	v55 =	vor.u32 $0x30, v5;
	v54 =	vld.idx.msk [tilespmem:v44+s29+$0x0], $0xffff;
	(erf) = vrcp.f32 v51  }
0x2c3: {  	v57 =	vmul.f32 v23, v30;
	v58 =	vld.idx.msk [tilespmem:v47+s29+$0x0], $0xffff;
	v0 =	vadd.f32 v53, v0  }
0x2c4: {  	v59 =	vor.u32 $0x31, v5;
	v56 =	vld.idx.msk [tilespmem:v47+s28+$0x0], $0xffff  }
0x2c5: {  	v21 =	vld.idx.msk [tilespmem:v49+s29+$0x0], $0xffff;
	v61 =	vmul.f32 v50, v31;
	v0 =	vadd.f32 v57, v0  }
0x2c6: {  	v62 =	vor.u32 $0x32, v5;
	v60 =	vld.idx.msk [tilespmem:v49+s28+$0x0], $0xffff  }
0x2c7: {  	v63 =	vld.idx.msk [tilespmem:v55+s28+$0x0], $0xffff;
	v33 =	vmul.f32 v54, v52;
	v0 =	vadd.f32 v61, v0  }
0x2c8: {  	v34 =	vld.idx.msk [tilespmem:v55+s29+$0x0], $0xffff;
	v35 =	vor.u32 $0x33, v5  }
0x2c9: {  	v36 =	vld.idx.msk [tilespmem:v59+s28+$0x0], $0xffff;
	v37 =	vmul.f32 v58, v56;
	v0 =	vadd.f32 v33, v0  }
0x2ca: {  	v19 =	vadd.f32 $-1.000000000e+00, v19;
	v38 =	vld.idx.msk [tilespmem:v59+s29+$0x0], $0xffff;
	v23 =	vpop (erf);
	v39 =	vor.u32 $0x34, v5  }
0x2cb: {  	v40 =	vld.idx.msk [tilespmem:v62+s28+$0x0], $0xffff;
	v41 =	vmul.f32 v21, v60;
	v42 =	vpop (erf);
	v0 =	vadd.f32 v37, v0  }
0x2cc: {  	v43 =	vor.u32 $0x35, v5;
	v24 =	vld.idx.msk [tilespmem:v62+s29+$0x0], $0xffff;
	v19 =	vmul.f32 v42, v19  }
0x2cd: {  	v44 =	vld.idx.msk [tilespmem:v35+s28+$0x0], $0xffff;
	v45 =	vmul.f32 v34, v63;
	v0 =	vadd.f32 v41, v0  }
0x2ce: {  	v47 =	vor.u32 $0x36, v5;
	v46 =	vld.idx.msk [tilespmem:v35+s29+$0x0], $0xffff;
	v48 =	vmul.f32 v19, v19  }
0x2cf: {  	v50 =	vmul.f32 v38, v36;
	v49 =	vld.idx.msk [tilespmem:v39+s28+$0x0], $0xffff;
	v0 =	vadd.f32 v45, v0  }
0x2d0: {  	v52 =	vor.u32 $0x37, v5;
	v51 =	vld.idx.msk [tilespmem:v39+s29+$0x0], $0xffff;
	v53 =	vmul.f32 $1.111111120e-01, v48  }
0x2d1: {  	v28 =	vld.idx.msk [tilespmem:v43+s29+$0x0], $0xffff;
	v54 =	vmul.f32 v24, v40;
	v0 =	vadd.f32 v50, v0  }
0x2d2: {  	v55 =	vld.idx.msk [tilespmem:v43+s28+$0x0], $0xffff;
	v56 =	vor.u32 $0x38, v5;
	v27 =	vadd.f32 $1.428571490e-01, v53  }
0x2d3: {  	v22 =	vld.idx.msk [tilespmem:v47+s29+$0x0], $0xffff;
	v20 =	vmul.f32 v46, v44;
	v0 =	vadd.f32 v54, v0  }
0x2d4: {  	v58 =	vor.u32 $0x39, v5;
	v57 =	vld.idx.msk [tilespmem:v47+s28+$0x0], $0xffff;
	v27 =	vmul.f32 v27, v48  }
0x2d5: {  	v59 =	vld.idx.msk [tilespmem:v52+s28+$0x0], $0xffff;
	v25 =	vmul.f32 v51, v49;
	v0 =	vadd.f32 v20, v0  }
0x2d6: {  	v60 =	vor.u32 $0x3A, v5;
	v26 =	vld.idx.msk [tilespmem:v52+s29+$0x0], $0xffff;
	v27 =	vadd.f32 $2.000000030e-01, v27  }
0x2d7: {  	v24 =	vmul.f32 v28, v55;
	v18 =	vld.idx.msk [tilespmem:v56+s29+$0x0], $0xffff;
	v0 =	vadd.f32 v25, v0  }
0x2d8: {  	v62 =	vor.u32 $0x3B, v5;
	v61 =	vld.idx.msk [tilespmem:v56+s28+$0x0], $0xffff;
	v27 =	vmul.f32 v27, v48  }
0x2d9: {  	v63 =	vld.idx.msk [tilespmem:v58+s28+$0x0], $0xffff;
	v21 =	vmul.f32 v22, v57;
	v0 =	vadd.f32 v24, v0  }
0x2da: {  	v36 =	vshra.s32 v13, $0x17;
	v33 =	vor.u32 $0x3C, v5;
	v27 =	vadd.f32 $3.333333430e-01, v27;
	v20 =	vld.idx.msk [tilespmem:v58+s29+$0x0], $0xffff  }
0x2db: {  	v38 =	vor.u32 $0x3E, v5;
	v34 =	vld.idx.msk [tilespmem:v60+s28+$0x0], $0xffff;
	v26 =	vmul.f32 v26, v59;
	v0 =	vadd.f32 v21, v0  }
0x2dc: {  	v35 =	vor.u32 $0x3D, v5;
	v37 =	vsel vm0, $0xFFFFFF82, v2;
	v27 =	vmul.f32 v27, v48;
	v25 =	vld.idx.msk [tilespmem:v60+s29+$0x0], $0xffff  }
0x2dd: {  	v39 =	vld.idx.msk [tilespmem:v62+s28+$0x0], $0xffff;
	v18 =	vmul.f32 v18, v61;
	v0 =	vadd.f32 v26, v0;
	v26 =	vadd.s32 v36, v37  }
0x2de: {  	v19 =	vadd.f32 v19, v19;
	v27 =	vadd.f32 $1.000000000e+00, v27;
	v24 =	vld.idx.msk [tilespmem:v62+s29+$0x0], $0xffff;
	v26 =	vcvt.s32.f32 v26  }
0x2df: {  	v41 =	vld.idx.msk [tilespmem:v33+s28+$0x0], $0xffff;
	v40 =	vmul.f32 v20, v63;
	v0 =	vadd.f32 v18, v0  }
0x2e0: {  	v42 =	vor.u32 $0x3F, v5;
	v19 =	vmul.f32 v27, v19;
	v21 =	vld.idx.msk [tilespmem:v33+s29+$0x0], $0xffff;
	v43 =	vmul.f32 $6.931471820e-01, v26  }
0x2e1: {  	v47 =	vld.idx.msk [tilespmem:v35+s29+$0x0], $0xffff;
	v44 =	vmul.f32 v25, v34;
	v0 =	vadd.f32 v40, v0  }
0x2e2: {  	v7 =	vmul.f32 v10, v7;
	v15 =	vadd.f32 v16, v15;
	v45 =	vld.idx.msk [tilespmem:v35+s28+$0x0], $0xffff;
	v46 =	vadd.f32 v19, v43  }
0x2e3: {  	v49 =	vld.idx.msk [tilespmem:v38+s28+$0x0], $0xffff;
	v48 =	vmul.f32 v24, v39;
	v0 =	vadd.f32 v44, v0  }
0x2e4: {  	v8 =	vmul.f32 v11, v8;
	v7 =	vadd.f32 v7, v15;
	v50 =	vld.idx.msk [tilespmem:v38+s29+$0x0], $0xffff;
	v51 =	vadd.f32 $-4.605170250e+00, v46  }
0x2e5: {  	v53 =	vld.idx.msk [tilespmem:v42+s28+$0x0], $0xffff;
	v52 =	vmul.f32 v21, v41;
	v0 =	vadd.f32 v48, v0  }
0x2e6: {  	v7 =	vadd.f32 v8, v7;
	v5 =	vld.idx.msk [tilespmem:v42+s29+$0x0], $0xffff;
	v55 =	vmul.f32 $7.500000000e-01, v51  }
0x2e7: {  	s3 =	sadd.s32 $0x10, s3;
	v54 =	vmul.f32 v12, v9;
	v56 =	vmul.f32 v47, v45;
	v0 =	vadd.f32 v52, v0  }
0x2e8: {  	s0 =	sadd.s32 $0x10, s0;
	v14 =	vmul.f32 v17, v14;
	v57 =	vld [tilespmem:s3+$0x0];
	v58 =	vmul.f32 $1.442695020e+00, v55  }
0x2e9: {  	v59 =	vld [tilespmem:s0+$0x0];
	s3 =	sadd.s32 $0x10, s3;
	v7 =	vadd.f32 v54, v7;
	v11 =	vmul.f32 v50, v49;
	v0 =	vadd.f32 v56, v0  }
0x2ea: {  	v60 =	vld [tilespmem:s3+$0x0];
	(erf) = vpow2.f32 v58  }
0x2eb: {  	s0 =	sadd.s32 $0x10, s0;
	v5 =	vmul.f32 v5, v53;
	v7 =	vadd.f32 v14, v7;
	v0 =	vadd.f32 v11, v0  }
0x2ec: {  	v61 =	vld [tilespmem:s0+$0x0]  }
0x2ed: {  	v7 =	vadd.f32 v7, v57;
	v0 =	vadd.f32 v5, v0;
	_ =	sdelay $0x1  }
0x2ee: {  	v62 =	vadd.f32 v7, v59;
	v0 =	vadd.f32 v0, v60;
	_ =	sdelay $0x1  }
0x2ef: {  	v5 =	vsub.f32 v62, v6;
	v0 =	vadd.f32 v0, v61  }
0x2f0: {  	v63 =	vmul.f32 $5.000000000e-01, v23  }
0x2f1: {  	vm1 =	vgt.f32 v3, $1.000000000e+02;
	vm13 =	vclass.f32 v5, $0x102;
	v0 =	vsub.f32 v0, v46;
	v3 =	vpop (erf)  }
0x2f2: {  	v6 =	vsel vm1, $0x3F000000, v63;
	v5 =	vsel vm13, $0x0, v5;
	v3 =	vmul.f32 $5.000000000e-01, v3  }
0x2f3: {  	vm15 =	vgt.f32 v13, $1.000000000e+02;
	v6 =	vmul.f32 v6, v5;
	vm14 =	vclass.f32 v0, $0x102  }
0x2f4: {  	v0 =	vsel vm14, $0x0, v0;
	v3 =	vsel vm15, $0x3F000000, v3  }
0x2f5: {  	v5 =	vmul.f32 v6, v5;
	v3 =	vmul.f32 v3, v0;
	_ =	sdelay $0x1  }
0x2f6: {  	v4 =	vadd.f32 v5, v4;
	v0 =	vmul.f32 v3, v0;
	_ =	sdelay $0x1  }
0x2f7: {  	v0 =	vadd.f32 v0, v4;
	_ =	sdelay $0x1  }
0x2f8: {  	[tilespmem:$0x10A00] =	vst v0;
	v0 =	vlaneseq.u32  }
0x2f9: {  	s0 =	simm.s32 @p0 $0x10A00;
	s3 =	simm.s32 @p0 $0x2;
	[tilespmem:$0x10A10] =	vst v0  }
0x2fa: {  	[spmem:s1] =	stream.linear.scatter @p0 [tilespmem:s0], [sflag:$0x2], $0x10, $0x38;
	[tilespmem:$0x10A28] =	vst v63  }
0x2fb: {  	_ =	swait.ge @p0 [sflag:s3], $0x10  }
0x2fc: {  	[sflag:s3] =	ssyncset.done @p0 $0x0  }
0x2fd: {  	[sflag:s3] =	ssyncadd.s32 @p0 $0xFFFFFFF0  }
0x2fe: {  	[bflag:$0x0] =	sbarrier.arrive @p0 $0xFFFF  }
0x2ff: {  	[bflag:$0x0] =	sbarrier.arrive @p0 $0xFFFF  }
0x300: {  	[tilespmem:s0], [sflag:$0x2] =	stream.linear.gather @p0 [spmem:s1], $0x10, $0x38;
	[tilespmem:$0x10A28] =	vst v63  }
0x301: {  	_ =	swait.ge @p0 [sflag:s3], $0x10  }
0x302: {  	[sflag:s3] =	ssyncset.done @p0 $0x0  }
0x303: {  	s8 =	simm.s32 @p0 $0x0;
	[sflag:s3] =	ssyncadd.s32 @p0 $0xFFFFFFF0  }
0x304: {  	[hbm4b:s17+s8] =	stream.linear.scatter @p0 [tilespmem:s0], [sflag:$0x2], $0x10, $0x38;
	[tilespmem:$0x10A28] =	vst v63  }
0x305: {  	_ =	swait.ge @p0 [sflag:s3], $0x10  }
0x306: {  	[sflag:s3] =	ssyncset.done @p0 $0x0  }
0x307: {  	s31 =	sadd.s32 $0x1, s31;
	s0 =	simm.s32 @!p0 $0x10;
	[sflag:s3] =	ssyncadd.s32 @p0 $0xFFFFFFF0  }
0x308: {  	s8 =	simm.s32 @!p0 $0x10A00;
	s3 =	simm.s32 @!p0 $0x10A10;
	[bflag:$0x0] =	sbarrier.arrive @!p0 $0xFFFF  }
0x309: {  	[spmem:s1] =	stream.indirect.scatter.add.f32 @!p0 [tilespmem:s8], [sflag:$0x2], $0x1, s3, s0, $0xb8;
	[tilespmem:$0x10A28] =	vst v63  }
0x30a: {  	p1 =	sne.s32 s31, s18;
	s0 =	simm.s32 @!p0 $0x2  }
.Ltmp1:
0x30b: {  	_ =	swait.ge @!p0 [sflag:s0], $0x10;
	(pc) =	sbr.rel @p1 .LBB2_1-.Ltmp1, $3  }
0x30c: {  	[sflag:s0] =	ssyncset.done @!p0 $0x0  }
0x30d: {  	[sflag:s0] =	ssyncadd.s32 @!p0 $0xFFFFFFF0  }
0x30e: {  	[bflag:$0x0] =	sbarrier.arrive @!p0 $0xFFFF;
	_ =	sdelay $0x1  }
0x30f: {  	_ =	sfence.sel $0x180000  }
0x310: {  	[bflag:$0x0] =	sbarrier.arrive $0xFFFF  }
0x311: {  	_ =	strace $0x9000004A  }
0x312: {  	s0 =	stileid.u32;
	[bflag:$0x2] =	sbarrier.arrive $0xFFFF  }
0x313: {  	p0 =	sne.s32 s0, $0x0;
	s0 =	rddreg [dreg:$0x6]  }
0x314: {  	s0 =	sadd.s32 @!p0 $0x100000, s0  }
0x315: {  	[sflag:s0] =	ssyncadd.tile.s32 @!p0 $0x1;
	_ =	shalt  }
.Lfunc_end2:
_tile_overlayer_lowered:
.L_overlay_start_2:
0x316: {  	(tag) =	ssettag $0x2  }
0x317: {  	s0 =	rddreg [dreg:$0x0];
	s2 =	stileid.u32  }
0x318: {  	s1 =	rddreg [dreg:$0x1];
	p0 =	sne.s32 s2, $0x0  }
0x319: {  	s3 =	rddreg [dreg:$0x2];
	[bflag:$0x3] =	sbarrier.arrive $0xFFFF;
	s2 =	simm.s32 @!p0 $0x1C02  }
0x31a: {  	[timem:s3], [sflag:s2] =	dma.local @!p0 [hbm:s0], s1  }
0x31b: {  	s0 =	simm.s32 @!p0 $0x2  }
0x31c: {  	_ =	swait.ge @!p0 [sflag:s0], s1  }
0x31d: {  	s1 =	ssub.s32 @!p0 $0x0, s1;
	[sflag:s0] =	ssyncset.done @!p0 $0x0  }
0x31e: {  	[sflag:s0] =	ssyncadd.s32 @!p0 s1  }
0x31f: {  	[bflag:$0x3] =	sbarrier.arrive $0xFFFF  }
0x320: {  	_ =	shalt  }

</sc_bundles>
